<compile_context>
chip_gen: v7x
topology: tpu7x:2x2x1
jax: 0.10.2.dev20260603
libtpu: 0.0.44.dev20260713+nightly
codegen_flags: <defaults>
</compile_context>

<pallas_src>
import jax
import jax.numpy as jnp
from jax import lax
from jax.experimental import pallas as pl
from jax.experimental.pallas import tpu as pltpu
from jax.experimental.pallas import tpu_sc as plsc

L = 16
SC_ROWS = 2048


def _sc_part(x, emb, n_rows):
    S, B, D = x.shape
    n_src = emb.shape[0]
    NC, NS = 2, 16
    NW = NC * NS
    rows_per_w = n_rows // NW
    CH = 8
    n_chunks = rows_per_w // CH
    NBUF = 3
    LOOKAHEAD = 2
    rows_per_seg = S // n_src
    d_steps = D // L

    mesh = plsc.VectorSubcoreMesh(core_axis_name="c", subcore_axis_name="s")

    def body(x_hbm, emb_hbm, out_hbm, emb_v, b0, b1, b2, *sems):
        bufs = (b0, b1, b2)
        in_sems = sems[:NBUF]
        out_sems = sems[NBUF:]
        wid = lax.axis_index("s") * NC + lax.axis_index("c")
        base = wid * rows_per_w
        pltpu.sync_copy(emb_hbm, emb_v)

        def compute(buf, seg):
            def d_body(j, _):
                off = pl.multiple_of(j * L, L)
                e = emb_v[seg, pl.ds(off, L)]
                for r in range(CH):
                    for b in range(B):
                        buf[r, b, pl.ds(off, L)] += e
                return 0

            lax.fori_loop(0, d_steps, d_body, 0)

        def in_copy(i, b):
            return pltpu.async_copy(
                x_hbm.at[pl.ds(base + i * CH, CH)], bufs[b], in_sems[b])

        def out_copy(i, b):
            return pltpu.async_copy(
                bufs[b], out_hbm.at[pl.ds(base + i * CH, CH)], out_sems[b])

        in_flight = {}
        out_flight = {}
        for i in range(min(LOOKAHEAD, n_chunks)):
            in_flight[i] = in_copy(i, i % NBUF)
        for i in range(n_chunks):
            b = i % NBUF
            j = i + LOOKAHEAD
            if j < n_chunks:
                if j >= NBUF:
                    out_flight.pop(j - NBUF).wait()
                in_flight[j] = in_copy(j, j % NBUF)
            in_flight.pop(i).wait()
            compute(bufs[b], (base + i * CH) // rows_per_seg)
            out_flight[i] = out_copy(i, b)
        for c in out_flight.values():
            c.wait()

    return pl.kernel(
        body,
        out_type=jax.ShapeDtypeStruct((S, B, D), jnp.float32),
        mesh=mesh,
        scratch_types=[
            pltpu.VMEM((n_src, D), jnp.float32),
            pltpu.VMEM((CH, B, D), jnp.float32),
            pltpu.VMEM((CH, B, D), jnp.float32),
            pltpu.VMEM((CH, B, D), jnp.float32),
            pltpu.SemaphoreType.DMA,
            pltpu.SemaphoreType.DMA,
            pltpu.SemaphoreType.DMA,
            pltpu.SemaphoreType.DMA,
            pltpu.SemaphoreType.DMA,
            pltpu.SemaphoreType.DMA,
        ],
    )(x, emb)


def _tc_part(x, emb, sc_out, row0):
    S, B, D = x.shape
    n_rows = S - row0
    rows_per_seg = S // emb.shape[0]
    block_rows = 512
    n_blocks = n_rows // block_rows
    base_blk = row0 // block_rows
    seg_blks = rows_per_seg // block_rows

    def body(emb_ref, x_ref, acc_ref, o_ref):
        o_ref[...] = x_ref[...] + emb_ref[...]

    return pl.pallas_call(
        body,
        grid=(n_blocks,),
        in_specs=[
            pl.BlockSpec((1, 1, D), lambda k: ((base_blk + k) // seg_blks, 0, 0)),
            pl.BlockSpec((block_rows, B, D), lambda k: (base_blk + k, 0, 0)),
            pl.BlockSpec(memory_space=pl.ANY),
        ],
        out_specs=pl.BlockSpec((block_rows, B, D), lambda k: (base_blk + k, 0, 0)),
        out_shape=jax.ShapeDtypeStruct((S, B, D), jnp.float32),
        input_output_aliases={2: 0},
    )(emb[:, None, :], x, sc_out)


def kernel(x, emb):
    sc_out = _sc_part(x, emb, SC_ROWS)
    return _tc_part(x, emb, sc_out, SC_ROWS)

# --- scband reference (transcript-rebuilt; emitter-appended) ---
"""Pipeline reference for scband-src-encoding-31086973289248 (READ-ONLY COPY).

The authoritative reference and input builder live on the scoring server;
editing this copy changes nothing except your own understanding.
"""

import jax, jax.numpy as jnp
import numpy as np

SOURCE_SIZES = [2048, 2048, 2048, 2048]
D_MODEL = 2048
N_SOURCES = len(SOURCE_SIZES)
# precomputed source-id per position (constant index vector for the gather)
SRC_IDX = np.repeat(np.arange(N_SOURCES, dtype=np.int64), SOURCE_SIZES)


def setup_inputs(seed: int = 0) -> dict:
    key = jax.random.key(seed)
    k1, k2 = jax.random.split(key)
    x = jax.random.normal(k1, (8192, 2, D_MODEL), dtype=jnp.float32)
    # learned source embedding table (nn.Embedding(n_sources, d_model)), N(0,1) init like torch default
    emb = jax.random.normal(k2, (N_SOURCES, D_MODEL), dtype=jnp.float32)
    return {"x": x, "emb": emb}


def reference(x, emb):
    # encoding(): [sum(source_sizes), 1, d_model] built by segment-wise embedding lookup
    idx = jnp.asarray(SRC_IDX)
    enc = jnp.take(emb, idx, axis=0)[:, None, :]  # gather -> [S, 1, d_model]
    # forward: dropout(x + encoding()[:x.size(0)]); dropout is identity in eval mode
    out = x + enc[: x.shape[0]]
    return out

if __name__ == "__main__":
    import jax
    _d = setup_inputs()
    print(jax.jit(kernel)(*tuple(_d.values())))

</pallas_src>

<mosaic_0001>
#map = affine_map<(d0, d1) -> (0, 0, 0)>
#map1 = affine_map<(d0, d1) -> (0, 0)>
module attributes {stable_mosaic.version = 14 : i64} {
  func.func @body(%arg0: i32, %arg1: i32, %arg2: memref<8192x2x2048xf32, #tpu.memory_space<hbm>>, %arg3: memref<4x2048xf32, #tpu.memory_space<hbm>>, %arg4: memref<8192x2x2048xf32, #tpu.memory_space<hbm>>, %arg5: memref<4x2048xf32, #tpu.memory_space<vmem>>, %arg6: memref<8x2x2048xf32, #tpu.memory_space<vmem>>, %arg7: memref<8x2x2048xf32, #tpu.memory_space<vmem>>, %arg8: memref<8x2x2048xf32, #tpu.memory_space<vmem>>, %arg9: memref<!tpu.dma_semaphore, #tpu.memory_space<semaphore_mem>>, %arg10: memref<!tpu.dma_semaphore, #tpu.memory_space<semaphore_mem>>, %arg11: memref<!tpu.dma_semaphore, #tpu.memory_space<semaphore_mem>>, %arg12: memref<!tpu.dma_semaphore, #tpu.memory_space<semaphore_mem>>, %arg13: memref<!tpu.dma_semaphore, #tpu.memory_space<semaphore_mem>>, %arg14: memref<!tpu.dma_semaphore, #tpu.memory_space<semaphore_mem>>) attributes {dimension_semantics = [#tpu.dimension_semantics<core_parallel>, #tpu.dimension_semantics<subcore_parallel>], iteration_bounds = array<i64: 2, 16>, scalar_prefetch = 0 : i64, scratch_operands = 10 : i64, tpu.core_type = #tpu.core_type<sc_vector_subcore>, window_params = [{transform_indices = #map}, {transform_indices = #map1}, {transform_indices = #map}]} {
    %mul3A = arith.constant 2 : i32
    %mul3A_0 = arith.muli %arg1, %mul3A : i32
    %add3A = arith.addi %mul3A_0, %arg0 : i32
    %mul3A_1 = arith.constant 64 : i32
    %mul3A_2 = arith.muli %add3A, %mul3A_1 : i32
    "tpu.region"() ({
      %run_scoped3A = tpu.sem_alloc : memref<!tpu.dma_semaphore, #tpu.memory_space<semaphore_mem>>
      tpu.enqueue_dma source(%arg3 : memref<4x2048xf32, #tpu.memory_space<hbm>>) target(%arg5 : memref<4x2048xf32, #tpu.memory_space<vmem>>) target_semaphore(%run_scoped3A : memref<!tpu.dma_semaphore, #tpu.memory_space<semaphore_mem>>)
      tpu.wait_dma2 semaphore(%run_scoped3A : memref<!tpu.dma_semaphore, #tpu.memory_space<semaphore_mem>>) src(%arg3 : memref<4x2048xf32, #tpu.memory_space<hbm>>) dst(%arg5 : memref<4x2048xf32, #tpu.memory_space<vmem>>)
      tpu.yield
    }) : () -> ()
    %add3A_3 = arith.constant 0 : i32
    %add3A_4 = arith.addi %mul3A_2, %add3A_3 : i32
    %dma_start3A = arith.constant 0 : i32
    %dma_start3A_5 = arith.constant 0 : i32
    %dma_start3A_6 = tpu.memref_slice %arg2[%add3A_4, %dma_start3A, %dma_start3A_5] : memref<8192x2x2048xf32, #tpu.memory_space<hbm>> -> memref<8x2x2048xf32, #tpu.memory_space<hbm>>
    %dma_start3A_7 = arith.constant 0 : i32
    %dma_start3A_8 = arith.constant 0 : i32
    %dma_start3A_9 = tpu.memref_slice %arg2[%add3A_4, %dma_start3A_7, %dma_start3A_8] : memref<8192x2x2048xf32, #tpu.memory_space<hbm>> -> memref<8x2x2048xf32, #tpu.memory_space<hbm>>
    tpu.enqueue_dma source(%dma_start3A_9 : memref<8x2x2048xf32, #tpu.memory_space<hbm>>) target(%arg6 : memref<8x2x2048xf32, #tpu.memory_space<vmem>>) target_semaphore(%arg9 : memref<!tpu.dma_semaphore, #tpu.memory_space<semaphore_mem>>)
    %add3A_10 = arith.constant 8 : i32
    %add3A_11 = arith.addi %mul3A_2, %add3A_10 : i32
    %dma_start3A_12 = arith.constant 0 : i32
    %dma_start3A_13 = arith.constant 0 : i32
    %dma_start3A_14 = tpu.memref_slice %arg2[%add3A_11, %dma_start3A_12, %dma_start3A_13] : memref<8192x2x2048xf32, #tpu.memory_space<hbm>> -> memref<8x2x2048xf32, #tpu.memory_space<hbm>>
    %dma_start3A_15 = arith.constant 0 : i32
    %dma_start3A_16 = arith.constant 0 : i32
    %dma_start3A_17 = tpu.memref_slice %arg2[%add3A_11, %dma_start3A_15, %dma_start3A_16] : memref<8192x2x2048xf32, #tpu.memory_space<hbm>> -> memref<8x2x2048xf32, #tpu.memory_space<hbm>>
    tpu.enqueue_dma source(%dma_start3A_17 : memref<8x2x2048xf32, #tpu.memory_space<hbm>>) target(%arg7 : memref<8x2x2048xf32, #tpu.memory_space<vmem>>) target_semaphore(%arg10 : memref<!tpu.dma_semaphore, #tpu.memory_space<semaphore_mem>>)
    %add3A_18 = arith.constant 16 : i32
    %add3A_19 = arith.addi %mul3A_2, %add3A_18 : i32
    %dma_start3A_20 = arith.constant 0 : i32
    %dma_start3A_21 = arith.constant 0 : i32
    %dma_start3A_22 = tpu.memref_slice %arg2[%add3A_19, %dma_start3A_20, %dma_start3A_21] : memref<8192x2x2048xf32, #tpu.memory_space<hbm>> -> memref<8x2x2048xf32, #tpu.memory_space<hbm>>
    %dma_start3A_23 = arith.constant 0 : i32
    %dma_start3A_24 = arith.constant 0 : i32
    %dma_start3A_25 = tpu.memref_slice %arg2[%add3A_19, %dma_start3A_23, %dma_start3A_24] : memref<8192x2x2048xf32, #tpu.memory_space<hbm>> -> memref<8x2x2048xf32, #tpu.memory_space<hbm>>
    tpu.enqueue_dma source(%dma_start3A_25 : memref<8x2x2048xf32, #tpu.memory_space<hbm>>) target(%arg8 : memref<8x2x2048xf32, #tpu.memory_space<vmem>>) target_semaphore(%arg11 : memref<!tpu.dma_semaphore, #tpu.memory_space<semaphore_mem>>)
    %dma_wait3A = arith.constant 0 : i32
    %dma_wait3A_26 = arith.constant 0 : i32
    %dma_wait3A_27 = tpu.memref_slice %arg2[%add3A_4, %dma_wait3A, %dma_wait3A_26] : memref<8192x2x2048xf32, #tpu.memory_space<hbm>> -> memref<8x2x2048xf32, #tpu.memory_space<hbm>>
    %dma_wait3A_28 = arith.constant 0 : i32
    %dma_wait3A_29 = arith.constant 0 : i32
    %dma_wait3A_30 = tpu.memref_slice %arg2[%add3A_4, %dma_wait3A_28, %dma_wait3A_29] : memref<8192x2x2048xf32, #tpu.memory_space<hbm>> -> memref<8x2x2048xf32, #tpu.memory_space<hbm>>
    tpu.wait_dma2 semaphore(%arg9 : memref<!tpu.dma_semaphore, #tpu.memory_space<semaphore_mem>>) src(%dma_wait3A_30 : memref<8x2x2048xf32, #tpu.memory_space<hbm>>) dst(%arg6 : memref<8x2x2048xf32, #tpu.memory_space<vmem>>)
    %add3A_31 = arith.constant 0 : i32
    %add3A_32 = arith.addi %mul3A_2, %add3A_31 : i32
    %jit3A = arith.constant 2048 : i32
    %div3A = arith.divsi %add3A_32, %jit3A : i32
    %sign3A = arith.constant 0 : i32
    %sign3A_33 = arith.cmpi sgt, %add3A_32, %sign3A : i32
    %sign3A_34 = arith.extui %sign3A_33 : i1 to i32
    %sign3A_35 = arith.constant 0 : i32
    %sign3A_36 = arith.cmpi slt, %add3A_32, %sign3A_35 : i32
    %sign3A_37 = arith.extui %sign3A_36 : i1 to i32
    %sign3A_38 = arith.subi %sign3A_34, %sign3A_37 : i32
    %sign3A_39 = arith.constant 0 : i32
    %sign3A_40 = arith.cmpi sgt, %jit3A, %sign3A_39 : i32
    %sign3A_41 = arith.extui %sign3A_40 : i1 to i32
    %sign3A_42 = arith.constant 0 : i32
    %sign3A_43 = arith.cmpi slt, %jit3A, %sign3A_42 : i32
    %sign3A_44 = arith.extui %sign3A_43 : i1 to i32
    %sign3A_45 = arith.subi %sign3A_41, %sign3A_44 : i32
    %ne3A = arith.cmpi ne, %sign3A_38, %sign3A_45 : i32
    %rem3A = arith.remsi %add3A_32, %jit3A : i32
    %ne3A_46 = arith.constant 0 : i32
    %ne3A_47 = arith.cmpi ne, %rem3A, %ne3A_46 : i32
    %and3A = arith.andi %ne3A, %ne3A_47 : i1
    %sub3A = arith.constant 1 : i32
    %sub3A_48 = arith.subi %div3A, %sub3A : i32
    %select_n3A = arith.select %and3A, %sub3A_48, %div3A : i32
    %scan3A = arith.constant 0 : i32
    %scan3A_49 = arith.constant 0 : i32
    %scan3A_50 = arith.constant 128 : i32
    %scan3A_51 = arith.addi %scan3A_49, %scan3A_50 : i32
    %scan3A_52 = arith.constant 1 : i32
    %scan3A_53 = scf.for %scan3A_480 = %scan3A_49 to %scan3A_51 step %scan3A_52 iter_args(%scan3A_481 = %scan3A) -> (i32)  : i32 {
      %mul3A_482 = arith.constant 16 : i32
      %mul3A_483 = arith.muli %scan3A_480, %mul3A_482 : i32
      %multiple_of3A = tpu.assume_multiple %mul3A_483, 16 : i32
      %get3A = arith.index_cast %select_n3A : i32 to index
      %get3A_484 = arith.index_cast %multiple_of3A : i32 to index
      %get3A_485 = tpu.vector_load %arg5[%get3A, %get3A_484] {strides = array<i32>} : memref<4x2048xf32, #tpu.memory_space<vmem>>, vector<1x16xf32>,
      %get3A_486 = vector.shape_cast %get3A_485 : vector<1x16xf32> to vector<16xf32>
      %get3A_487 = arith.constant 0 : i32
      %get3A_488 = arith.constant 0 : i32
      %get3A_489 = arith.index_cast %get3A_487 : i32 to index
      %get3A_490 = arith.index_cast %get3A_488 : i32 to index
      %get3A_491 = arith.index_cast %multiple_of3A : i32 to index
      %get3A_492 = tpu.vector_load %arg6[%get3A_489, %get3A_490, %get3A_491] {strides = array<i32>} : memref<8x2x2048xf32, #tpu.memory_space<vmem>>, vector<1x1x16xf32>,
      %get3A_493 = vector.shape_cast %get3A_492 : vector<1x1x16xf32> to vector<16xf32>
      %add3A_494 = arith.addf %get3A_493, %get3A_486 : vector<16xf32>
      %swap3A = arith.constant 0 : i32
      %swap3A_495 = arith.constant 0 : i32
      %swap3A_496 = arith.index_cast %swap3A : i32 to index
      %swap3A_497 = arith.index_cast %swap3A_495 : i32 to index
      %swap3A_498 = arith.index_cast %multiple_of3A : i32 to index
      %swap3A_499 = tpu.vector_load %arg6[%swap3A_496, %swap3A_497, %swap3A_498] {strides = array<i32>} : memref<8x2x2048xf32, #tpu.memory_space<vmem>>, vector<1x1x16xf32>,
      %swap3A_500 = vector.shape_cast %swap3A_499 : vector<1x1x16xf32> to vector<16xf32>
      %swap3A_501 = vector.shape_cast %add3A_494 : vector<16xf32> to vector<1x1x16xf32>
      tpu.vector_store %arg6[%swap3A_496, %swap3A_497, %swap3A_498], %swap3A_501 {strides = array<i32>} : memref<8x2x2048xf32, #tpu.memory_space<vmem>>, vector<1x1x16xf32>,
      %get3A_502 = arith.constant 0 : i32
      %get3A_503 = arith.constant 1 : i32
      %get3A_504 = arith.index_cast %get3A_502 : i32 to index
      %get3A_505 = arith.index_cast %get3A_503 : i32 to index
      %get3A_506 = arith.index_cast %multiple_of3A : i32 to index
      %get3A_507 = tpu.vector_load %arg6[%get3A_504, %get3A_505, %get3A_506] {strides = array<i32>} : memref<8x2x2048xf32, #tpu.memory_space<vmem>>, vector<1x1x16xf32>,
      %get3A_508 = vector.shape_cast %get3A_507 : vector<1x1x16xf32> to vector<16xf32>
      %add3A_509 = arith.addf %get3A_508, %get3A_486 : vector<16xf32>
      %swap3A_510 = arith.constant 0 : i32
      %swap3A_511 = arith.constant 1 : i32
      %swap3A_512 = arith.index_cast %swap3A_510 : i32 to index
      %swap3A_513 = arith.index_cast %swap3A_511 : i32 to index
      %swap3A_514 = arith.index_cast %multiple_of3A : i32 to index
      %swap3A_515 = tpu.vector_load %arg6[%swap3A_512, %swap3A_513, %swap3A_514] {strides = array<i32>} : memref<8x2x2048xf32, #tpu.memory_space<vmem>>, vector<1x1x16xf32>,
      %swap3A_516 = vector.shape_cast %swap3A_515 : vector<1x1x16xf32> to vector<16xf32>
      %swap3A_517 = vector.shape_cast %add3A_509 : vector<16xf32> to vector<1x1x16xf32>
      tpu.vector_store %arg6[%swap3A_512, %swap3A_513, %swap3A_514], %swap3A_517 {strides = array<i32>} : memref<8x2x2048xf32, #tpu.memory_space<vmem>>, vector<1x1x16xf32>,
      %get3A_518 = arith.constant 1 : i32
      %get3A_519 = arith.constant 0 : i32
      %get3A_520 = arith.index_cast %get3A_518 : i32 to index
      %get3A_521 = arith.index_cast %get3A_519 : i32 to index
      %get3A_522 = arith.index_cast %multiple_of3A : i32 to index
      %get3A_523 = tpu.vector_load %arg6[%get3A_520, %get3A_521, %get3A_522] {strides = array<i32>} : memref<8x2x2048xf32, #tpu.memory_space<vmem>>, vector<1x1x16xf32>,
      %get3A_524 = vector.shape_cast %get3A_523 : vector<1x1x16xf32> to vector<16xf32>
      %add3A_525 = arith.addf %get3A_524, %get3A_486 : vector<16xf32>
      %swap3A_526 = arith.constant 1 : i32
      %swap3A_527 = arith.constant 0 : i32
      %swap3A_528 = arith.index_cast %swap3A_526 : i32 to index
      %swap3A_529 = arith.index_cast %swap3A_527 : i32 to index
      %swap3A_530 = arith.index_cast %multiple_of3A : i32 to index
      %swap3A_531 = tpu.vector_load %arg6[%swap3A_528, %swap3A_529, %swap3A_530] {strides = array<i32>} : memref<8x2x2048xf32, #tpu.memory_space<vmem>>, vector<1x1x16xf32>,
      %swap3A_532 = vector.shape_cast %swap3A_531 : vector<1x1x16xf32> to vector<16xf32>
      %swap3A_533 = vector.shape_cast %add3A_525 : vector<16xf32> to vector<1x1x16xf32>
      tpu.vector_store %arg6[%swap3A_528, %swap3A_529, %swap3A_530], %swap3A_533 {strides = array<i32>} : memref<8x2x2048xf32, #tpu.memory_space<vmem>>, vector<1x1x16xf32>,
      %get3A_534 = arith.constant 1 : i32
      %get3A_535 = arith.constant 1 : i32
      %get3A_536 = arith.index_cast %get3A_534 : i32 to index
      %get3A_537 = arith.index_cast %get3A_535 : i32 to index
      %get3A_538 = arith.index_cast %multiple_of3A : i32 to index
      %get3A_539 = tpu.vector_load %arg6[%get3A_536, %get3A_537, %get3A_538] {strides = array<i32>} : memref<8x2x2048xf32, #tpu.memory_space<vmem>>, vector<1x1x16xf32>,
      %get3A_540 = vector.shape_cast %get3A_539 : vector<1x1x16xf32> to vector<16xf32>
      %add3A_541 = arith.addf %get3A_540, %get3A_486 : vector<16xf32>
      %swap3A_542 = arith.constant 1 : i32
      %swap3A_543 = arith.constant 1 : i32
      %swap3A_544 = arith.index_cast %swap3A_542 : i32 to index
      %swap3A_545 = arith.index_cast %swap3A_543 : i32 to index
      %swap3A_546 = arith.index_cast %multiple_of3A : i32 to index
      %swap3A_547 = tpu.vector_load %arg6[%swap3A_544, %swap3A_545, %swap3A_546] {strides = array<i32>} : memref<8x2x2048xf32, #tpu.memory_space<vmem>>, vector<1x1x16xf32>,
      %swap3A_548 = vector.shape_cast %swap3A_547 : vector<1x1x16xf32> to vector<16xf32>
      %swap3A_549 = vector.shape_cast %add3A_541 : vector<16xf32> to vector<1x1x16xf32>
      tpu.vector_store %arg6[%swap3A_544, %swap3A_545, %swap3A_546], %swap3A_549 {strides = array<i32>} : memref<8x2x2048xf32, #tpu.memory_space<vmem>>, vector<1x1x16xf32>,
      %get3A_550 = arith.constant 2 : i32
      %get3A_551 = arith.constant 0 : i32
      %get3A_552 = arith.index_cast %get3A_550 : i32 to index
      %get3A_553 = arith.index_cast %get3A_551 : i32 to index
      %get3A_554 = arith.index_cast %multiple_of3A : i32 to index
      %get3A_555 = tpu.vector_load %arg6[%get3A_552, %get3A_553, %get3A_554] {strides = array<i32>} : memref<8x2x2048xf32, #tpu.memory_space<vmem>>, vector<1x1x16xf32>,
      %get3A_556 = vector.shape_cast %get3A_555 : vector<1x1x16xf32> to vector<16xf32>
      %add3A_557 = arith.addf %get3A_556, %get3A_486 : vector<16xf32>
      %swap3A_558 = arith.constant 2 : i32
      %swap3A_559 = arith.constant 0 : i32
      %swap3A_560 = arith.index_cast %swap3A_558 : i32 to index
      %swap3A_561 = arith.index_cast %swap3A_559 : i32 to index
      %swap3A_562 = arith.index_cast %multiple_of3A : i32 to index
      %swap3A_563 = tpu.vector_load %arg6[%swap3A_560, %swap3A_561, %swap3A_562] {strides = array<i32>} : memref<8x2x2048xf32, #tpu.memory_space<vmem>>, vector<1x1x16xf32>,
      %swap3A_564 = vector.shape_cast %swap3A_563 : vector<1x1x16xf32> to vector<16xf32>
      %swap3A_565 = vector.shape_cast %add3A_557 : vector<16xf32> to vector<1x1x16xf32>
      tpu.vector_store %arg6[%swap3A_560, %swap3A_561, %swap3A_562], %swap3A_565 {strides = array<i32>} : memref<8x2x2048xf32, #tpu.memory_space<vmem>>, vector<1x1x16xf32>,
      %get3A_566 = arith.constant 2 : i32
      %get3A_567 = arith.constant 1 : i32
      %get3A_568 = arith.index_cast %get3A_566 : i32 to index
      %get3A_569 = arith.index_cast %get3A_567 : i32 to index
      %get3A_570 = arith.index_cast %multiple_of3A : i32 to index
      %get3A_571 = tpu.vector_load %arg6[%get3A_568, %get3A_569, %get3A_570] {strides = array<i32>} : memref<8x2x2048xf32, #tpu.memory_space<vmem>>, vector<1x1x16xf32>,
      %get3A_572 = vector.shape_cast %get3A_571 : vector<1x1x16xf32> to vector<16xf32>
      %add3A_573 = arith.addf %get3A_572, %get3A_486 : vector<16xf32>
      %swap3A_574 = arith.constant 2 : i32
      %swap3A_575 = arith.constant 1 : i32
      %swap3A_576 = arith.index_cast %swap3A_574 : i32 to index
      %swap3A_577 = arith.index_cast %swap3A_575 : i32 to index
      %swap3A_578 = arith.index_cast %multiple_of3A : i32 to index
      %swap3A_579 = tpu.vector_load %arg6[%swap3A_576, %swap3A_577, %swap3A_578] {strides = array<i32>} : memref<8x2x2048xf32, #tpu.memory_space<vmem>>, vector<1x1x16xf32>,
      %swap3A_580 = vector.shape_cast %swap3A_579 : vector<1x1x16xf32> to vector<16xf32>
      %swap3A_581 = vector.shape_cast %add3A_573 : vector<16xf32> to vector<1x1x16xf32>
      tpu.vector_store %arg6[%swap3A_576, %swap3A_577, %swap3A_578], %swap3A_581 {strides = array<i32>} : memref<8x2x2048xf32, #tpu.memory_space<vmem>>, vector<1x1x16xf32>,
      %get3A_582 = arith.constant 3 : i32
      %get3A_583 = arith.constant 0 : i32
      %get3A_584 = arith.index_cast %get3A_582 : i32 to index
      %get3A_585 = arith.index_cast %get3A_583 : i32 to index
      %get3A_586 = arith.index_cast %multiple_of3A : i32 to index
      %get3A_587 = tpu.vector_load %arg6[%get3A_584, %get3A_585, %get3A_586] {strides = array<i32>} : memref<8x2x2048xf32, #tpu.memory_space<vmem>>, vector<1x1x16xf32>,
      %get3A_588 = vector.shape_cast %get3A_587 : vector<1x1x16xf32> to vector<16xf32>
      %add3A_589 = arith.addf %get3A_588, %get3A_486 : vector<16xf32>
      %swap3A_590 = arith.constant 3 : i32
      %swap3A_591 = arith.constant 0 : i32
      %swap3A_592 = arith.index_cast %swap3A_590 : i32 to index
      %swap3A_593 = arith.index_cast %swap3A_591 : i32 to index
      %swap3A_594 = arith.index_cast %multiple_of3A : i32 to index
      %swap3A_595 = tpu.vector_load %arg6[%swap3A_592, %swap3A_593, %swap3A_594] {strides = array<i32>} : memref<8x2x2048xf32, #tpu.memory_space<vmem>>, vector<1x1x16xf32>,
      %swap3A_596 = vector.shape_cast %swap3A_595 : vector<1x1x16xf32> to vector<16xf32>
      %swap3A_597 = vector.shape_cast %add3A_589 : vector<16xf32> to vector<1x1x16xf32>
      tpu.vector_store %arg6[%swap3A_592, %swap3A_593, %swap3A_594], %swap3A_597 {strides = array<i32>} : memref<8x2x2048xf32, #tpu.memory_space<vmem>>, vector<1x1x16xf32>,
      %get3A_598 = arith.constant 3 : i32
      %get3A_599 = arith.constant 1 : i32
      %get3A_600 = arith.index_cast %get3A_598 : i32 to index
      %get3A_601 = arith.index_cast %get3A_599 : i32 to index
      %get3A_602 = arith.index_cast %multiple_of3A : i32 to index
      %get3A_603 = tpu.vector_load %arg6[%get3A_600, %get3A_601, %get3A_602] {strides = array<i32>} : memref<8x2x2048xf32, #tpu.memory_space<vmem>>, vector<1x1x16xf32>,
      %get3A_604 = vector.shape_cast %get3A_603 : vector<1x1x16xf32> to vector<16xf32>
      %add3A_605 = arith.addf %get3A_604, %get3A_486 : vector<16xf32>
      %swap3A_606 = arith.constant 3 : i32
      %swap3A_607 = arith.constant 1 : i32
      %swap3A_608 = arith.index_cast %swap3A_606 : i32 to index
      %swap3A_609 = arith.index_cast %swap3A_607 : i32 to index
      %swap3A_610 = arith.index_cast %multiple_of3A : i32 to index
      %swap3A_611 = tpu.vector_load %arg6[%swap3A_608, %swap3A_609, %swap3A_610] {strides = array<i32>} : memref<8x2x2048xf32, #tpu.memory_space<vmem>>, vector<1x1x16xf32>,
      %swap3A_612 = vector.shape_cast %swap3A_611 : vector<1x1x16xf32> to vector<16xf32>
      %swap3A_613 = vector.shape_cast %add3A_605 : vector<16xf32> to vector<1x1x16xf32>
      tpu.vector_store %arg6[%swap3A_608, %swap3A_609, %swap3A_610], %swap3A_613 {strides = array<i32>} : memref<8x2x2048xf32, #tpu.memory_space<vmem>>, vector<1x1x16xf32>,
      %get3A_614 = arith.constant 4 : i32
      %get3A_615 = arith.constant 0 : i32
      %get3A_616 = arith.index_cast %get3A_614 : i32 to index
      %get3A_617 = arith.index_cast %get3A_615 : i32 to index
      %get3A_618 = arith.index_cast %multiple_of3A : i32 to index
      %get3A_619 = tpu.vector_load %arg6[%get3A_616, %get3A_617, %get3A_618] {strides = array<i32>} : memref<8x2x2048xf32, #tpu.memory_space<vmem>>, vector<1x1x16xf32>,
      %get3A_620 = vector.shape_cast %get3A_619 : vector<1x1x16xf32> to vector<16xf32>
      %add3A_621 = arith.addf %get3A_620, %get3A_486 : vector<16xf32>
      %swap3A_622 = arith.constant 4 : i32
      %swap3A_623 = arith.constant 0 : i32
      %swap3A_624 = arith.index_cast %swap3A_622 : i32 to index
      %swap3A_625 = arith.index_cast %swap3A_623 : i32 to index
      %swap3A_626 = arith.index_cast %multiple_of3A : i32 to index
      %swap3A_627 = tpu.vector_load %arg6[%swap3A_624, %swap3A_625, %swap3A_626] {strides = array<i32>} : memref<8x2x2048xf32, #tpu.memory_space<vmem>>, vector<1x1x16xf32>,
      %swap3A_628 = vector.shape_cast %swap3A_627 : vector<1x1x16xf32> to vector<16xf32>
      %swap3A_629 = vector.shape_cast %add3A_621 : vector<16xf32> to vector<1x1x16xf32>
      tpu.vector_store %arg6[%swap3A_624, %swap3A_625, %swap3A_626], %swap3A_629 {strides = array<i32>} : memref<8x2x2048xf32, #tpu.memory_space<vmem>>, vector<1x1x16xf32>,
      %get3A_630 = arith.constant 4 : i32
      %get3A_631 = arith.constant 1 : i32
      %get3A_632 = arith.index_cast %get3A_630 : i32 to index
      %get3A_633 = arith.index_cast %get3A_631 : i32 to index
      %get3A_634 = arith.index_cast %multiple_of3A : i32 to index
      %get3A_635 = tpu.vector_load %arg6[%get3A_632, %get3A_633, %get3A_634] {strides = array<i32>} : memref<8x2x2048xf32, #tpu.memory_space<vmem>>, vector<1x1x16xf32>,
      %get3A_636 = vector.shape_cast %get3A_635 : vector<1x1x16xf32> to vector<16xf32>
      %add3A_637 = arith.addf %get3A_636, %get3A_486 : vector<16xf32>
      %swap3A_638 = arith.constant 4 : i32
      %swap3A_639 = arith.constant 1 : i32
      %swap3A_640 = arith.index_cast %swap3A_638 : i32 to index
      %swap3A_641 = arith.index_cast %swap3A_639 : i32 to index
      %swap3A_642 = arith.index_cast %multiple_of3A : i32 to index
      %swap3A_643 = tpu.vector_load %arg6[%swap3A_640, %swap3A_641, %swap3A_642] {strides = array<i32>} : memref<8x2x2048xf32, #tpu.memory_space<vmem>>, vector<1x1x16xf32>,
      %swap3A_644 = vector.shape_cast %swap3A_643 : vector<1x1x16xf32> to vector<16xf32>
      %swap3A_645 = vector.shape_cast %add3A_637 : vector<16xf32> to vector<1x1x16xf32>
      tpu.vector_store %arg6[%swap3A_640, %swap3A_641, %swap3A_642], %swap3A_645 {strides = array<i32>} : memref<8x2x2048xf32, #tpu.memory_space<vmem>>, vector<1x1x16xf32>,
      %get3A_646 = arith.constant 5 : i32
      %get3A_647 = arith.constant 0 : i32
      %get3A_648 = arith.index_cast %get3A_646 : i32 to index
      %get3A_649 = arith.index_cast %get3A_647 : i32 to index
      %get3A_650 = arith.index_cast %multiple_of3A : i32 to index
      %get3A_651 = tpu.vector_load %arg6[%get3A_648, %get3A_649, %get3A_650] {strides = array<i32>} : memref<8x2x2048xf32, #tpu.memory_space<vmem>>, vector<1x1x16xf32>,
      %get3A_652 = vector.shape_cast %get3A_651 : vector<1x1x16xf32> to vector<16xf32>
      %add3A_653 = arith.addf %get3A_652, %get3A_486 : vector<16xf32>
      %swap3A_654 = arith.constant 5 : i32
      %swap3A_655 = arith.constant 0 : i32
      %swap3A_656 = arith.index_cast %swap3A_654 : i32 to index
      %swap3A_657 = arith.index_cast %swap3A_655 : i32 to index
      %swap3A_658 = arith.index_cast %multiple_of3A : i32 to index
      %swap3A_659 = tpu.vector_load %arg6[%swap3A_656, %swap3A_657, %swap3A_658] {strides = array<i32>} : memref<8x2x2048xf32, #tpu.memory_space<vmem>>, vector<1x1x16xf32>,
      %swap3A_660 = vector.shape_cast %swap3A_659 : vector<1x1x16xf32> to vector<16xf32>
      %swap3A_661 = vector.shape_cast %add3A_653 : vector<16xf32> to vector<1x1x16xf32>
      tpu.vector_store %arg6[%swap3A_656, %swap3A_657, %swap3A_658], %swap3A_661 {strides = array<i32>} : memref<8x2x2048xf32, #tpu.memory_space<vmem>>, vector<1x1x16xf32>,
      %get3A_662 = arith.constant 5 : i32
      %get3A_663 = arith.constant 1 : i32
      %get3A_664 = arith.index_cast %get3A_662 : i32 to index
      %get3A_665 = arith.index_cast %get3A_663 : i32 to index
      %get3A_666 = arith.index_cast %multiple_of3A : i32 to index
      %get3A_667 = tpu.vector_load %arg6[%get3A_664, %get3A_665, %get3A_666] {strides = array<i32>} : memref<8x2x2048xf32, #tpu.memory_space<vmem>>, vector<1x1x16xf32>,
      %get3A_668 = vector.shape_cast %get3A_667 : vector<1x1x16xf32> to vector<16xf32>
      %add3A_669 = arith.addf %get3A_668, %get3A_486 : vector<16xf32>
      %swap3A_670 = arith.constant 5 : i32
      %swap3A_671 = arith.constant 1 : i32
      %swap3A_672 = arith.index_cast %swap3A_670 : i32 to index
      %swap3A_673 = arith.index_cast %swap3A_671 : i32 to index
      %swap3A_674 = arith.index_cast %multiple_of3A : i32 to index
      %swap3A_675 = tpu.vector_load %arg6[%swap3A_672, %swap3A_673, %swap3A_674] {strides = array<i32>} : memref<8x2x2048xf32, #tpu.memory_space<vmem>>, vector<1x1x16xf32>,
      %swap3A_676 = vector.shape_cast %swap3A_675 : vector<1x1x16xf32> to vector<16xf32>
      %swap3A_677 = vector.shape_cast %add3A_669 : vector<16xf32> to vector<1x1x16xf32>
      tpu.vector_store %arg6[%swap3A_672, %swap3A_673, %swap3A_674], %swap3A_677 {strides = array<i32>} : memref<8x2x2048xf32, #tpu.memory_space<vmem>>, vector<1x1x16xf32>,
      %get3A_678 = arith.constant 6 : i32
      %get3A_679 = arith.constant 0 : i32
      %get3A_680 = arith.index_cast %get3A_678 : i32 to index
      %get3A_681 = arith.index_cast %get3A_679 : i32 to index
      %get3A_682 = arith.index_cast %multiple_of3A : i32 to index
      %get3A_683 = tpu.vector_load %arg6[%get3A_680, %get3A_681, %get3A_682] {strides = array<i32>} : memref<8x2x2048xf32, #tpu.memory_space<vmem>>, vector<1x1x16xf32>,
      %get3A_684 = vector.shape_cast %get3A_683 : vector<1x1x16xf32> to vector<16xf32>
      %add3A_685 = arith.addf %get3A_684, %get3A_486 : vector<16xf32>
      %swap3A_686 = arith.constant 6 : i32
      %swap3A_687 = arith.constant 0 : i32
      %swap3A_688 = arith.index_cast %swap3A_686 : i32 to index
      %swap3A_689 = arith.index_cast %swap3A_687 : i32 to index
      %swap3A_690 = arith.index_cast %multiple_of3A : i32 to index
      %swap3A_691 = tpu.vector_load %arg6[%swap3A_688, %swap3A_689, %swap3A_690] {strides = array<i32>} : memref<8x2x2048xf32, #tpu.memory_space<vmem>>, vector<1x1x16xf32>,
      %swap3A_692 = vector.shape_cast %swap3A_691 : vector<1x1x16xf32> to vector<16xf32>
      %swap3A_693 = vector.shape_cast %add3A_685 : vector<16xf32> to vector<1x1x16xf32>
      tpu.vector_store %arg6[%swap3A_688, %swap3A_689, %swap3A_690], %swap3A_693 {strides = array<i32>} : memref<8x2x2048xf32, #tpu.memory_space<vmem>>, vector<1x1x16xf32>,
      %get3A_694 = arith.constant 6 : i32
      %get3A_695 = arith.constant 1 : i32
      %get3A_696 = arith.index_cast %get3A_694 : i32 to index
      %get3A_697 = arith.index_cast %get3A_695 : i32 to index
      %get3A_698 = arith.index_cast %multiple_of3A : i32 to index
      %get3A_699 = tpu.vector_load %arg6[%get3A_696, %get3A_697, %get3A_698] {strides = array<i32>} : memref<8x2x2048xf32, #tpu.memory_space<vmem>>, vector<1x1x16xf32>,
      %get3A_700 = vector.shape_cast %get3A_699 : vector<1x1x16xf32> to vector<16xf32>
      %add3A_701 = arith.addf %get3A_700, %get3A_486 : vector<16xf32>
      %swap3A_702 = arith.constant 6 : i32
      %swap3A_703 = arith.constant 1 : i32
      %swap3A_704 = arith.index_cast %swap3A_702 : i32 to index
      %swap3A_705 = arith.index_cast %swap3A_703 : i32 to index
      %swap3A_706 = arith.index_cast %multiple_of3A : i32 to index
      %swap3A_707 = tpu.vector_load %arg6[%swap3A_704, %swap3A_705, %swap3A_706] {strides = array<i32>} : memref<8x2x2048xf32, #tpu.memory_space<vmem>>, vector<1x1x16xf32>,
      %swap3A_708 = vector.shape_cast %swap3A_707 : vector<1x1x16xf32> to vector<16xf32>
      %swap3A_709 = vector.shape_cast %add3A_701 : vector<16xf32> to vector<1x1x16xf32>
      tpu.vector_store %arg6[%swap3A_704, %swap3A_705, %swap3A_706], %swap3A_709 {strides = array<i32>} : memref<8x2x2048xf32, #tpu.memory_space<vmem>>, vector<1x1x16xf32>,
      %get3A_710 = arith.constant 7 : i32
      %get3A_711 = arith.constant 0 : i32
      %get3A_712 = arith.index_cast %get3A_710 : i32 to index
      %get3A_713 = arith.index_cast %get3A_711 : i32 to index
      %get3A_714 = arith.index_cast %multiple_of3A : i32 to index
      %get3A_715 = tpu.vector_load %arg6[%get3A_712, %get3A_713, %get3A_714] {strides = array<i32>} : memref<8x2x2048xf32, #tpu.memory_space<vmem>>, vector<1x1x16xf32>,
      %get3A_716 = vector.shape_cast %get3A_715 : vector<1x1x16xf32> to vector<16xf32>
      %add3A_717 = arith.addf %get3A_716, %get3A_486 : vector<16xf32>
      %swap3A_718 = arith.constant 7 : i32
      %swap3A_719 = arith.constant 0 : i32
      %swap3A_720 = arith.index_cast %swap3A_718 : i32 to index
      %swap3A_721 = arith.index_cast %swap3A_719 : i32 to index
      %swap3A_722 = arith.index_cast %multiple_of3A : i32 to index
      %swap3A_723 = tpu.vector_load %arg6[%swap3A_720, %swap3A_721, %swap3A_722] {strides = array<i32>} : memref<8x2x2048xf32, #tpu.memory_space<vmem>>, vector<1x1x16xf32>,
      %swap3A_724 = vector.shape_cast %swap3A_723 : vector<1x1x16xf32> to vector<16xf32>
      %swap3A_725 = vector.shape_cast %add3A_717 : vector<16xf32> to vector<1x1x16xf32>
      tpu.vector_store %arg6[%swap3A_720, %swap3A_721, %swap3A_722], %swap3A_725 {strides = array<i32>} : memref<8x2x2048xf32, #tpu.memory_space<vmem>>, vector<1x1x16xf32>,
      %get3A_726 = arith.constant 7 : i32
      %get3A_727 = arith.constant 1 : i32
      %get3A_728 = arith.index_cast %get3A_726 : i32 to index
      %get3A_729 = arith.index_cast %get3A_727 : i32 to index
      %get3A_730 = arith.index_cast %multiple_of3A : i32 to index
      %get3A_731 = tpu.vector_load %arg6[%get3A_728, %get3A_729, %get3A_730] {strides = array<i32>} : memref<8x2x2048xf32, #tpu.memory_space<vmem>>, vector<1x1x16xf32>,
      %get3A_732 = vector.shape_cast %get3A_731 : vector<1x1x16xf32> to vector<16xf32>
      %add3A_733 = arith.addf %get3A_732, %get3A_486 : vector<16xf32>
      %swap3A_734 = arith.constant 7 : i32
      %swap3A_735 = arith.constant 1 : i32
      %swap3A_736 = arith.index_cast %swap3A_734 : i32 to index
      %swap3A_737 = arith.index_cast %swap3A_735 : i32 to index
      %swap3A_738 = arith.index_cast %multiple_of3A : i32 to index
      %swap3A_739 = tpu.vector_load %arg6[%swap3A_736, %swap3A_737, %swap3A_738] {strides = array<i32>} : memref<8x2x2048xf32, #tpu.memory_space<vmem>>, vector<1x1x16xf32>,
      %swap3A_740 = vector.shape_cast %swap3A_739 : vector<1x1x16xf32> to vector<16xf32>
      %swap3A_741 = vector.shape_cast %add3A_733 : vector<16xf32> to vector<1x1x16xf32>
      tpu.vector_store %arg6[%swap3A_736, %swap3A_737, %swap3A_738], %swap3A_741 {strides = array<i32>} : memref<8x2x2048xf32, #tpu.memory_space<vmem>>, vector<1x1x16xf32>,
      %scan3A_742 = arith.constant 0 : i32
      scf.yield %scan3A_742 : i32
    }
    %scan3A_54 = arith.constant 128 : i32
    %add3A_55 = arith.constant 0 : i32
    %add3A_56 = arith.addi %mul3A_2, %add3A_55 : i32
    %dma_start3A_57 = arith.constant 0 : i32
    %dma_start3A_58 = arith.constant 0 : i32
    %dma_start3A_59 = tpu.memref_slice %arg4[%add3A_56, %dma_start3A_57, %dma_start3A_58] : memref<8192x2x2048xf32, #tpu.memory_space<hbm>> -> memref<8x2x2048xf32, #tpu.memory_space<hbm>>
    %dma_start3A_60 = arith.constant 0 : i32
    %dma_start3A_61 = arith.constant 0 : i32
    %dma_start3A_62 = tpu.memref_slice %arg4[%add3A_56, %dma_start3A_60, %dma_start3A_61] : memref<8192x2x2048xf32, #tpu.memory_space<hbm>> -> memref<8x2x2048xf32, #tpu.memory_space<hbm>>
    tpu.enqueue_dma source(%arg6 : memref<8x2x2048xf32, #tpu.memory_space<vmem>>) target(%dma_start3A_62 : memref<8x2x2048xf32, #tpu.memory_space<hbm>>) target_semaphore(%arg12 : memref<!tpu.dma_semaphore, #tpu.memory_space<semaphore_mem>>)
    %dma_wait3A_63 = arith.constant 0 : i32
    %dma_wait3A_64 = arith.constant 0 : i32
    %dma_wait3A_65 = tpu.memref_slice %arg4[%add3A_56, %dma_wait3A_63, %dma_wait3A_64] : memref<8192x2x2048xf32, #tpu.memory_space<hbm>> -> memref<8x2x2048xf32, #tpu.memory_space<hbm>>
    %dma_wait3A_66 = arith.constant 0 : i32
    %dma_wait3A_67 = arith.constant 0 : i32
    %dma_wait3A_68 = tpu.memref_slice %arg4[%add3A_56, %dma_wait3A_66, %dma_wait3A_67] : memref<8192x2x2048xf32, #tpu.memory_space<hbm>> -> memref<8x2x2048xf32, #tpu.memory_space<hbm>>
    tpu.wait_dma2 semaphore(%arg12 : memref<!tpu.dma_semaphore, #tpu.memory_space<semaphore_mem>>) src(%arg6 : memref<8x2x2048xf32, #tpu.memory_space<vmem>>) dst(%dma_wait3A_68 : memref<8x2x2048xf32, #tpu.memory_space<hbm>>)
    %add3A_69 = arith.constant 24 : i32
    %add3A_70 = arith.addi %mul3A_2, %add3A_69 : i32
    %dma_start3A_71 = arith.constant 0 : i32
    %dma_start3A_72 = arith.constant 0 : i32
    %dma_start3A_73 = tpu.memref_slice %arg2[%add3A_70, %dma_start3A_71, %dma_start3A_72] : memref<8192x2x2048xf32, #tpu.memory_space<hbm>> -> memref<8x2x2048xf32, #tpu.memory_space<hbm>>
    %dma_start3A_74 = arith.constant 0 : i32
    %dma_start3A_75 = arith.constant 0 : i32
    %dma_start3A_76 = tpu.memref_slice %arg2[%add3A_70, %dma_start3A_74, %dma_start3A_75] : memref<8192x2x2048xf32, #tpu.memory_space<hbm>> -> memref<8x2x2048xf32, #tpu.memory_space<hbm>>
    tpu.enqueue_dma source(%dma_start3A_76 : memref<8x2x2048xf32, #tpu.memory_space<hbm>>) target(%arg6 : memref<8x2x2048xf32, #tpu.memory_space<vmem>>) target_semaphore(%arg9 : memref<!tpu.dma_semaphore, #tpu.memory_space<semaphore_mem>>)
    %dma_wait3A_77 = arith.constant 0 : i32
    %dma_wait3A_78 = arith.constant 0 : i32
    %dma_wait3A_79 = tpu.memref_slice %arg2[%add3A_11, %dma_wait3A_77, %dma_wait3A_78] : memref<8192x2x2048xf32, #tpu.memory_space<hbm>> -> memref<8x2x2048xf32, #tpu.memory_space<hbm>>
    %dma_wait3A_80 = arith.constant 0 : i32
    %dma_wait3A_81 = arith.constant 0 : i32
    %dma_wait3A_82 = tpu.memref_slice %arg2[%add3A_11, %dma_wait3A_80, %dma_wait3A_81] : memref<8192x2x2048xf32, #tpu.memory_space<hbm>> -> memref<8x2x2048xf32, #tpu.memory_space<hbm>>
    tpu.wait_dma2 semaphore(%arg10 : memref<!tpu.dma_semaphore, #tpu.memory_space<semaphore_mem>>) src(%dma_wait3A_82 : memref<8x2x2048xf32, #tpu.memory_space<hbm>>) dst(%arg7 : memref<8x2x2048xf32, #tpu.memory_space<vmem>>)
    %add3A_83 = arith.constant 8 : i32
    %add3A_84 = arith.addi %mul3A_2, %add3A_83 : i32
    %jit3A_85 = arith.constant 2048 : i32
    %div3A_86 = arith.divsi %add3A_84, %jit3A_85 : i32
    %sign3A_87 = arith.constant 0 : i32
    %sign3A_88 = arith.cmpi sgt, %add3A_84, %sign3A_87 : i32
    %sign3A_89 = arith.extui %sign3A_88 : i1 to i32
    %sign3A_90 = arith.constant 0 : i32
    %sign3A_91 = arith.cmpi slt, %add3A_84, %sign3A_90 : i32
    %sign3A_92 = arith.extui %sign3A_91 : i1 to i32
    %sign3A_93 = arith.subi %sign3A_89, %sign3A_92 : i32
    %sign3A_94 = arith.constant 0 : i32
    %sign3A_95 = arith.cmpi sgt, %jit3A_85, %sign3A_94 : i32
    %sign3A_96 = arith.extui %sign3A_95 : i1 to i32
    %sign3A_97 = arith.constant 0 : i32
    %sign3A_98 = arith.cmpi slt, %jit3A_85, %sign3A_97 : i32
    %sign3A_99 = arith.extui %sign3A_98 : i1 to i32
    %sign3A_100 = arith.subi %sign3A_96, %sign3A_99 : i32
    %ne3A_101 = arith.cmpi ne, %sign3A_93, %sign3A_100 : i32
    %rem3A_102 = arith.remsi %add3A_84, %jit3A_85 : i32
    %ne3A_103 = arith.constant 0 : i32
    %ne3A_104 = arith.cmpi ne, %rem3A_102, %ne3A_103 : i32
    %and3A_105 = arith.andi %ne3A_101, %ne3A_104 : i1
    %sub3A_106 = arith.constant 1 : i32
    %sub3A_107 = arith.subi %div3A_86, %sub3A_106 : i32
    %select_n3A_108 = arith.select %and3A_105, %sub3A_107, %div3A_86 : i32
    %scan3A_109 = arith.constant 0 : i32
    %scan3A_110 = arith.constant 0 : i32
    %scan3A_111 = arith.constant 128 : i32
    %scan3A_112 = arith.addi %scan3A_110, %scan3A_111 : i32
    %scan3A_113 = arith.constant 1 : i32
    %scan3A_114 = scf.for %scan3A_480 = %scan3A_110 to %scan3A_112 step %scan3A_113 iter_args(%scan3A_481 = %scan3A_109) -> (i32)  : i32 {
      %mul3A_482 = arith.constant 16 : i32
      %mul3A_483 = arith.muli %scan3A_480, %mul3A_482 : i32
      %multiple_of3A = tpu.assume_multiple %mul3A_483, 16 : i32
      %get3A = arith.index_cast %select_n3A_108 : i32 to index
      %get3A_484 = arith.index_cast %multiple_of3A : i32 to index
      %get3A_485 = tpu.vector_load %arg5[%get3A, %get3A_484] {strides = array<i32>} : memref<4x2048xf32, #tpu.memory_space<vmem>>, vector<1x16xf32>,
      %get3A_486 = vector.shape_cast %get3A_485 : vector<1x16xf32> to vector<16xf32>
      %get3A_487 = arith.constant 0 : i32
      %get3A_488 = arith.constant 0 : i32
      %get3A_489 = arith.index_cast %get3A_487 : i32 to index
      %get3A_490 = arith.index_cast %get3A_488 : i32 to index
      %get3A_491 = arith.index_cast %multiple_of3A : i32 to index
      %get3A_492 = tpu.vector_load %arg7[%get3A_489, %get3A_490, %get3A_491] {strides = array<i32>} : memref<8x2x2048xf32, #tpu.memory_space<vmem>>, vector<1x1x16xf32>,
      %get3A_493 = vector.shape_cast %get3A_492 : vector<1x1x16xf32> to vector<16xf32>
      %add3A_494 = arith.addf %get3A_493, %get3A_486 : vector<16xf32>
      %swap3A = arith.constant 0 : i32
      %swap3A_495 = arith.constant 0 : i32
      %swap3A_496 = arith.index_cast %swap3A : i32 to index
      %swap3A_497 = arith.index_cast %swap3A_495 : i32 to index
      %swap3A_498 = arith.index_cast %multiple_of3A : i32 to index
      %swap3A_499 = tpu.vector_load %arg7[%swap3A_496, %swap3A_497, %swap3A_498] {strides = array<i32>} : memref<8x2x2048xf32, #tpu.memory_space<vmem>>, vector<1x1x16xf32>,
      %swap3A_500 = vector.shape_cast %swap3A_499 : vector<1x1x16xf32> to vector<16xf32>
      %swap3A_501 = vector.shape_cast %add3A_494 : vector<16xf32> to vector<1x1x16xf32>
      tpu.vector_store %arg7[%swap3A_496, %swap3A_497, %swap3A_498], %swap3A_501 {strides = array<i32>} : memref<8x2x2048xf32, #tpu.memory_space<vmem>>, vector<1x1x16xf32>,
      %get3A_502 = arith.constant 0 : i32
      %get3A_503 = arith.constant 1 : i32
      %get3A_504 = arith.index_cast %get3A_502 : i32 to index
      %get3A_505 = arith.index_cast %get3A_503 : i32 to index
      %get3A_506 = arith.index_cast %multiple_of3A : i32 to index
      %get3A_507 = tpu.vector_load %arg7[%get3A_504, %get3A_505, %get3A_506] {strides = array<i32>} : memref<8x2x2048xf32, #tpu.memory_space<vmem>>, vector<1x1x16xf32>,
      %get3A_508 = vector.shape_cast %get3A_507 : vector<1x1x16xf32> to vector<16xf32>
      %add3A_509 = arith.addf %get3A_508, %get3A_486 : vector<16xf32>
      %swap3A_510 = arith.constant 0 : i32
      %swap3A_511 = arith.constant 1 : i32
      %swap3A_512 = arith.index_cast %swap3A_510 : i32 to index
      %swap3A_513 = arith.index_cast %swap3A_511 : i32 to index
      %swap3A_514 = arith.index_cast %multiple_of3A : i32 to index
      %swap3A_515 = tpu.vector_load %arg7[%swap3A_512, %swap3A_513, %swap3A_514] {strides = array<i32>} : memref<8x2x2048xf32, #tpu.memory_space<vmem>>, vector<1x1x16xf32>,
      %swap3A_516 = vector.shape_cast %swap3A_515 : vector<1x1x16xf32> to vector<16xf32>
      %swap3A_517 = vector.shape_cast %add3A_509 : vector<16xf32> to vector<1x1x16xf32>
      tpu.vector_store %arg7[%swap3A_512, %swap3A_513, %swap3A_514], %swap3A_517 {strides = array<i32>} : memref<8x2x2048xf32, #tpu.memory_space<vmem>>, vector<1x1x16xf32>,
      %get3A_518 = arith.constant 1 : i32
      %get3A_519 = arith.constant 0 : i32
      %get3A_520 = arith.index_cast %get3A_518 : i32 to index
      %get3A_521 = arith.index_cast %get3A_519 : i32 to index
      %get3A_522 = arith.index_cast %multiple_of3A : i32 to index
      %get3A_523 = tpu.vector_load %arg7[%get3A_520, %get3A_521, %get3A_522] {strides = array<i32>} : memref<8x2x2048xf32, #tpu.memory_space<vmem>>, vector<1x1x16xf32>,
      %get3A_524 = vector.shape_cast %get3A_523 : vector<1x1x16xf32> to vector<16xf32>
      %add3A_525 = arith.addf %get3A_524, %get3A_486 : vector<16xf32>
      %swap3A_526 = arith.constant 1 : i32
      %swap3A_527 = arith.constant 0 : i32
      %swap3A_528 = arith.index_cast %swap3A_526 : i32 to index
      %swap3A_529 = arith.index_cast %swap3A_527 : i32 to index
      %swap3A_530 = arith.index_cast %multiple_of3A : i32 to index
      %swap3A_531 = tpu.vector_load %arg7[%swap3A_528, %swap3A_529, %swap3A_530] {strides = array<i32>} : memref<8x2x2048xf32, #tpu.memory_space<vmem>>, vector<1x1x16xf32>,
      %swap3A_532 = vector.shape_cast %swap3A_531 : vector<1x1x16xf32> to vector<16xf32>
      %swap3A_533 = vector.shape_cast %add3A_525 : vector<16xf32> to vector<1x1x16xf32>
      tpu.vector_store %arg7[%swap3A_528, %swap3A_529, %swap3A_530], %swap3A_533 {strides = array<i32>} : memref<8x2x2048xf32, #tpu.memory_space<vmem>>, vector<1x1x16xf32>,
      %get3A_534 = arith.constant 1 : i32
      %get3A_535 = arith.constant 1 : i32
      %get3A_536 = arith.index_cast %get3A_534 : i32 to index
      %get3A_537 = arith.index_cast %get3A_535 : i32 to index
      %get3A_538 = arith.index_cast %multiple_of3A : i32 to index
      %get3A_539 = tpu.vector_load %arg7[%get3A_536, %get3A_537, %get3A_538] {strides = array<i32>} : memref<8x2x2048xf32, #tpu.memory_space<vmem>>, vector<1x1x16xf32>,
      %get3A_540 = vector.shape_cast %get3A_539 : vector<1x1x16xf32> to vector<16xf32>
      %add3A_541 = arith.addf %get3A_540, %get3A_486 : vector<16xf32>
      %swap3A_542 = arith.constant 1 : i32
      %swap3A_543 = arith.constant 1 : i32
      %swap3A_544 = arith.index_cast %swap3A_542 : i32 to index
      %swap3A_545 = arith.index_cast %swap3A_543 : i32 to index
      %swap3A_546 = arith.index_cast %multiple_of3A : i32 to index
      %swap3A_547 = tpu.vector_load %arg7[%swap3A_544, %swap3A_545, %swap3A_546] {strides = array<i32>} : memref<8x2x2048xf32, #tpu.memory_space<vmem>>, vector<1x1x16xf32>,
      %swap3A_548 = vector.shape_cast %swap3A_547 : vector<1x1x16xf32> to vector<16xf32>
      %swap3A_549 = vector.shape_cast %add3A_541 : vector<16xf32> to vector<1x1x16xf32>
      tpu.vector_store %arg7[%swap3A_544, %swap3A_545, %swap3A_546], %swap3A_549 {strides = array<i32>} : memref<8x2x2048xf32, #tpu.memory_space<vmem>>, vector<1x1x16xf32>,
      %get3A_550 = arith.constant 2 : i32
      %get3A_551 = arith.constant 0 : i32
      %get3A_552 = arith.index_cast %get3A_550 : i32 to index
      %get3A_553 = arith.index_cast %get3A_551 : i32 to index
      %get3A_554 = arith.index_cast %multiple_of3A : i32 to index
      %get3A_555 = tpu.vector_load %arg7[%get3A_552, %get3A_553, %get3A_554] {strides = array<i32>} : memref<8x2x2048xf32, #tpu.memory_space<vmem>>, vector<1x1x16xf32>,
      %get3A_556 = vector.shape_cast %get3A_555 : vector<1x1x16xf32> to vector<16xf32>
      %add3A_557 = arith.addf %get3A_556, %get3A_486 : vector<16xf32>
      %swap3A_558 = arith.constant 2 : i32
      %swap3A_559 = arith.constant 0 : i32
      %swap3A_560 = arith.index_cast %swap3A_558 : i32 to index
      %swap3A_561 = arith.index_cast %swap3A_559 : i32 to index
      %swap3A_562 = arith.index_cast %multiple_of3A : i32 to index
      %swap3A_563 = tpu.vector_load %arg7[%swap3A_560, %swap3A_561, %swap3A_562] {strides = array<i32>} : memref<8x2x2048xf32, #tpu.memory_space<vmem>>, vector<1x1x16xf32>,
      %swap3A_564 = vector.shape_cast %swap3A_563 : vector<1x1x16xf32> to vector<16xf32>
      %swap3A_565 = vector.shape_cast %add3A_557 : vector<16xf32> to vector<1x1x16xf32>
      tpu.vector_store %arg7[%swap3A_560, %swap3A_561, %swap3A_562], %swap3A_565 {strides = array<i32>} : memref<8x2x2048xf32, #tpu.memory_space<vmem>>, vector<1x1x16xf32>,
      %get3A_566 = arith.constant 2 : i32
      %get3A_567 = arith.constant 1 : i32
      %get3A_568 = arith.index_cast %get3A_566 : i32 to index
      %get3A_569 = arith.index_cast %get3A_567 : i32 to index
      %get3A_570 = arith.index_cast %multiple_of3A : i32 to index
      %get3A_571 = tpu.vector_load %arg7[%get3A_568, %get3A_569, %get3A_570] {strides = array<i32>} : memref<8x2x2048xf32, #tpu.memory_space<vmem>>, vector<1x1x16xf32>,
      %get3A_572 = vector.shape_cast %get3A_571 : vector<1x1x16xf32> to vector<16xf32>
      %add3A_573 = arith.addf %get3A_572, %get3A_486 : vector<16xf32>
      %swap3A_574 = arith.constant 2 : i32
      %swap3A_575 = arith.constant 1 : i32
      %swap3A_576 = arith.index_cast %swap3A_574 : i32 to index
      %swap3A_577 = arith.index_cast %swap3A_575 : i32 to index
      %swap3A_578 = arith.index_cast %multiple_of3A : i32 to index
      %swap3A_579 = tpu.vector_load %arg7[%swap3A_576, %swap3A_577, %swap3A_578] {strides = array<i32>} : memref<8x2x2048xf32, #tpu.memory_space<vmem>>, vector<1x1x16xf32>,
      %swap3A_580 = vector.shape_cast %swap3A_579 : vector<1x1x16xf32> to vector<16xf32>
      %swap3A_581 = vector.shape_cast %add3A_573 : vector<16xf32> to vector<1x1x16xf32>
      tpu.vector_store %arg7[%swap3A_576, %swap3A_577, %swap3A_578], %swap3A_581 {strides = array<i32>} : memref<8x2x2048xf32, #tpu.memory_space<vmem>>, vector<1x1x16xf32>,
      %get3A_582 = arith.constant 3 : i32
      %get3A_583 = arith.constant 0 : i32
      %get3A_584 = arith.index_cast %get3A_582 : i32 to index
      %get3A_585 = arith.index_cast %get3A_583 : i32 to index
      %get3A_586 = arith.index_cast %multiple_of3A : i32 to index
      %get3A_587 = tpu.vector_load %arg7[%get3A_584, %get3A_585, %get3A_586] {strides = array<i32>} : memref<8x2x2048xf32, #tpu.memory_space<vmem>>, vector<1x1x16xf32>,
      %get3A_588 = vector.shape_cast %get3A_587 : vector<1x1x16xf32> to vector<16xf32>
      %add3A_589 = arith.addf %get3A_588, %get3A_486 : vector<16xf32>
      %swap3A_590 = arith.constant 3 : i32
      %swap3A_591 = arith.constant 0 : i32
      %swap3A_592 = arith.index_cast %swap3A_590 : i32 to index
      %swap3A_593 = arith.index_cast %swap3A_591 : i32 to index
      %swap3A_594 = arith.index_cast %multiple_of3A : i32 to index
      %swap3A_595 = tpu.vector_load %arg7[%swap3A_592, %swap3A_593, %swap3A_594] {strides = array<i32>} : memref<8x2x2048xf32, #tpu.memory_space<vmem>>, vector<1x1x16xf32>,
      %swap3A_596 = vector.shape_cast %swap3A_595 : vector<1x1x16xf32> to vector<16xf32>
      %swap3A_597 = vector.shape_cast %add3A_589 : vector<16xf32> to vector<1x1x16xf32>
      tpu.vector_store %arg7[%swap3A_592, %swap3A_593, %swap3A_594], %swap3A_597 {strides = array<i32>} : memref<8x2x2048xf32, #tpu.memory_space<vmem>>, vector<1x1x16xf32>,
      %get3A_598 = arith.constant 3 : i32
      %get3A_599 = arith.constant 1 : i32
      %get3A_600 = arith.index_cast %get3A_598 : i32 to index
      %get3A_601 = arith.index_cast %get3A_599 : i32 to index
      %get3A_602 = arith.index_cast %multiple_of3A : i32 to index
      %get3A_603 = tpu.vector_load %arg7[%get3A_600, %get3A_601, %get3A_602] {strides = array<i32>} : memref<8x2x2048xf32, #tpu.memory_space<vmem>>, vector<1x1x16xf32>,
      %get3A_604 = vector.shape_cast %get3A_603 : vector<1x1x16xf32> to vector<16xf32>
      %add3A_605 = arith.addf %get3A_604, %get3A_486 : vector<16xf32>
      %swap3A_606 = arith.constant 3 : i32
      %swap3A_607 = arith.constant 1 : i32
      %swap3A_608 = arith.index_cast %swap3A_606 : i32 to index
      %swap3A_609 = arith.index_cast %swap3A_607 : i32 to index
      %swap3A_610 = arith.index_cast %multiple_of3A : i32 to index
      %swap3A_611 = tpu.vector_load %arg7[%swap3A_608, %swap3A_609, %swap3A_610] {strides = array<i32>} : memref<8x2x2048xf32, #tpu.memory_space<vmem>>, vector<1x1x16xf32>,
      %swap3A_612 = vector.shape_cast %swap3A_611 : vector<1x1x16xf32> to vector<16xf32>
      %swap3A_613 = vector.shape_cast %add3A_605 : vector<16xf32> to vector<1x1x16xf32>
      tpu.vector_store %arg7[%swap3A_608, %swap3A_609, %swap3A_610], %swap3A_613 {strides = array<i32>} : memref<8x2x2048xf32, #tpu.memory_space<vmem>>, vector<1x1x16xf32>,
      %get3A_614 = arith.constant 4 : i32
      %get3A_615 = arith.constant 0 : i32
      %get3A_616 = arith.index_cast %get3A_614 : i32 to index
      %get3A_617 = arith.index_cast %get3A_615 : i32 to index
      %get3A_618 = arith.index_cast %multiple_of3A : i32 to index
      %get3A_619 = tpu.vector_load %arg7[%get3A_616, %get3A_617, %get3A_618] {strides = array<i32>} : memref<8x2x2048xf32, #tpu.memory_space<vmem>>, vector<1x1x16xf32>,
      %get3A_620 = vector.shape_cast %get3A_619 : vector<1x1x16xf32> to vector<16xf32>
      %add3A_621 = arith.addf %get3A_620, %get3A_486 : vector<16xf32>
      %swap3A_622 = arith.constant 4 : i32
      %swap3A_623 = arith.constant 0 : i32
      %swap3A_624 = arith.index_cast %swap3A_622 : i32 to index
      %swap3A_625 = arith.index_cast %swap3A_623 : i32 to index
      %swap3A_626 = arith.index_cast %multiple_of3A : i32 to index
      %swap3A_627 = tpu.vector_load %arg7[%swap3A_624, %swap3A_625, %swap3A_626] {strides = array<i32>} : memref<8x2x2048xf32, #tpu.memory_space<vmem>>, vector<1x1x16xf32>,
      %swap3A_628 = vector.shape_cast %swap3A_627 : vector<1x1x16xf32> to vector<16xf32>
      %swap3A_629 = vector.shape_cast %add3A_621 : vector<16xf32> to vector<1x1x16xf32>
      tpu.vector_store %arg7[%swap3A_624, %swap3A_625, %swap3A_626], %swap3A_629 {strides = array<i32>} : memref<8x2x2048xf32, #tpu.memory_space<vmem>>, vector<1x1x16xf32>,
      %get3A_630 = arith.constant 4 : i32
      %get3A_631 = arith.constant 1 : i32
      %get3A_632 = arith.index_cast %get3A_630 : i32 to index
      %get3A_633 = arith.index_cast %get3A_631 : i32 to index
      %get3A_634 = arith.index_cast %multiple_of3A : i32 to index
      %get3A_635 = tpu.vector_load %arg7[%get3A_632, %get3A_633, %get3A_634] {strides = array<i32>} : memref<8x2x2048xf32, #tpu.memory_space<vmem>>, vector<1x1x16xf32>,
      %get3A_636 = vector.shape_cast %get3A_635 : vector<1x1x16xf32> to vector<16xf32>
      %add3A_637 = arith.addf %get3A_636, %get3A_486 : vector<16xf32>
      %swap3A_638 = arith.constant 4 : i32
      %swap3A_639 = arith.constant 1 : i32
      %swap3A_640 = arith.index_cast %swap3A_638 : i32 to index
      %swap3A_641 = arith.index_cast %swap3A_639 : i32 to index
      %swap3A_642 = arith.index_cast %multiple_of3A : i32 to index
      %swap3A_643 = tpu.vector_load %arg7[%swap3A_640, %swap3A_641, %swap3A_642] {strides = array<i32>} : memref<8x2x2048xf32, #tpu.memory_space<vmem>>, vector<1x1x16xf32>,
      %swap3A_644 = vector.shape_cast %swap3A_643 : vector<1x1x16xf32> to vector<16xf32>
      %swap3A_645 = vector.shape_cast %add3A_637 : vector<16xf32> to vector<1x1x16xf32>
      tpu.vector_store %arg7[%swap3A_640, %swap3A_641, %swap3A_642], %swap3A_645 {strides = array<i32>} : memref<8x2x2048xf32, #tpu.memory_space<vmem>>, vector<1x1x16xf32>,
      %get3A_646 = arith.constant 5 : i32
      %get3A_647 = arith.constant 0 : i32
      %get3A_648 = arith.index_cast %get3A_646 : i32 to index
      %get3A_649 = arith.index_cast %get3A_647 : i32 to index
      %get3A_650 = arith.index_cast %multiple_of3A : i32 to index
      %get3A_651 = tpu.vector_load %arg7[%get3A_648, %get3A_649, %get3A_650] {strides = array<i32>} : memref<8x2x2048xf32, #tpu.memory_space<vmem>>, vector<1x1x16xf32>,
      %get3A_652 = vector.shape_cast %get3A_651 : vector<1x1x16xf32> to vector<16xf32>
      %add3A_653 = arith.addf %get3A_652, %get3A_486 : vector<16xf32>
      %swap3A_654 = arith.constant 5 : i32
      %swap3A_655 = arith.constant 0 : i32
      %swap3A_656 = arith.index_cast %swap3A_654 : i32 to index
      %swap3A_657 = arith.index_cast %swap3A_655 : i32 to index
      %swap3A_658 = arith.index_cast %multiple_of3A : i32 to index
      %swap3A_659 = tpu.vector_load %arg7[%swap3A_656, %swap3A_657, %swap3A_658] {strides = array<i32>} : memref<8x2x2048xf32, #tpu.memory_space<vmem>>, vector<1x1x16xf32>,
      %swap3A_660 = vector.shape_cast %swap3A_659 : vector<1x1x16xf32> to vector<16xf32>
      %swap3A_661 = vector.shape_cast %add3A_653 : vector<16xf32> to vector<1x1x16xf32>
      tpu.vector_store %arg7[%swap3A_656, %swap3A_657, %swap3A_658], %swap3A_661 {strides = array<i32>} : memref<8x2x2048xf32, #tpu.memory_space<vmem>>, vector<1x1x16xf32>,
      %get3A_662 = arith.constant 5 : i32
      %get3A_663 = arith.constant 1 : i32
      %get3A_664 = arith.index_cast %get3A_662 : i32 to index
      %get3A_665 = arith.index_cast %get3A_663 : i32 to index
      %get3A_666 = arith.index_cast %multiple_of3A : i32 to index
      %get3A_667 = tpu.vector_load %arg7[%get3A_664, %get3A_665, %get3A_666] {strides = array<i32>} : memref<8x2x2048xf32, #tpu.memory_space<vmem>>, vector<1x1x16xf32>,
      %get3A_668 = vector.shape_cast %get3A_667 : vector<1x1x16xf32> to vector<16xf32>
      %add3A_669 = arith.addf %get3A_668, %get3A_486 : vector<16xf32>
      %swap3A_670 = arith.constant 5 : i32
      %swap3A_671 = arith.constant 1 : i32
      %swap3A_672 = arith.index_cast %swap3A_670 : i32 to index
      %swap3A_673 = arith.index_cast %swap3A_671 : i32 to index
      %swap3A_674 = arith.index_cast %multiple_of3A : i32 to index
      %swap3A_675 = tpu.vector_load %arg7[%swap3A_672, %swap3A_673, %swap3A_674] {strides = array<i32>} : memref<8x2x2048xf32, #tpu.memory_space<vmem>>, vector<1x1x16xf32>,
      %swap3A_676 = vector.shape_cast %swap3A_675 : vector<1x1x16xf32> to vector<16xf32>
      %swap3A_677 = vector.shape_cast %add3A_669 : vector<16xf32> to vector<1x1x16xf32>
      tpu.vector_store %arg7[%swap3A_672, %swap3A_673, %swap3A_674], %swap3A_677 {strides = array<i32>} : memref<8x2x2048xf32, #tpu.memory_space<vmem>>, vector<1x1x16xf32>,
      %get3A_678 = arith.constant 6 : i32
      %get3A_679 = arith.constant 0 : i32
      %get3A_680 = arith.index_cast %get3A_678 : i32 to index
      %get3A_681 = arith.index_cast %get3A_679 : i32 to index
      %get3A_682 = arith.index_cast %multiple_of3A : i32 to index
      %get3A_683 = tpu.vector_load %arg7[%get3A_680, %get3A_681, %get3A_682] {strides = array<i32>} : memref<8x2x2048xf32, #tpu.memory_space<vmem>>, vector<1x1x16xf32>,
      %get3A_684 = vector.shape_cast %get3A_683 : vector<1x1x16xf32> to vector<16xf32>
      %add3A_685 = arith.addf %get3A_684, %get3A_486 : vector<16xf32>
      %swap3A_686 = arith.constant 6 : i32
      %swap3A_687 = arith.constant 0 : i32
      %swap3A_688 = arith.index_cast %swap3A_686 : i32 to index
      %swap3A_689 = arith.index_cast %swap3A_687 : i32 to index
      %swap3A_690 = arith.index_cast %multiple_of3A : i32 to index
      %swap3A_691 = tpu.vector_load %arg7[%swap3A_688, %swap3A_689, %swap3A_690] {strides = array<i32>} : memref<8x2x2048xf32, #tpu.memory_space<vmem>>, vector<1x1x16xf32>,
      %swap3A_692 = vector.shape_cast %swap3A_691 : vector<1x1x16xf32> to vector<16xf32>
      %swap3A_693 = vector.shape_cast %add3A_685 : vector<16xf32> to vector<1x1x16xf32>
      tpu.vector_store %arg7[%swap3A_688, %swap3A_689, %swap3A_690], %swap3A_693 {strides = array<i32>} : memref<8x2x2048xf32, #tpu.memory_space<vmem>>, vector<1x1x16xf32>,
      %get3A_694 = arith.constant 6 : i32
      %get3A_695 = arith.constant 1 : i32
      %get3A_696 = arith.index_cast %get3A_694 : i32 to index
      %get3A_697 = arith.index_cast %get3A_695 : i32 to index
      %get3A_698 = arith.index_cast %multiple_of3A : i32 to index
      %get3A_699 = tpu.vector_load %arg7[%get3A_696, %get3A_697, %get3A_698] {strides = array<i32>} : memref<8x2x2048xf32, #tpu.memory_space<vmem>>, vector<1x1x16xf32>,
      %get3A_700 = vector.shape_cast %get3A_699 : vector<1x1x16xf32> to vector<16xf32>
      %add3A_701 = arith.addf %get3A_700, %get3A_486 : vector<16xf32>
      %swap3A_702 = arith.constant 6 : i32
      %swap3A_703 = arith.constant 1 : i32
      %swap3A_704 = arith.index_cast %swap3A_702 : i32 to index
      %swap3A_705 = arith.index_cast %swap3A_703 : i32 to index
      %swap3A_706 = arith.index_cast %multiple_of3A : i32 to index
      %swap3A_707 = tpu.vector_load %arg7[%swap3A_704, %swap3A_705, %swap3A_706] {strides = array<i32>} : memref<8x2x2048xf32, #tpu.memory_space<vmem>>, vector<1x1x16xf32>,
      %swap3A_708 = vector.shape_cast %swap3A_707 : vector<1x1x16xf32> to vector<16xf32>
      %swap3A_709 = vector.shape_cast %add3A_701 : vector<16xf32> to vector<1x1x16xf32>
      tpu.vector_store %arg7[%swap3A_704, %swap3A_705, %swap3A_706], %swap3A_709 {strides = array<i32>} : memref<8x2x2048xf32, #tpu.memory_space<vmem>>, vector<1x1x16xf32>,
      %get3A_710 = arith.constant 7 : i32
      %get3A_711 = arith.constant 0 : i32
      %get3A_712 = arith.index_cast %get3A_710 : i32 to index
      %get3A_713 = arith.index_cast %get3A_711 : i32 to index
      %get3A_714 = arith.index_cast %multiple_of3A : i32 to index
      %get3A_715 = tpu.vector_load %arg7[%get3A_712, %get3A_713, %get3A_714] {strides = array<i32>} : memref<8x2x2048xf32, #tpu.memory_space<vmem>>, vector<1x1x16xf32>,
      %get3A_716 = vector.shape_cast %get3A_715 : vector<1x1x16xf32> to vector<16xf32>
      %add3A_717 = arith.addf %get3A_716, %get3A_486 : vector<16xf32>
      %swap3A_718 = arith.constant 7 : i32
      %swap3A_719 = arith.constant 0 : i32
      %swap3A_720 = arith.index_cast %swap3A_718 : i32 to index
      %swap3A_721 = arith.index_cast %swap3A_719 : i32 to index
      %swap3A_722 = arith.index_cast %multiple_of3A : i32 to index
      %swap3A_723 = tpu.vector_load %arg7[%swap3A_720, %swap3A_721, %swap3A_722] {strides = array<i32>} : memref<8x2x2048xf32, #tpu.memory_space<vmem>>, vector<1x1x16xf32>,
      %swap3A_724 = vector.shape_cast %swap3A_723 : vector<1x1x16xf32> to vector<16xf32>
      %swap3A_725 = vector.shape_cast %add3A_717 : vector<16xf32> to vector<1x1x16xf32>
      tpu.vector_store %arg7[%swap3A_720, %swap3A_721, %swap3A_722], %swap3A_725 {strides = array<i32>} : memref<8x2x2048xf32, #tpu.memory_space<vmem>>, vector<1x1x16xf32>,
      %get3A_726 = arith.constant 7 : i32
      %get3A_727 = arith.constant 1 : i32
      %get3A_728 = arith.index_cast %get3A_726 : i32 to index
      %get3A_729 = arith.index_cast %get3A_727 : i32 to index
      %get3A_730 = arith.index_cast %multiple_of3A : i32 to index
      %get3A_731 = tpu.vector_load %arg7[%get3A_728, %get3A_729, %get3A_730] {strides = array<i32>} : memref<8x2x2048xf32, #tpu.memory_space<vmem>>, vector<1x1x16xf32>,
      %get3A_732 = vector.shape_cast %get3A_731 : vector<1x1x16xf32> to vector<16xf32>
      %add3A_733 = arith.addf %get3A_732, %get3A_486 : vector<16xf32>
      %swap3A_734 = arith.constant 7 : i32
      %swap3A_735 = arith.constant 1 : i32
      %swap3A_736 = arith.index_cast %swap3A_734 : i32 to index
      %swap3A_737 = arith.index_cast %swap3A_735 : i32 to index
      %swap3A_738 = arith.index_cast %multiple_of3A : i32 to index
      %swap3A_739 = tpu.vector_load %arg7[%swap3A_736, %swap3A_737, %swap3A_738] {strides = array<i32>} : memref<8x2x2048xf32, #tpu.memory_space<vmem>>, vector<1x1x16xf32>,
      %swap3A_740 = vector.shape_cast %swap3A_739 : vector<1x1x16xf32> to vector<16xf32>
      %swap3A_741 = vector.shape_cast %add3A_733 : vector<16xf32> to vector<1x1x16xf32>
      tpu.vector_store %arg7[%swap3A_736, %swap3A_737, %swap3A_738], %swap3A_741 {strides = array<i32>} : memref<8x2x2048xf32, #tpu.memory_space<vmem>>, vector<1x1x16xf32>,
      %scan3A_742 = arith.constant 0 : i32
      scf.yield %scan3A_742 : i32
    }
    %scan3A_115 = arith.constant 128 : i32
    %add3A_116 = arith.constant 8 : i32
    %add3A_117 = arith.addi %mul3A_2, %add3A_116 : i32
    %dma_start3A_118 = arith.constant 0 : i32
    %dma_start3A_119 = arith.constant 0 : i32
    %dma_start3A_120 = tpu.memref_slice %arg4[%add3A_117, %dma_start3A_118, %dma_start3A_119] : memref<8192x2x2048xf32, #tpu.memory_space<hbm>> -> memref<8x2x2048xf32, #tpu.memory_space<hbm>>
    %dma_start3A_121 = arith.constant 0 : i32
    %dma_start3A_122 = arith.constant 0 : i32
    %dma_start3A_123 = tpu.memref_slice %arg4[%add3A_117, %dma_start3A_121, %dma_start3A_122] : memref<8192x2x2048xf32, #tpu.memory_space<hbm>> -> memref<8x2x2048xf32, #tpu.memory_space<hbm>>
    tpu.enqueue_dma source(%arg7 : memref<8x2x2048xf32, #tpu.memory_space<vmem>>) target(%dma_start3A_123 : memref<8x2x2048xf32, #tpu.memory_space<hbm>>) target_semaphore(%arg13 : memref<!tpu.dma_semaphore, #tpu.memory_space<semaphore_mem>>)
    %dma_wait3A_124 = arith.constant 0 : i32
    %dma_wait3A_125 = arith.constant 0 : i32
    %dma_wait3A_126 = tpu.memref_slice %arg4[%add3A_117, %dma_wait3A_124, %dma_wait3A_125] : memref<8192x2x2048xf32, #tpu.memory_space<hbm>> -> memref<8x2x2048xf32, #tpu.memory_space<hbm>>
    %dma_wait3A_127 = arith.constant 0 : i32
    %dma_wait3A_128 = arith.constant 0 : i32
    %dma_wait3A_129 = tpu.memref_slice %arg4[%add3A_117, %dma_wait3A_127, %dma_wait3A_128] : memref<8192x2x2048xf32, #tpu.memory_space<hbm>> -> memref<8x2x2048xf32, #tpu.memory_space<hbm>>
    tpu.wait_dma2 semaphore(%arg13 : memref<!tpu.dma_semaphore, #tpu.memory_space<semaphore_mem>>) src(%arg7 : memref<8x2x2048xf32, #tpu.memory_space<vmem>>) dst(%dma_wait3A_129 : memref<8x2x2048xf32, #tpu.memory_space<hbm>>)
    %add3A_130 = arith.constant 32 : i32
    %add3A_131 = arith.addi %mul3A_2, %add3A_130 : i32
    %dma_start3A_132 = arith.constant 0 : i32
    %dma_start3A_133 = arith.constant 0 : i32
    %dma_start3A_134 = tpu.memref_slice %arg2[%add3A_131, %dma_start3A_132, %dma_start3A_133] : memref<8192x2x2048xf32, #tpu.memory_space<hbm>> -> memref<8x2x2048xf32, #tpu.memory_space<hbm>>
    %dma_start3A_135 = arith.constant 0 : i32
    %dma_start3A_136 = arith.constant 0 : i32
    %dma_start3A_137 = tpu.memref_slice %arg2[%add3A_131, %dma_start3A_135, %dma_start3A_136] : memref<8192x2x2048xf32, #tpu.memory_space<hbm>> -> memref<8x2x2048xf32, #tpu.memory_space<hbm>>
    tpu.enqueue_dma source(%dma_start3A_137 : memref<8x2x2048xf32, #tpu.memory_space<hbm>>) target(%arg7 : memref<8x2x2048xf32, #tpu.memory_space<vmem>>) target_semaphore(%arg10 : memref<!tpu.dma_semaphore, #tpu.memory_space<semaphore_mem>>)
    %dma_wait3A_138 = arith.constant 0 : i32
    %dma_wait3A_139 = arith.constant 0 : i32
    %dma_wait3A_140 = tpu.memref_slice %arg2[%add3A_19, %dma_wait3A_138, %dma_wait3A_139] : memref<8192x2x2048xf32, #tpu.memory_space<hbm>> -> memref<8x2x2048xf32, #tpu.memory_space<hbm>>
    %dma_wait3A_141 = arith.constant 0 : i32
    %dma_wait3A_142 = arith.constant 0 : i32
    %dma_wait3A_143 = tpu.memref_slice %arg2[%add3A_19, %dma_wait3A_141, %dma_wait3A_142] : memref<8192x2x2048xf32, #tpu.memory_space<hbm>> -> memref<8x2x2048xf32, #tpu.memory_space<hbm>>
    tpu.wait_dma2 semaphore(%arg11 : memref<!tpu.dma_semaphore, #tpu.memory_space<semaphore_mem>>) src(%dma_wait3A_143 : memref<8x2x2048xf32, #tpu.memory_space<hbm>>) dst(%arg8 : memref<8x2x2048xf32, #tpu.memory_space<vmem>>)
    %add3A_144 = arith.constant 16 : i32
    %add3A_145 = arith.addi %mul3A_2, %add3A_144 : i32
    %jit3A_146 = arith.constant 2048 : i32
    %div3A_147 = arith.divsi %add3A_145, %jit3A_146 : i32
    %sign3A_148 = arith.constant 0 : i32
    %sign3A_149 = arith.cmpi sgt, %add3A_145, %sign3A_148 : i32
    %sign3A_150 = arith.extui %sign3A_149 : i1 to i32
    %sign3A_151 = arith.constant 0 : i32
    %sign3A_152 = arith.cmpi slt, %add3A_145, %sign3A_151 : i32
    %sign3A_153 = arith.extui %sign3A_152 : i1 to i32
    %sign3A_154 = arith.subi %sign3A_150, %sign3A_153 : i32
    %sign3A_155 = arith.constant 0 : i32
    %sign3A_156 = arith.cmpi sgt, %jit3A_146, %sign3A_155 : i32
    %sign3A_157 = arith.extui %sign3A_156 : i1 to i32
    %sign3A_158 = arith.constant 0 : i32
    %sign3A_159 = arith.cmpi slt, %jit3A_146, %sign3A_158 : i32
    %sign3A_160 = arith.extui %sign3A_159 : i1 to i32
    %sign3A_161 = arith.subi %sign3A_157, %sign3A_160 : i32
    %ne3A_162 = arith.cmpi ne, %sign3A_154, %sign3A_161 : i32
    %rem3A_163 = arith.remsi %add3A_145, %jit3A_146 : i32
    %ne3A_164 = arith.constant 0 : i32
    %ne3A_165 = arith.cmpi ne, %rem3A_163, %ne3A_164 : i32
    %and3A_166 = arith.andi %ne3A_162, %ne3A_165 : i1
    %sub3A_167 = arith.constant 1 : i32
    %sub3A_168 = arith.subi %div3A_147, %sub3A_167 : i32
    %select_n3A_169 = arith.select %and3A_166, %sub3A_168, %div3A_147 : i32
    %scan3A_170 = arith.constant 0 : i32
    %scan3A_171 = arith.constant 0 : i32
    %scan3A_172 = arith.constant 128 : i32
    %scan3A_173 = arith.addi %scan3A_171, %scan3A_172 : i32
    %scan3A_174 = arith.constant 1 : i32
    %scan3A_175 = scf.for %scan3A_480 = %scan3A_171 to %scan3A_173 step %scan3A_174 iter_args(%scan3A_481 = %scan3A_170) -> (i32)  : i32 {
      %mul3A_482 = arith.constant 16 : i32
      %mul3A_483 = arith.muli %scan3A_480, %mul3A_482 : i32
      %multiple_of3A = tpu.assume_multiple %mul3A_483, 16 : i32
      %get3A = arith.index_cast %select_n3A_169 : i32 to index
      %get3A_484 = arith.index_cast %multiple_of3A : i32 to index
      %get3A_485 = tpu.vector_load %arg5[%get3A, %get3A_484] {strides = array<i32>} : memref<4x2048xf32, #tpu.memory_space<vmem>>, vector<1x16xf32>,
      %get3A_486 = vector.shape_cast %get3A_485 : vector<1x16xf32> to vector<16xf32>
      %get3A_487 = arith.constant 0 : i32
      %get3A_488 = arith.constant 0 : i32
      %get3A_489 = arith.index_cast %get3A_487 : i32 to index
      %get3A_490 = arith.index_cast %get3A_488 : i32 to index
      %get3A_491 = arith.index_cast %multiple_of3A : i32 to index
      %get3A_492 = tpu.vector_load %arg8[%get3A_489, %get3A_490, %get3A_491] {strides = array<i32>} : memref<8x2x2048xf32, #tpu.memory_space<vmem>>, vector<1x1x16xf32>,
      %get3A_493 = vector.shape_cast %get3A_492 : vector<1x1x16xf32> to vector<16xf32>
      %add3A_494 = arith.addf %get3A_493, %get3A_486 : vector<16xf32>
      %swap3A = arith.constant 0 : i32
      %swap3A_495 = arith.constant 0 : i32
      %swap3A_496 = arith.index_cast %swap3A : i32 to index
      %swap3A_497 = arith.index_cast %swap3A_495 : i32 to index
      %swap3A_498 = arith.index_cast %multiple_of3A : i32 to index
      %swap3A_499 = tpu.vector_load %arg8[%swap3A_496, %swap3A_497, %swap3A_498] {strides = array<i32>} : memref<8x2x2048xf32, #tpu.memory_space<vmem>>, vector<1x1x16xf32>,
      %swap3A_500 = vector.shape_cast %swap3A_499 : vector<1x1x16xf32> to vector<16xf32>
      %swap3A_501 = vector.shape_cast %add3A_494 : vector<16xf32> to vector<1x1x16xf32>
      tpu.vector_store %arg8[%swap3A_496, %swap3A_497, %swap3A_498], %swap3A_501 {strides = array<i32>} : memref<8x2x2048xf32, #tpu.memory_space<vmem>>, vector<1x1x16xf32>,
      %get3A_502 = arith.constant 0 : i32
      %get3A_503 = arith.constant 1 : i32
      %get3A_504 = arith.index_cast %get3A_502 : i32 to index
      %get3A_505 = arith.index_cast %get3A_503 : i32 to index
      %get3A_506 = arith.index_cast %multiple_of3A : i32 to index
      %get3A_507 = tpu.vector_load %arg8[%get3A_504, %get3A_505, %get3A_506] {strides = array<i32>} : memref<8x2x2048xf32, #tpu.memory_space<vmem>>, vector<1x1x16xf32>,
      %get3A_508 = vector.shape_cast %get3A_507 : vector<1x1x16xf32> to vector<16xf32>
      %add3A_509 = arith.addf %get3A_508, %get3A_486 : vector<16xf32>
      %swap3A_510 = arith.constant 0 : i32
      %swap3A_511 = arith.constant 1 : i32
      %swap3A_512 = arith.index_cast %swap3A_510 : i32 to index
      %swap3A_513 = arith.index_cast %swap3A_511 : i32 to index
      %swap3A_514 = arith.index_cast %multiple_of3A : i32 to index
      %swap3A_515 = tpu.vector_load %arg8[%swap3A_512, %swap3A_513, %swap3A_514] {strides = array<i32>} : memref<8x2x2048xf32, #tpu.memory_space<vmem>>, vector<1x1x16xf32>,
      %swap3A_516 = vector.shape_cast %swap3A_515 : vector<1x1x16xf32> to vector<16xf32>
      %swap3A_517 = vector.shape_cast %add3A_509 : vector<16xf32> to vector<1x1x16xf32>
      tpu.vector_store %arg8[%swap3A_512, %swap3A_513, %swap3A_514], %swap3A_517 {strides = array<i32>} : memref<8x2x2048xf32, #tpu.memory_space<vmem>>, vector<1x1x16xf32>,
      %get3A_518 = arith.constant 1 : i32
      %get3A_519 = arith.constant 0 : i32
      %get3A_520 = arith.index_cast %get3A_518 : i32 to index
      %get3A_521 = arith.index_cast %get3A_519 : i32 to index
      %get3A_522 = arith.index_cast %multiple_of3A : i32 to index
      %get3A_523 = tpu.vector_load %arg8[%get3A_520, %get3A_521, %get3A_522] {strides = array<i32>} : memref<8x2x2048xf32, #tpu.memory_space<vmem>>, vector<1x1x16xf32>,
      %get3A_524 = vector.shape_cast %get3A_523 : vector<1x1x16xf32> to vector<16xf32>
      %add3A_525 = arith.addf %get3A_524, %get3A_486 : vector<16xf32>
      %swap3A_526 = arith.constant 1 : i32
      %swap3A_527 = arith.constant 0 : i32
      %swap3A_528 = arith.index_cast %swap3A_526 : i32 to index
      %swap3A_529 = arith.index_cast %swap3A_527 : i32 to index
      %swap3A_530 = arith.index_cast %multiple_of3A : i32 to index
      %swap3A_531 = tpu.vector_load %arg8[%swap3A_528, %swap3A_529, %swap3A_530] {strides = array<i32>} : memref<8x2x2048xf32, #tpu.memory_space<vmem>>, vector<1x1x16xf32>,
      %swap3A_532 = vector.shape_cast %swap3A_531 : vector<1x1x16xf32> to vector<16xf32>
      %swap3A_533 = vector.shape_cast %add3A_525 : vector<16xf32> to vector<1x1x16xf32>
      tpu.vector_store %arg8[%swap3A_528, %swap3A_529, %swap3A_530], %swap3A_533 {strides = array<i32>} : memref<8x2x2048xf32, #tpu.memory_space<vmem>>, vector<1x1x16xf32>,
      %get3A_534 = arith.constant 1 : i32
      %get3A_535 = arith.constant 1 : i32
      %get3A_536 = arith.index_cast %get3A_534 : i32 to index
      %get3A_537 = arith.index_cast %get3A_535 : i32 to index
      %get3A_538 = arith.index_cast %multiple_of3A : i32 to index
      %get3A_539 = tpu.vector_load %arg8[%get3A_536, %get3A_537, %get3A_538] {strides = array<i32>} : memref<8x2x2048xf32, #tpu.memory_space<vmem>>, vector<1x1x16xf32>,
      %get3A_540 = vector.shape_cast %get3A_539 : vector<1x1x16xf32> to vector<16xf32>
      %add3A_541 = arith.addf %get3A_540, %get3A_486 : vector<16xf32>
      %swap3A_542 = arith.constant 1 : i32
      %swap3A_543 = arith.constant 1 : i32
      %swap3A_544 = arith.index_cast %swap3A_542 : i32 to index
      %swap3A_545 = arith.index_cast %swap3A_543 : i32 to index
      %swap3A_546 = arith.index_cast %multiple_of3A : i32 to index
      %swap3A_547 = tpu.vector_load %arg8[%swap3A_544, %swap3A_545, %swap3A_546] {strides = array<i32>} : memref<8x2x2048xf32, #tpu.memory_space<vmem>>, vector<1x1x16xf32>,
      %swap3A_548 = vector.shape_cast %swap3A_547 : vector<1x1x16xf32> to vector<16xf32>
      %swap3A_549 = vector.shape_cast %add3A_541 : vector<16xf32> to vector<1x1x16xf32>
      tpu.vector_store %arg8[%swap3A_544, %swap3A_545, %swap3A_546], %swap3A_549 {strides = array<i32>} : memref<8x2x2048xf32, #tpu.memory_space<vmem>>, vector<1x1x16xf32>,
      %get3A_550 = arith.constant 2 : i32
      %get3A_551 = arith.constant 0 : i32
      %get3A_552 = arith.index_cast %get3A_550 : i32 to index
      %get3A_553 = arith.index_cast %get3A_551 : i32 to index
      %get3A_554 = arith.index_cast %multiple_of3A : i32 to index
      %get3A_555 = tpu.vector_load %arg8[%get3A_552, %get3A_553, %get3A_554] {strides = array<i32>} : memref<8x2x2048xf32, #tpu.memory_space<vmem>>, vector<1x1x16xf32>,
      %get3A_556 = vector.shape_cast %get3A_555 : vector<1x1x16xf32> to vector<16xf32>
      %add3A_557 = arith.addf %get3A_556, %get3A_486 : vector<16xf32>
      %swap3A_558 = arith.constant 2 : i32
      %swap3A_559 = arith.constant 0 : i32
      %swap3A_560 = arith.index_cast %swap3A_558 : i32 to index
      %swap3A_561 = arith.index_cast %swap3A_559 : i32 to index
      %swap3A_562 = arith.index_cast %multiple_of3A : i32 to index
      %swap3A_563 = tpu.vector_load %arg8[%swap3A_560, %swap3A_561, %swap3A_562] {strides = array<i32>} : memref<8x2x2048xf32, #tpu.memory_space<vmem>>, vector<1x1x16xf32>,
      %swap3A_564 = vector.shape_cast %swap3A_563 : vector<1x1x16xf32> to vector<16xf32>
      %swap3A_565 = vector.shape_cast %add3A_557 : vector<16xf32> to vector<1x1x16xf32>
      tpu.vector_store %arg8[%swap3A_560, %swap3A_561, %swap3A_562], %swap3A_565 {strides = array<i32>} : memref<8x2x2048xf32, #tpu.memory_space<vmem>>, vector<1x1x16xf32>,
      %get3A_566 = arith.constant 2 : i32
      %get3A_567 = arith.constant 1 : i32
      %get3A_568 = arith.index_cast %get3A_566 : i32 to index
      %get3A_569 = arith.index_cast %get3A_567 : i32 to index
      %get3A_570 = arith.index_cast %multiple_of3A : i32 to index
      %get3A_571 = tpu.vector_load %arg8[%get3A_568, %get3A_569, %get3A_570] {strides = array<i32>} : memref<8x2x2048xf32, #tpu.memory_space<vmem>>, vector<1x1x16xf32>,
      %get3A_572 = vector.shape_cast %get3A_571 : vector<1x1x16xf32> to vector<16xf32>
      %add3A_573 = arith.addf %get3A_572, %get3A_486 : vector<16xf32>
      %swap3A_574 = arith.constant 2 : i32
      %swap3A_575 = arith.constant 1 : i32
      %swap3A_576 = arith.index_cast %swap3A_574 : i32 to index
      %swap3A_577 = arith.index_cast %swap3A_575 : i32 to index
      %swap3A_578 = arith.index_cast %multiple_of3A : i32 to index
      %swap3A_579 = tpu.vector_load %arg8[%swap3A_576, %swap3A_577, %swap3A_578] {strides = array<i32>} : memref<8x2x2048xf32, #tpu.memory_space<vmem>>, vector<1x1x16xf32>,
      %swap3A_580 = vector.shape_cast %swap3A_579 : vector<1x1x16xf32> to vector<16xf32>
      %swap3A_581 = vector.shape_cast %add3A_573 : vector<16xf32> to vector<1x1x16xf32>
      tpu.vector_store %arg8[%swap3A_576, %swap3A_577, %swap3A_578], %swap3A_581 {strides = array<i32>} : memref<8x2x2048xf32, #tpu.memory_space<vmem>>, vector<1x1x16xf32>,
      %get3A_582 = arith.constant 3 : i32
      %get3A_583 = arith.constant 0 : i32
      %get3A_584 = arith.index_cast %get3A_582 : i32 to index
      %get3A_585 = arith.index_cast %get3A_583 : i32 to index
      %get3A_586 = arith.index_cast %multiple_of3A : i32 to index
      %get3A_587 = tpu.vector_load %arg8[%get3A_584, %get3A_585, %get3A_586] {strides = array<i32>} : memref<8x2x2048xf32, #tpu.memory_space<vmem>>, vector<1x1x16xf32>,
      %get3A_588 = vector.shape_cast %get3A_587 : vector<1x1x16xf32> to vector<16xf32>
      %add3A_589 = arith.addf %get3A_588, %get3A_486 : vector<16xf32>
      %swap3A_590 = arith.constant 3 : i32
      %swap3A_591 = arith.constant 0 : i32
      %swap3A_592 = arith.index_cast %swap3A_590 : i32 to index
      %swap3A_593 = arith.index_cast %swap3A_591 : i32 to index
      %swap3A_594 = arith.index_cast %multiple_of3A : i32 to index
      %swap3A_595 = tpu.vector_load %arg8[%swap3A_592, %swap3A_593, %swap3A_594] {strides = array<i32>} : memref<8x2x2048xf32, #tpu.memory_space<vmem>>, vector<1x1x16xf32>,
      %swap3A_596 = vector.shape_cast %swap3A_595 : vector<1x1x16xf32> to vector<16xf32>
      %swap3A_597 = vector.shape_cast %add3A_589 : vector<16xf32> to vector<1x1x16xf32>
      tpu.vector_store %arg8[%swap3A_592, %swap3A_593, %swap3A_594], %swap3A_597 {strides = array<i32>} : memref<8x2x2048xf32, #tpu.memory_space<vmem>>, vector<1x1x16xf32>,
      %get3A_598 = arith.constant 3 : i32
      %get3A_599 = arith.constant 1 : i32
      %get3A_600 = arith.index_cast %get3A_598 : i32 to index
      %get3A_601 = arith.index_cast %get3A_599 : i32 to index
      %get3A_602 = arith.index_cast %multiple_of3A : i32 to index
      %get3A_603 = tpu.vector_load %arg8[%get3A_600, %get3A_601, %get3A_602] {strides = array<i32>} : memref<8x2x2048xf32, #tpu.memory_space<vmem>>, vector<1x1x16xf32>,
      %get3A_604 = vector.shape_cast %get3A_603 : vector<1x1x16xf32> to vector<16xf32>
      %add3A_605 = arith.addf %get3A_604, %get3A_486 : vector<16xf32>
      %swap3A_606 = arith.constant 3 : i32
      %swap3A_607 = arith.constant 1 : i32
      %swap3A_608 = arith.index_cast %swap3A_606 : i32 to index
      %swap3A_609 = arith.index_cast %swap3A_607 : i32 to index
      %swap3A_610 = arith.index_cast %multiple_of3A : i32 to index
      %swap3A_611 = tpu.vector_load %arg8[%swap3A_608, %swap3A_609, %swap3A_610] {strides = array<i32>} : memref<8x2x2048xf32, #tpu.memory_space<vmem>>, vector<1x1x16xf32>,
      %swap3A_612 = vector.shape_cast %swap3A_611 : vector<1x1x16xf32> to vector<16xf32>
      %swap3A_613 = vector.shape_cast %add3A_605 : vector<16xf32> to vector<1x1x16xf32>
      tpu.vector_store %arg8[%swap3A_608, %swap3A_609, %swap3A_610], %swap3A_613 {strides = array<i32>} : memref<8x2x2048xf32, #tpu.memory_space<vmem>>, vector<1x1x16xf32>,
      %get3A_614 = arith.constant 4 : i32
      %get3A_615 = arith.constant 0 : i32
      %get3A_616 = arith.index_cast %get3A_614 : i32 to index
      %get3A_617 = arith.index_cast %get3A_615 : i32 to index
      %get3A_618 = arith.index_cast %multiple_of3A : i32 to index
      %get3A_619 = tpu.vector_load %arg8[%get3A_616, %get3A_617, %get3A_618] {strides = array<i32>} : memref<8x2x2048xf32, #tpu.memory_space<vmem>>, vector<1x1x16xf32>,
      %get3A_620 = vector.shape_cast %get3A_619 : vector<1x1x16xf32> to vector<16xf32>
      %add3A_621 = arith.addf %get3A_620, %get3A_486 : vector<16xf32>
      %swap3A_622 = arith.constant 4 : i32
      %swap3A_623 = arith.constant 0 : i32
      %swap3A_624 = arith.index_cast %swap3A_622 : i32 to index
      %swap3A_625 = arith.index_cast %swap3A_623 : i32 to index
      %swap3A_626 = arith.index_cast %multiple_of3A : i32 to index
      %swap3A_627 = tpu.vector_load %arg8[%swap3A_624, %swap3A_625, %swap3A_626] {strides = array<i32>} : memref<8x2x2048xf32, #tpu.memory_space<vmem>>, vector<1x1x16xf32>,
      %swap3A_628 = vector.shape_cast %swap3A_627 : vector<1x1x16xf32> to vector<16xf32>
      %swap3A_629 = vector.shape_cast %add3A_621 : vector<16xf32> to vector<1x1x16xf32>
      tpu.vector_store %arg8[%swap3A_624, %swap3A_625, %swap3A_626], %swap3A_629 {strides = array<i32>} : memref<8x2x2048xf32, #tpu.memory_space<vmem>>, vector<1x1x16xf32>,
      %get3A_630 = arith.constant 4 : i32
      %get3A_631 = arith.constant 1 : i32
      %get3A_632 = arith.index_cast %get3A_630 : i32 to index
      %get3A_633 = arith.index_cast %get3A_631 : i32 to index
      %get3A_634 = arith.index_cast %multiple_of3A : i32 to index
      %get3A_635 = tpu.vector_load %arg8[%get3A_632, %get3A_633, %get3A_634] {strides = array<i32>} : memref<8x2x2048xf32, #tpu.memory_space<vmem>>, vector<1x1x16xf32>,
      %get3A_636 = vector.shape_cast %get3A_635 : vector<1x1x16xf32> to vector<16xf32>
      %add3A_637 = arith.addf %get3A_636, %get3A_486 : vector<16xf32>
      %swap3A_638 = arith.constant 4 : i32
      %swap3A_639 = arith.constant 1 : i32
      %swap3A_640 = arith.index_cast %swap3A_638 : i32 to index
      %swap3A_641 = arith.index_cast %swap3A_639 : i32 to index
      %swap3A_642 = arith.index_cast %multiple_of3A : i32 to index
      %swap3A_643 = tpu.vector_load %arg8[%swap3A_640, %swap3A_641, %swap3A_642] {strides = array<i32>} : memref<8x2x2048xf32, #tpu.memory_space<vmem>>, vector<1x1x16xf32>,
      %swap3A_644 = vector.shape_cast %swap3A_643 : vector<1x1x16xf32> to vector<16xf32>
      %swap3A_645 = vector.shape_cast %add3A_637 : vector<16xf32> to vector<1x1x16xf32>
      tpu.vector_store %arg8[%swap3A_640, %swap3A_641, %swap3A_642], %swap3A_645 {strides = array<i32>} : memref<8x2x2048xf32, #tpu.memory_space<vmem>>, vector<1x1x16xf32>,
      %get3A_646 = arith.constant 5 : i32
      %get3A_647 = arith.constant 0 : i32
      %get3A_648 = arith.index_cast %get3A_646 : i32 to index
      %get3A_649 = arith.index_cast %get3A_647 : i32 to index
      %get3A_650 = arith.index_cast %multiple_of3A : i32 to index
      %get3A_651 = tpu.vector_load %arg8[%get3A_648, %get3A_649, %get3A_650] {strides = array<i32>} : memref<8x2x2048xf32, #tpu.memory_space<vmem>>, vector<1x1x16xf32>,
      %get3A_652 = vector.shape_cast %get3A_651 : vector<1x1x16xf32> to vector<16xf32>
      %add3A_653 = arith.addf %get3A_652, %get3A_486 : vector<16xf32>
      %swap3A_654 = arith.constant 5 : i32
      %swap3A_655 = arith.constant 0 : i32
      %swap3A_656 = arith.index_cast %swap3A_654 : i32 to index
      %swap3A_657 = arith.index_cast %swap3A_655 : i32 to index
      %swap3A_658 = arith.index_cast %multiple_of3A : i32 to index
      %swap3A_659 = tpu.vector_load %arg8[%swap3A_656, %swap3A_657, %swap3A_658] {strides = array<i32>} : memref<8x2x2048xf32, #tpu.memory_space<vmem>>, vector<1x1x16xf32>,
      %swap3A_660 = vector.shape_cast %swap3A_659 : vector<1x1x16xf32> to vector<16xf32>
      %swap3A_661 = vector.shape_cast %add3A_653 : vector<16xf32> to vector<1x1x16xf32>
      tpu.vector_store %arg8[%swap3A_656, %swap3A_657, %swap3A_658], %swap3A_661 {strides = array<i32>} : memref<8x2x2048xf32, #tpu.memory_space<vmem>>, vector<1x1x16xf32>,
      %get3A_662 = arith.constant 5 : i32
      %get3A_663 = arith.constant 1 : i32
      %get3A_664 = arith.index_cast %get3A_662 : i32 to index
      %get3A_665 = arith.index_cast %get3A_663 : i32 to index
      %get3A_666 = arith.index_cast %multiple_of3A : i32 to index
      %get3A_667 = tpu.vector_load %arg8[%get3A_664, %get3A_665, %get3A_666] {strides = array<i32>} : memref<8x2x2048xf32, #tpu.memory_space<vmem>>, vector<1x1x16xf32>,
      %get3A_668 = vector.shape_cast %get3A_667 : vector<1x1x16xf32> to vector<16xf32>
      %add3A_669 = arith.addf %get3A_668, %get3A_486 : vector<16xf32>
      %swap3A_670 = arith.constant 5 : i32
      %swap3A_671 = arith.constant 1 : i32
      %swap3A_672 = arith.index_cast %swap3A_670 : i32 to index
      %swap3A_673 = arith.index_cast %swap3A_671 : i32 to index
      %swap3A_674 = arith.index_cast %multiple_of3A : i32 to index
      %swap3A_675 = tpu.vector_load %arg8[%swap3A_672, %swap3A_673, %swap3A_674] {strides = array<i32>} : memref<8x2x2048xf32, #tpu.memory_space<vmem>>, vector<1x1x16xf32>,
      %swap3A_676 = vector.shape_cast %swap3A_675 : vector<1x1x16xf32> to vector<16xf32>
      %swap3A_677 = vector.shape_cast %add3A_669 : vector<16xf32> to vector<1x1x16xf32>
      tpu.vector_store %arg8[%swap3A_672, %swap3A_673, %swap3A_674], %swap3A_677 {strides = array<i32>} : memref<8x2x2048xf32, #tpu.memory_space<vmem>>, vector<1x1x16xf32>,
      %get3A_678 = arith.constant 6 : i32
      %get3A_679 = arith.constant 0 : i32
      %get3A_680 = arith.index_cast %get3A_678 : i32 to index
      %get3A_681 = arith.index_cast %get3A_679 : i32 to index
      %get3A_682 = arith.index_cast %multiple_of3A : i32 to index
      %get3A_683 = tpu.vector_load %arg8[%get3A_680, %get3A_681, %get3A_682] {strides = array<i32>} : memref<8x2x2048xf32, #tpu.memory_space<vmem>>, vector<1x1x16xf32>,
      %get3A_684 = vector.shape_cast %get3A_683 : vector<1x1x16xf32> to vector<16xf32>
      %add3A_685 = arith.addf %get3A_684, %get3A_486 : vector<16xf32>
      %swap3A_686 = arith.constant 6 : i32
      %swap3A_687 = arith.constant 0 : i32
      %swap3A_688 = arith.index_cast %swap3A_686 : i32 to index
      %swap3A_689 = arith.index_cast %swap3A_687 : i32 to index
      %swap3A_690 = arith.index_cast %multiple_of3A : i32 to index
      %swap3A_691 = tpu.vector_load %arg8[%swap3A_688, %swap3A_689, %swap3A_690] {strides = array<i32>} : memref<8x2x2048xf32, #tpu.memory_space<vmem>>, vector<1x1x16xf32>,
      %swap3A_692 = vector.shape_cast %swap3A_691 : vector<1x1x16xf32> to vector<16xf32>
      %swap3A_693 = vector.shape_cast %add3A_685 : vector<16xf32> to vector<1x1x16xf32>
      tpu.vector_store %arg8[%swap3A_688, %swap3A_689, %swap3A_690], %swap3A_693 {strides = array<i32>} : memref<8x2x2048xf32, #tpu.memory_space<vmem>>, vector<1x1x16xf32>,
      %get3A_694 = arith.constant 6 : i32
      %get3A_695 = arith.constant 1 : i32
      %get3A_696 = arith.index_cast %get3A_694 : i32 to index
      %get3A_697 = arith.index_cast %get3A_695 : i32 to index
      %get3A_698 = arith.index_cast %multiple_of3A : i32 to index
      %get3A_699 = tpu.vector_load %arg8[%get3A_696, %get3A_697, %get3A_698] {strides = array<i32>} : memref<8x2x2048xf32, #tpu.memory_space<vmem>>, vector<1x1x16xf32>,
      %get3A_700 = vector.shape_cast %get3A_699 : vector<1x1x16xf32> to vector<16xf32>
      %add3A_701 = arith.addf %get3A_700, %get3A_486 : vector<16xf32>
      %swap3A_702 = arith.constant 6 : i32
      %swap3A_703 = arith.constant 1 : i32
      %swap3A_704 = arith.index_cast %swap3A_702 : i32 to index
      %swap3A_705 = arith.index_cast %swap3A_703 : i32 to index
      %swap3A_706 = arith.index_cast %multiple_of3A : i32 to index
      %swap3A_707 = tpu.vector_load %arg8[%swap3A_704, %swap3A_705, %swap3A_706] {strides = array<i32>} : memref<8x2x2048xf32, #tpu.memory_space<vmem>>, vector<1x1x16xf32>,
      %swap3A_708 = vector.shape_cast %swap3A_707 : vector<1x1x16xf32> to vector<16xf32>
      %swap3A_709 = vector.shape_cast %add3A_701 : vector<16xf32> to vector<1x1x16xf32>
      tpu.vector_store %arg8[%swap3A_704, %swap3A_705, %swap3A_706], %swap3A_709 {strides = array<i32>} : memref<8x2x2048xf32, #tpu.memory_space<vmem>>, vector<1x1x16xf32>,
      %get3A_710 = arith.constant 7 : i32
      %get3A_711 = arith.constant 0 : i32
      %get3A_712 = arith.index_cast %get3A_710 : i32 to index
      %get3A_713 = arith.index_cast %get3A_711 : i32 to index
      %get3A_714 = arith.index_cast %multiple_of3A : i32 to index
      %get3A_715 = tpu.vector_load %arg8[%get3A_712, %get3A_713, %get3A_714] {strides = array<i32>} : memref<8x2x2048xf32, #tpu.memory_space<vmem>>, vector<1x1x16xf32>,
      %get3A_716 = vector.shape_cast %get3A_715 : vector<1x1x16xf32> to vector<16xf32>
      %add3A_717 = arith.addf %get3A_716, %get3A_486 : vector<16xf32>
      %swap3A_718 = arith.constant 7 : i32
      %swap3A_719 = arith.constant 0 : i32
      %swap3A_720 = arith.index_cast %swap3A_718 : i32 to index
      %swap3A_721 = arith.index_cast %swap3A_719 : i32 to index
      %swap3A_722 = arith.index_cast %multiple_of3A : i32 to index
      %swap3A_723 = tpu.vector_load %arg8[%swap3A_720, %swap3A_721, %swap3A_722] {strides = array<i32>} : memref<8x2x2048xf32, #tpu.memory_space<vmem>>, vector<1x1x16xf32>,
      %swap3A_724 = vector.shape_cast %swap3A_723 : vector<1x1x16xf32> to vector<16xf32>
      %swap3A_725 = vector.shape_cast %add3A_717 : vector<16xf32> to vector<1x1x16xf32>
      tpu.vector_store %arg8[%swap3A_720, %swap3A_721, %swap3A_722], %swap3A_725 {strides = array<i32>} : memref<8x2x2048xf32, #tpu.memory_space<vmem>>, vector<1x1x16xf32>,
      %get3A_726 = arith.constant 7 : i32
      %get3A_727 = arith.constant 1 : i32
      %get3A_728 = arith.index_cast %get3A_726 : i32 to index
      %get3A_729 = arith.index_cast %get3A_727 : i32 to index
      %get3A_730 = arith.index_cast %multiple_of3A : i32 to index
      %get3A_731 = tpu.vector_load %arg8[%get3A_728, %get3A_729, %get3A_730] {strides = array<i32>} : memref<8x2x2048xf32, #tpu.memory_space<vmem>>, vector<1x1x16xf32>,
      %get3A_732 = vector.shape_cast %get3A_731 : vector<1x1x16xf32> to vector<16xf32>
      %add3A_733 = arith.addf %get3A_732, %get3A_486 : vector<16xf32>
      %swap3A_734 = arith.constant 7 : i32
      %swap3A_735 = arith.constant 1 : i32
      %swap3A_736 = arith.index_cast %swap3A_734 : i32 to index
      %swap3A_737 = arith.index_cast %swap3A_735 : i32 to index
      %swap3A_738 = arith.index_cast %multiple_of3A : i32 to index
      %swap3A_739 = tpu.vector_load %arg8[%swap3A_736, %swap3A_737, %swap3A_738] {strides = array<i32>} : memref<8x2x2048xf32, #tpu.memory_space<vmem>>, vector<1x1x16xf32>,
      %swap3A_740 = vector.shape_cast %swap3A_739 : vector<1x1x16xf32> to vector<16xf32>
      %swap3A_741 = vector.shape_cast %add3A_733 : vector<16xf32> to vector<1x1x16xf32>
      tpu.vector_store %arg8[%swap3A_736, %swap3A_737, %swap3A_738], %swap3A_741 {strides = array<i32>} : memref<8x2x2048xf32, #tpu.memory_space<vmem>>, vector<1x1x16xf32>,
      %scan3A_742 = arith.constant 0 : i32
      scf.yield %scan3A_742 : i32
    }
    %scan3A_176 = arith.constant 128 : i32
    %add3A_177 = arith.constant 16 : i32
    %add3A_178 = arith.addi %mul3A_2, %add3A_177 : i32
    %dma_start3A_179 = arith.constant 0 : i32
    %dma_start3A_180 = arith.constant 0 : i32
    %dma_start3A_181 = tpu.memref_slice %arg4[%add3A_178, %dma_start3A_179, %dma_start3A_180] : memref<8192x2x2048xf32, #tpu.memory_space<hbm>> -> memref<8x2x2048xf32, #tpu.memory_space<hbm>>
    %dma_start3A_182 = arith.constant 0 : i32
    %dma_start3A_183 = arith.constant 0 : i32
    %dma_start3A_184 = tpu.memref_slice %arg4[%add3A_178, %dma_start3A_182, %dma_start3A_183] : memref<8192x2x2048xf32, #tpu.memory_space<hbm>> -> memref<8x2x2048xf32, #tpu.memory_space<hbm>>
    tpu.enqueue_dma source(%arg8 : memref<8x2x2048xf32, #tpu.memory_space<vmem>>) target(%dma_start3A_184 : memref<8x2x2048xf32, #tpu.memory_space<hbm>>) target_semaphore(%arg14 : memref<!tpu.dma_semaphore, #tpu.memory_space<semaphore_mem>>)
    %dma_wait3A_185 = arith.constant 0 : i32
    %dma_wait3A_186 = arith.constant 0 : i32
    %dma_wait3A_187 = tpu.memref_slice %arg4[%add3A_178, %dma_wait3A_185, %dma_wait3A_186] : memref<8192x2x2048xf32, #tpu.memory_space<hbm>> -> memref<8x2x2048xf32, #tpu.memory_space<hbm>>
    %dma_wait3A_188 = arith.constant 0 : i32
    %dma_wait3A_189 = arith.constant 0 : i32
    %dma_wait3A_190 = tpu.memref_slice %arg4[%add3A_178, %dma_wait3A_188, %dma_wait3A_189] : memref<8192x2x2048xf32, #tpu.memory_space<hbm>> -> memref<8x2x2048xf32, #tpu.memory_space<hbm>>
    tpu.wait_dma2 semaphore(%arg14 : memref<!tpu.dma_semaphore, #tpu.memory_space<semaphore_mem>>) src(%arg8 : memref<8x2x2048xf32, #tpu.memory_space<vmem>>) dst(%dma_wait3A_190 : memref<8x2x2048xf32, #tpu.memory_space<hbm>>)
    %add3A_191 = arith.constant 40 : i32
    %add3A_192 = arith.addi %mul3A_2, %add3A_191 : i32
    %dma_start3A_193 = arith.constant 0 : i32
    %dma_start3A_194 = arith.constant 0 : i32
    %dma_start3A_195 = tpu.memref_slice %arg2[%add3A_192, %dma_start3A_193, %dma_start3A_194] : memref<8192x2x2048xf32, #tpu.memory_space<hbm>> -> memref<8x2x2048xf32, #tpu.memory_space<hbm>>
    %dma_start3A_196 = arith.constant 0 : i32
    %dma_start3A_197 = arith.constant 0 : i32
    %dma_start3A_198 = tpu.memref_slice %arg2[%add3A_192, %dma_start3A_196, %dma_start3A_197] : memref<8192x2x2048xf32, #tpu.memory_space<hbm>> -> memref<8x2x2048xf32, #tpu.memory_space<hbm>>
    tpu.enqueue_dma source(%dma_start3A_198 : memref<8x2x2048xf32, #tpu.memory_space<hbm>>) target(%arg8 : memref<8x2x2048xf32, #tpu.memory_space<vmem>>) target_semaphore(%arg11 : memref<!tpu.dma_semaphore, #tpu.memory_space<semaphore_mem>>)
    %dma_wait3A_199 = arith.constant 0 : i32
    %dma_wait3A_200 = arith.constant 0 : i32
    %dma_wait3A_201 = tpu.memref_slice %arg2[%add3A_70, %dma_wait3A_199, %dma_wait3A_200] : memref<8192x2x2048xf32, #tpu.memory_space<hbm>> -> memref<8x2x2048xf32, #tpu.memory_space<hbm>>
    %dma_wait3A_202 = arith.constant 0 : i32
    %dma_wait3A_203 = arith.constant 0 : i32
    %dma_wait3A_204 = tpu.memref_slice %arg2[%add3A_70, %dma_wait3A_202, %dma_wait3A_203] : memref<8192x2x2048xf32, #tpu.memory_space<hbm>> -> memref<8x2x2048xf32, #tpu.memory_space<hbm>>
    tpu.wait_dma2 semaphore(%arg9 : memref<!tpu.dma_semaphore, #tpu.memory_space<semaphore_mem>>) src(%dma_wait3A_204 : memref<8x2x2048xf32, #tpu.memory_space<hbm>>) dst(%arg6 : memref<8x2x2048xf32, #tpu.memory_space<vmem>>)
    %add3A_205 = arith.constant 24 : i32
    %add3A_206 = arith.addi %mul3A_2, %add3A_205 : i32
    %jit3A_207 = arith.constant 2048 : i32
    %div3A_208 = arith.divsi %add3A_206, %jit3A_207 : i32
    %sign3A_209 = arith.constant 0 : i32
    %sign3A_210 = arith.cmpi sgt, %add3A_206, %sign3A_209 : i32
    %sign3A_211 = arith.extui %sign3A_210 : i1 to i32
    %sign3A_212 = arith.constant 0 : i32
    %sign3A_213 = arith.cmpi slt, %add3A_206, %sign3A_212 : i32
    %sign3A_214 = arith.extui %sign3A_213 : i1 to i32
    %sign3A_215 = arith.subi %sign3A_211, %sign3A_214 : i32
    %sign3A_216 = arith.constant 0 : i32
    %sign3A_217 = arith.cmpi sgt, %jit3A_207, %sign3A_216 : i32
    %sign3A_218 = arith.extui %sign3A_217 : i1 to i32
    %sign3A_219 = arith.constant 0 : i32
    %sign3A_220 = arith.cmpi slt, %jit3A_207, %sign3A_219 : i32
    %sign3A_221 = arith.extui %sign3A_220 : i1 to i32
    %sign3A_222 = arith.subi %sign3A_218, %sign3A_221 : i32
    %ne3A_223 = arith.cmpi ne, %sign3A_215, %sign3A_222 : i32
    %rem3A_224 = arith.remsi %add3A_206, %jit3A_207 : i32
    %ne3A_225 = arith.constant 0 : i32
    %ne3A_226 = arith.cmpi ne, %rem3A_224, %ne3A_225 : i32
    %and3A_227 = arith.andi %ne3A_223, %ne3A_226 : i1
    %sub3A_228 = arith.constant 1 : i32
    %sub3A_229 = arith.subi %div3A_208, %sub3A_228 : i32
    %select_n3A_230 = arith.select %and3A_227, %sub3A_229, %div3A_208 : i32
    %scan3A_231 = arith.constant 0 : i32
    %scan3A_232 = arith.constant 0 : i32
    %scan3A_233 = arith.constant 128 : i32
    %scan3A_234 = arith.addi %scan3A_232, %scan3A_233 : i32
    %scan3A_235 = arith.constant 1 : i32
    %scan3A_236 = scf.for %scan3A_480 = %scan3A_232 to %scan3A_234 step %scan3A_235 iter_args(%scan3A_481 = %scan3A_231) -> (i32)  : i32 {
      %mul3A_482 = arith.constant 16 : i32
      %mul3A_483 = arith.muli %scan3A_480, %mul3A_482 : i32
      %multiple_of3A = tpu.assume_multiple %mul3A_483, 16 : i32
      %get3A = arith.index_cast %select_n3A_230 : i32 to index
      %get3A_484 = arith.index_cast %multiple_of3A : i32 to index
      %get3A_485 = tpu.vector_load %arg5[%get3A, %get3A_484] {strides = array<i32>} : memref<4x2048xf32, #tpu.memory_space<vmem>>, vector<1x16xf32>,
      %get3A_486 = vector.shape_cast %get3A_485 : vector<1x16xf32> to vector<16xf32>
      %get3A_487 = arith.constant 0 : i32
      %get3A_488 = arith.constant 0 : i32
      %get3A_489 = arith.index_cast %get3A_487 : i32 to index
      %get3A_490 = arith.index_cast %get3A_488 : i32 to index
      %get3A_491 = arith.index_cast %multiple_of3A : i32 to index
      %get3A_492 = tpu.vector_load %arg6[%get3A_489, %get3A_490, %get3A_491] {strides = array<i32>} : memref<8x2x2048xf32, #tpu.memory_space<vmem>>, vector<1x1x16xf32>,
      %get3A_493 = vector.shape_cast %get3A_492 : vector<1x1x16xf32> to vector<16xf32>
      %add3A_494 = arith.addf %get3A_493, %get3A_486 : vector<16xf32>
      %swap3A = arith.constant 0 : i32
      %swap3A_495 = arith.constant 0 : i32
      %swap3A_496 = arith.index_cast %swap3A : i32 to index
      %swap3A_497 = arith.index_cast %swap3A_495 : i32 to index
      %swap3A_498 = arith.index_cast %multiple_of3A : i32 to index
      %swap3A_499 = tpu.vector_load %arg6[%swap3A_496, %swap3A_497, %swap3A_498] {strides = array<i32>} : memref<8x2x2048xf32, #tpu.memory_space<vmem>>, vector<1x1x16xf32>,
      %swap3A_500 = vector.shape_cast %swap3A_499 : vector<1x1x16xf32> to vector<16xf32>
      %swap3A_501 = vector.shape_cast %add3A_494 : vector<16xf32> to vector<1x1x16xf32>
      tpu.vector_store %arg6[%swap3A_496, %swap3A_497, %swap3A_498], %swap3A_501 {strides = array<i32>} : memref<8x2x2048xf32, #tpu.memory_space<vmem>>, vector<1x1x16xf32>,
      %get3A_502 = arith.constant 0 : i32
      %get3A_503 = arith.constant 1 : i32
      %get3A_504 = arith.index_cast %get3A_502 : i32 to index
      %get3A_505 = arith.index_cast %get3A_503 : i32 to index
      %get3A_506 = arith.index_cast %multiple_of3A : i32 to index
      %get3A_507 = tpu.vector_load %arg6[%get3A_504, %get3A_505, %get3A_506] {strides = array<i32>} : memref<8x2x2048xf32, #tpu.memory_space<vmem>>, vector<1x1x16xf32>,
      %get3A_508 = vector.shape_cast %get3A_507 : vector<1x1x16xf32> to vector<16xf32>
      %add3A_509 = arith.addf %get3A_508, %get3A_486 : vector<16xf32>
      %swap3A_510 = arith.constant 0 : i32
      %swap3A_511 = arith.constant 1 : i32
      %swap3A_512 = arith.index_cast %swap3A_510 : i32 to index
      %swap3A_513 = arith.index_cast %swap3A_511 : i32 to index
      %swap3A_514 = arith.index_cast %multiple_of3A : i32 to index
      %swap3A_515 = tpu.vector_load %arg6[%swap3A_512, %swap3A_513, %swap3A_514] {strides = array<i32>} : memref<8x2x2048xf32, #tpu.memory_space<vmem>>, vector<1x1x16xf32>,
      %swap3A_516 = vector.shape_cast %swap3A_515 : vector<1x1x16xf32> to vector<16xf32>
      %swap3A_517 = vector.shape_cast %add3A_509 : vector<16xf32> to vector<1x1x16xf32>
      tpu.vector_store %arg6[%swap3A_512, %swap3A_513, %swap3A_514], %swap3A_517 {strides = array<i32>} : memref<8x2x2048xf32, #tpu.memory_space<vmem>>, vector<1x1x16xf32>,
      %get3A_518 = arith.constant 1 : i32
      %get3A_519 = arith.constant 0 : i32
      %get3A_520 = arith.index_cast %get3A_518 : i32 to index
      %get3A_521 = arith.index_cast %get3A_519 : i32 to index
      %get3A_522 = arith.index_cast %multiple_of3A : i32 to index
      %get3A_523 = tpu.vector_load %arg6[%get3A_520, %get3A_521, %get3A_522] {strides = array<i32>} : memref<8x2x2048xf32, #tpu.memory_space<vmem>>, vector<1x1x16xf32>,
      %get3A_524 = vector.shape_cast %get3A_523 : vector<1x1x16xf32> to vector<16xf32>
      %add3A_525 = arith.addf %get3A_524, %get3A_486 : vector<16xf32>
      %swap3A_526 = arith.constant 1 : i32
      %swap3A_527 = arith.constant 0 : i32
      %swap3A_528 = arith.index_cast %swap3A_526 : i32 to index
      %swap3A_529 = arith.index_cast %swap3A_527 : i32 to index
      %swap3A_530 = arith.index_cast %multiple_of3A : i32 to index
      %swap3A_531 = tpu.vector_load %arg6[%swap3A_528, %swap3A_529, %swap3A_530] {strides = array<i32>} : memref<8x2x2048xf32, #tpu.memory_space<vmem>>, vector<1x1x16xf32>,
      %swap3A_532 = vector.shape_cast %swap3A_531 : vector<1x1x16xf32> to vector<16xf32>
      %swap3A_533 = vector.shape_cast %add3A_525 : vector<16xf32> to vector<1x1x16xf32>
      tpu.vector_store %arg6[%swap3A_528, %swap3A_529, %swap3A_530], %swap3A_533 {strides = array<i32>} : memref<8x2x2048xf32, #tpu.memory_space<vmem>>, vector<1x1x16xf32>,
      %get3A_534 = arith.constant 1 : i32
      %get3A_535 = arith.constant 1 : i32
      %get3A_536 = arith.index_cast %get3A_534 : i32 to index
      %get3A_537 = arith.index_cast %get3A_535 : i32 to index
      %get3A_538 = arith.index_cast %multiple_of3A : i32 to index
      %get3A_539 = tpu.vector_load %arg6[%get3A_536, %get3A_537, %get3A_538] {strides = array<i32>} : memref<8x2x2048xf32, #tpu.memory_space<vmem>>, vector<1x1x16xf32>,
      %get3A_540 = vector.shape_cast %get3A_539 : vector<1x1x16xf32> to vector<16xf32>
      %add3A_541 = arith.addf %get3A_540, %get3A_486 : vector<16xf32>
      %swap3A_542 = arith.constant 1 : i32
      %swap3A_543 = arith.constant 1 : i32
      %swap3A_544 = arith.index_cast %swap3A_542 : i32 to index
      %swap3A_545 = arith.index_cast %swap3A_543 : i32 to index
      %swap3A_546 = arith.index_cast %multiple_of3A : i32 to index
      %swap3A_547 = tpu.vector_load %arg6[%swap3A_544, %swap3A_545, %swap3A_546] {strides = array<i32>} : memref<8x2x2048xf32, #tpu.memory_space<vmem>>, vector<1x1x16xf32>,
      %swap3A_548 = vector.shape_cast %swap3A_547 : vector<1x1x16xf32> to vector<16xf32>
      %swap3A_549 = vector.shape_cast %add3A_541 : vector<16xf32> to vector<1x1x16xf32>
      tpu.vector_store %arg6[%swap3A_544, %swap3A_545, %swap3A_546], %swap3A_549 {strides = array<i32>} : memref<8x2x2048xf32, #tpu.memory_space<vmem>>, vector<1x1x16xf32>,
      %get3A_550 = arith.constant 2 : i32
      %get3A_551 = arith.constant 0 : i32
      %get3A_552 = arith.index_cast %get3A_550 : i32 to index
      %get3A_553 = arith.index_cast %get3A_551 : i32 to index
      %get3A_554 = arith.index_cast %multiple_of3A : i32 to index
      %get3A_555 = tpu.vector_load %arg6[%get3A_552, %get3A_553, %get3A_554] {strides = array<i32>} : memref<8x2x2048xf32, #tpu.memory_space<vmem>>, vector<1x1x16xf32>,
      %get3A_556 = vector.shape_cast %get3A_555 : vector<1x1x16xf32> to vector<16xf32>
      %add3A_557 = arith.addf %get3A_556, %get3A_486 : vector<16xf32>
      %swap3A_558 = arith.constant 2 : i32
      %swap3A_559 = arith.constant 0 : i32
      %swap3A_560 = arith.index_cast %swap3A_558 : i32 to index
      %swap3A_561 = arith.index_cast %swap3A_559 : i32 to index
      %swap3A_562 = arith.index_cast %multiple_of3A : i32 to index
      %swap3A_563 = tpu.vector_load %arg6[%swap3A_560, %swap3A_561, %swap3A_562] {strides = array<i32>} : memref<8x2x2048xf32, #tpu.memory_space<vmem>>, vector<1x1x16xf32>,
      %swap3A_564 = vector.shape_cast %swap3A_563 : vector<1x1x16xf32> to vector<16xf32>
      %swap3A_565 = vector.shape_cast %add3A_557 : vector<16xf32> to vector<1x1x16xf32>
      tpu.vector_store %arg6[%swap3A_560, %swap3A_561, %swap3A_562], %swap3A_565 {strides = array<i32>} : memref<8x2x2048xf32, #tpu.memory_space<vmem>>, vector<1x1x16xf32>,
      %get3A_566 = arith.constant 2 : i32
      %get3A_567 = arith.constant 1 : i32
      %get3A_568 = arith.index_cast %get3A_566 : i32 to index
      %get3A_569 = arith.index_cast %get3A_567 : i32 to index
      %get3A_570 = arith.index_cast %multiple_of3A : i32 to index
      %get3A_571 = tpu.vector_load %arg6[%get3A_568, %get3A_569, %get3A_570] {strides = array<i32>} : memref<8x2x2048xf32, #tpu.memory_space<vmem>>, vector<1x1x16xf32>,
      %get3A_572 = vector.shape_cast %get3A_571 : vector<1x1x16xf32> to vector<16xf32>
      %add3A_573 = arith.addf %get3A_572, %get3A_486 : vector<16xf32>
      %swap3A_574 = arith.constant 2 : i32
      %swap3A_575 = arith.constant 1 : i32
      %swap3A_576 = arith.index_cast %swap3A_574 : i32 to index
      %swap3A_577 = arith.index_cast %swap3A_575 : i32 to index
      %swap3A_578 = arith.index_cast %multiple_of3A : i32 to index
      %swap3A_579 = tpu.vector_load %arg6[%swap3A_576, %swap3A_577, %swap3A_578] {strides = array<i32>} : memref<8x2x2048xf32, #tpu.memory_space<vmem>>, vector<1x1x16xf32>,
      %swap3A_580 = vector.shape_cast %swap3A_579 : vector<1x1x16xf32> to vector<16xf32>
      %swap3A_581 = vector.shape_cast %add3A_573 : vector<16xf32> to vector<1x1x16xf32>
      tpu.vector_store %arg6[%swap3A_576, %swap3A_577, %swap3A_578], %swap3A_581 {strides = array<i32>} : memref<8x2x2048xf32, #tpu.memory_space<vmem>>, vector<1x1x16xf32>,
      %get3A_582 = arith.constant 3 : i32
      %get3A_583 = arith.constant 0 : i32
      %get3A_584 = arith.index_cast %get3A_582 : i32 to index
      %get3A_585 = arith.index_cast %get3A_583 : i32 to index
      %get3A_586 = arith.index_cast %multiple_of3A : i32 to index
      %get3A_587 = tpu.vector_load %arg6[%get3A_584, %get3A_585, %get3A_586] {strides = array<i32>} : memref<8x2x2048xf32, #tpu.memory_space<vmem>>, vector<1x1x16xf32>,
      %get3A_588 = vector.shape_cast %get3A_587 : vector<1x1x16xf32> to vector<16xf32>
      %add3A_589 = arith.addf %get3A_588, %get3A_486 : vector<16xf32>
      %swap3A_590 = arith.constant 3 : i32
      %swap3A_591 = arith.constant 0 : i32
      %swap3A_592 = arith.index_cast %swap3A_590 : i32 to index
      %swap3A_593 = arith.index_cast %swap3A_591 : i32 to index
      %swap3A_594 = arith.index_cast %multiple_of3A : i32 to index
      %swap3A_595 = tpu.vector_load %arg6[%swap3A_592, %swap3A_593, %swap3A_594] {strides = array<i32>} : memref<8x2x2048xf32, #tpu.memory_space<vmem>>, vector<1x1x16xf32>,
      %swap3A_596 = vector.shape_cast %swap3A_595 : vector<1x1x16xf32> to vector<16xf32>
      %swap3A_597 = vector.shape_cast %add3A_589 : vector<16xf32> to vector<1x1x16xf32>
      tpu.vector_store %arg6[%swap3A_592, %swap3A_593, %swap3A_594], %swap3A_597 {strides = array<i32>} : memref<8x2x2048xf32, #tpu.memory_space<vmem>>, vector<1x1x16xf32>,
      %get3A_598 = arith.constant 3 : i32
      %get3A_599 = arith.constant 1 : i32
      %get3A_600 = arith.index_cast %get3A_598 : i32 to index
      %get3A_601 = arith.index_cast %get3A_599 : i32 to index
      %get3A_602 = arith.index_cast %multiple_of3A : i32 to index
      %get3A_603 = tpu.vector_load %arg6[%get3A_600, %get3A_601, %get3A_602] {strides = array<i32>} : memref<8x2x2048xf32, #tpu.memory_space<vmem>>, vector<1x1x16xf32>,
      %get3A_604 = vector.shape_cast %get3A_603 : vector<1x1x16xf32> to vector<16xf32>
      %add3A_605 = arith.addf %get3A_604, %get3A_486 : vector<16xf32>
      %swap3A_606 = arith.constant 3 : i32
      %swap3A_607 = arith.constant 1 : i32
      %swap3A_608 = arith.index_cast %swap3A_606 : i32 to index
      %swap3A_609 = arith.index_cast %swap3A_607 : i32 to index
      %swap3A_610 = arith.index_cast %multiple_of3A : i32 to index
      %swap3A_611 = tpu.vector_load %arg6[%swap3A_608, %swap3A_609, %swap3A_610] {strides = array<i32>} : memref<8x2x2048xf32, #tpu.memory_space<vmem>>, vector<1x1x16xf32>,
      %swap3A_612 = vector.shape_cast %swap3A_611 : vector<1x1x16xf32> to vector<16xf32>
      %swap3A_613 = vector.shape_cast %add3A_605 : vector<16xf32> to vector<1x1x16xf32>
      tpu.vector_store %arg6[%swap3A_608, %swap3A_609, %swap3A_610], %swap3A_613 {strides = array<i32>} : memref<8x2x2048xf32, #tpu.memory_space<vmem>>, vector<1x1x16xf32>,
      %get3A_614 = arith.constant 4 : i32
      %get3A_615 = arith.constant 0 : i32
      %get3A_616 = arith.index_cast %get3A_614 : i32 to index
      %get3A_617 = arith.index_cast %get3A_615 : i32 to index
      %get3A_618 = arith.index_cast %multiple_of3A : i32 to index
      %get3A_619 = tpu.vector_load %arg6[%get3A_616, %get3A_617, %get3A_618] {strides = array<i32>} : memref<8x2x2048xf32, #tpu.memory_space<vmem>>, vector<1x1x16xf32>,
      %get3A_620 = vector.shape_cast %get3A_619 : vector<1x1x16xf32> to vector<16xf32>
      %add3A_621 = arith.addf %get3A_620, %get3A_486 : vector<16xf32>
      %swap3A_622 = arith.constant 4 : i32
      %swap3A_623 = arith.constant 0 : i32
      %swap3A_624 = arith.index_cast %swap3A_622 : i32 to index
      %swap3A_625 = arith.index_cast %swap3A_623 : i32 to index
      %swap3A_626 = arith.index_cast %multiple_of3A : i32 to index
      %swap3A_627 = tpu.vector_load %arg6[%swap3A_624, %swap3A_625, %swap3A_626] {strides = array<i32>} : memref<8x2x2048xf32, #tpu.memory_space<vmem>>, vector<1x1x16xf32>,
      %swap3A_628 = vector.shape_cast %swap3A_627 : vector<1x1x16xf32> to vector<16xf32>
      %swap3A_629 = vector.shape_cast %add3A_621 : vector<16xf32> to vector<1x1x16xf32>
      tpu.vector_store %arg6[%swap3A_624, %swap3A_625, %swap3A_626], %swap3A_629 {strides = array<i32>} : memref<8x2x2048xf32, #tpu.memory_space<vmem>>, vector<1x1x16xf32>,
      %get3A_630 = arith.constant 4 : i32
      %get3A_631 = arith.constant 1 : i32
      %get3A_632 = arith.index_cast %get3A_630 : i32 to index
      %get3A_633 = arith.index_cast %get3A_631 : i32 to index
      %get3A_634 = arith.index_cast %multiple_of3A : i32 to index
      %get3A_635 = tpu.vector_load %arg6[%get3A_632, %get3A_633, %get3A_634] {strides = array<i32>} : memref<8x2x2048xf32, #tpu.memory_space<vmem>>, vector<1x1x16xf32>,
      %get3A_636 = vector.shape_cast %get3A_635 : vector<1x1x16xf32> to vector<16xf32>
      %add3A_637 = arith.addf %get3A_636, %get3A_486 : vector<16xf32>
      %swap3A_638 = arith.constant 4 : i32
      %swap3A_639 = arith.constant 1 : i32
      %swap3A_640 = arith.index_cast %swap3A_638 : i32 to index
      %swap3A_641 = arith.index_cast %swap3A_639 : i32 to index
      %swap3A_642 = arith.index_cast %multiple_of3A : i32 to index
      %swap3A_643 = tpu.vector_load %arg6[%swap3A_640, %swap3A_641, %swap3A_642] {strides = array<i32>} : memref<8x2x2048xf32, #tpu.memory_space<vmem>>, vector<1x1x16xf32>,
      %swap3A_644 = vector.shape_cast %swap3A_643 : vector<1x1x16xf32> to vector<16xf32>
      %swap3A_645 = vector.shape_cast %add3A_637 : vector<16xf32> to vector<1x1x16xf32>
      tpu.vector_store %arg6[%swap3A_640, %swap3A_641, %swap3A_642], %swap3A_645 {strides = array<i32>} : memref<8x2x2048xf32, #tpu.memory_space<vmem>>, vector<1x1x16xf32>,
      %get3A_646 = arith.constant 5 : i32
      %get3A_647 = arith.constant 0 : i32
      %get3A_648 = arith.index_cast %get3A_646 : i32 to index
      %get3A_649 = arith.index_cast %get3A_647 : i32 to index
      %get3A_650 = arith.index_cast %multiple_of3A : i32 to index
      %get3A_651 = tpu.vector_load %arg6[%get3A_648, %get3A_649, %get3A_650] {strides = array<i32>} : memref<8x2x2048xf32, #tpu.memory_space<vmem>>, vector<1x1x16xf32>,
      %get3A_652 = vector.shape_cast %get3A_651 : vector<1x1x16xf32> to vector<16xf32>
      %add3A_653 = arith.addf %get3A_652, %get3A_486 : vector<16xf32>
      %swap3A_654 = arith.constant 5 : i32
      %swap3A_655 = arith.constant 0 : i32
      %swap3A_656 = arith.index_cast %swap3A_654 : i32 to index
      %swap3A_657 = arith.index_cast %swap3A_655 : i32 to index
      %swap3A_658 = arith.index_cast %multiple_of3A : i32 to index
      %swap3A_659 = tpu.vector_load %arg6[%swap3A_656, %swap3A_657, %swap3A_658] {strides = array<i32>} : memref<8x2x2048xf32, #tpu.memory_space<vmem>>, vector<1x1x16xf32>,
      %swap3A_660 = vector.shape_cast %swap3A_659 : vector<1x1x16xf32> to vector<16xf32>
      %swap3A_661 = vector.shape_cast %add3A_653 : vector<16xf32> to vector<1x1x16xf32>
      tpu.vector_store %arg6[%swap3A_656, %swap3A_657, %swap3A_658], %swap3A_661 {strides = array<i32>} : memref<8x2x2048xf32, #tpu.memory_space<vmem>>, vector<1x1x16xf32>,
      %get3A_662 = arith.constant 5 : i32
      %get3A_663 = arith.constant 1 : i32
      %get3A_664 = arith.index_cast %get3A_662 : i32 to index
      %get3A_665 = arith.index_cast %get3A_663 : i32 to index
      %get3A_666 = arith.index_cast %multiple_of3A : i32 to index
      %get3A_667 = tpu.vector_load %arg6[%get3A_664, %get3A_665, %get3A_666] {strides = array<i32>} : memref<8x2x2048xf32, #tpu.memory_space<vmem>>, vector<1x1x16xf32>,
      %get3A_668 = vector.shape_cast %get3A_667 : vector<1x1x16xf32> to vector<16xf32>
      %add3A_669 = arith.addf %get3A_668, %get3A_486 : vector<16xf32>
      %swap3A_670 = arith.constant 5 : i32
      %swap3A_671 = arith.constant 1 : i32
      %swap3A_672 = arith.index_cast %swap3A_670 : i32 to index
      %swap3A_673 = arith.index_cast %swap3A_671 : i32 to index
      %swap3A_674 = arith.index_cast %multiple_of3A : i32 to index
      %swap3A_675 = tpu.vector_load %arg6[%swap3A_672, %swap3A_673, %swap3A_674] {strides = array<i32>} : memref<8x2x2048xf32, #tpu.memory_space<vmem>>, vector<1x1x16xf32>,
      %swap3A_676 = vector.shape_cast %swap3A_675 : vector<1x1x16xf32> to vector<16xf32>
      %swap3A_677 = vector.shape_cast %add3A_669 : vector<16xf32> to vector<1x1x16xf32>
      tpu.vector_store %arg6[%swap3A_672, %swap3A_673, %swap3A_674], %swap3A_677 {strides = array<i32>} : memref<8x2x2048xf32, #tpu.memory_space<vmem>>, vector<1x1x16xf32>,
      %get3A_678 = arith.constant 6 : i32
      %get3A_679 = arith.constant 0 : i32
      %get3A_680 = arith.index_cast %get3A_678 : i32 to index
      %get3A_681 = arith.index_cast %get3A_679 : i32 to index
      %get3A_682 = arith.index_cast %multiple_of3A : i32 to index
      %get3A_683 = tpu.vector_load %arg6[%get3A_680, %get3A_681, %get3A_682] {strides = array<i32>} : memref<8x2x2048xf32, #tpu.memory_space<vmem>>, vector<1x1x16xf32>,
      %get3A_684 = vector.shape_cast %get3A_683 : vector<1x1x16xf32> to vector<16xf32>
      %add3A_685 = arith.addf %get3A_684, %get3A_486 : vector<16xf32>
      %swap3A_686 = arith.constant 6 : i32
      %swap3A_687 = arith.constant 0 : i32
      %swap3A_688 = arith.index_cast %swap3A_686 : i32 to index
      %swap3A_689 = arith.index_cast %swap3A_687 : i32 to index
      %swap3A_690 = arith.index_cast %multiple_of3A : i32 to index
      %swap3A_691 = tpu.vector_load %arg6[%swap3A_688, %swap3A_689, %swap3A_690] {strides = array<i32>} : memref<8x2x2048xf32, #tpu.memory_space<vmem>>, vector<1x1x16xf32>,
      %swap3A_692 = vector.shape_cast %swap3A_691 : vector<1x1x16xf32> to vector<16xf32>
      %swap3A_693 = vector.shape_cast %add3A_685 : vector<16xf32> to vector<1x1x16xf32>
      tpu.vector_store %arg6[%swap3A_688, %swap3A_689, %swap3A_690], %swap3A_693 {strides = array<i32>} : memref<8x2x2048xf32, #tpu.memory_space<vmem>>, vector<1x1x16xf32>,
      %get3A_694 = arith.constant 6 : i32
      %get3A_695 = arith.constant 1 : i32
      %get3A_696 = arith.index_cast %get3A_694 : i32 to index
      %get3A_697 = arith.index_cast %get3A_695 : i32 to index
      %get3A_698 = arith.index_cast %multiple_of3A : i32 to index
      %get3A_699 = tpu.vector_load %arg6[%get3A_696, %get3A_697, %get3A_698] {strides = array<i32>} : memref<8x2x2048xf32, #tpu.memory_space<vmem>>, vector<1x1x16xf32>,
      %get3A_700 = vector.shape_cast %get3A_699 : vector<1x1x16xf32> to vector<16xf32>
      %add3A_701 = arith.addf %get3A_700, %get3A_486 : vector<16xf32>
      %swap3A_702 = arith.constant 6 : i32
      %swap3A_703 = arith.constant 1 : i32
      %swap3A_704 = arith.index_cast %swap3A_702 : i32 to index
      %swap3A_705 = arith.index_cast %swap3A_703 : i32 to index
      %swap3A_706 = arith.index_cast %multiple_of3A : i32 to index
      %swap3A_707 = tpu.vector_load %arg6[%swap3A_704, %swap3A_705, %swap3A_706] {strides = array<i32>} : memref<8x2x2048xf32, #tpu.memory_space<vmem>>, vector<1x1x16xf32>,
      %swap3A_708 = vector.shape_cast %swap3A_707 : vector<1x1x16xf32> to vector<16xf32>
      %swap3A_709 = vector.shape_cast %add3A_701 : vector<16xf32> to vector<1x1x16xf32>
      tpu.vector_store %arg6[%swap3A_704, %swap3A_705, %swap3A_706], %swap3A_709 {strides = array<i32>} : memref<8x2x2048xf32, #tpu.memory_space<vmem>>, vector<1x1x16xf32>,
      %get3A_710 = arith.constant 7 : i32
      %get3A_711 = arith.constant 0 : i32
      %get3A_712 = arith.index_cast %get3A_710 : i32 to index
      %get3A_713 = arith.index_cast %get3A_711 : i32 to index
      %get3A_714 = arith.index_cast %multiple_of3A : i32 to index
      %get3A_715 = tpu.vector_load %arg6[%get3A_712, %get3A_713, %get3A_714] {strides = array<i32>} : memref<8x2x2048xf32, #tpu.memory_space<vmem>>, vector<1x1x16xf32>,
      %get3A_716 = vector.shape_cast %get3A_715 : vector<1x1x16xf32> to vector<16xf32>
      %add3A_717 = arith.addf %get3A_716, %get3A_486 : vector<16xf32>
      %swap3A_718 = arith.constant 7 : i32
      %swap3A_719 = arith.constant 0 : i32
      %swap3A_720 = arith.index_cast %swap3A_718 : i32 to index
      %swap3A_721 = arith.index_cast %swap3A_719 : i32 to index
      %swap3A_722 = arith.index_cast %multiple_of3A : i32 to index
      %swap3A_723 = tpu.vector_load %arg6[%swap3A_720, %swap3A_721, %swap3A_722] {strides = array<i32>} : memref<8x2x2048xf32, #tpu.memory_space<vmem>>, vector<1x1x16xf32>,
      %swap3A_724 = vector.shape_cast %swap3A_723 : vector<1x1x16xf32> to vector<16xf32>
      %swap3A_725 = vector.shape_cast %add3A_717 : vector<16xf32> to vector<1x1x16xf32>
      tpu.vector_store %arg6[%swap3A_720, %swap3A_721, %swap3A_722], %swap3A_725 {strides = array<i32>} : memref<8x2x2048xf32, #tpu.memory_space<vmem>>, vector<1x1x16xf32>,
      %get3A_726 = arith.constant 7 : i32
      %get3A_727 = arith.constant 1 : i32
      %get3A_728 = arith.index_cast %get3A_726 : i32 to index
      %get3A_729 = arith.index_cast %get3A_727 : i32 to index
      %get3A_730 = arith.index_cast %multiple_of3A : i32 to index
      %get3A_731 = tpu.vector_load %arg6[%get3A_728, %get3A_729, %get3A_730] {strides = array<i32>} : memref<8x2x2048xf32, #tpu.memory_space<vmem>>, vector<1x1x16xf32>,
      %get3A_732 = vector.shape_cast %get3A_731 : vector<1x1x16xf32> to vector<16xf32>
      %add3A_733 = arith.addf %get3A_732, %get3A_486 : vector<16xf32>
      %swap3A_734 = arith.constant 7 : i32
      %swap3A_735 = arith.constant 1 : i32
      %swap3A_736 = arith.index_cast %swap3A_734 : i32 to index
      %swap3A_737 = arith.index_cast %swap3A_735 : i32 to index
      %swap3A_738 = arith.index_cast %multiple_of3A : i32 to index
      %swap3A_739 = tpu.vector_load %arg6[%swap3A_736, %swap3A_737, %swap3A_738] {strides = array<i32>} : memref<8x2x2048xf32, #tpu.memory_space<vmem>>, vector<1x1x16xf32>,
      %swap3A_740 = vector.shape_cast %swap3A_739 : vector<1x1x16xf32> to vector<16xf32>
      %swap3A_741 = vector.shape_cast %add3A_733 : vector<16xf32> to vector<1x1x16xf32>
      tpu.vector_store %arg6[%swap3A_736, %swap3A_737, %swap3A_738], %swap3A_741 {strides = array<i32>} : memref<8x2x2048xf32, #tpu.memory_space<vmem>>, vector<1x1x16xf32>,
      %scan3A_742 = arith.constant 0 : i32
      scf.yield %scan3A_742 : i32
    }
    %scan3A_237 = arith.constant 128 : i32
    %add3A_238 = arith.constant 24 : i32
    %add3A_239 = arith.addi %mul3A_2, %add3A_238 : i32
    %dma_start3A_240 = arith.constant 0 : i32
    %dma_start3A_241 = arith.constant 0 : i32
    %dma_start3A_242 = tpu.memref_slice %arg4[%add3A_239, %dma_start3A_240, %dma_start3A_241] : memref<8192x2x2048xf32, #tpu.memory_space<hbm>> -> memref<8x2x2048xf32, #tpu.memory_space<hbm>>
    %dma_start3A_243 = arith.constant 0 : i32
    %dma_start3A_244 = arith.constant 0 : i32
    %dma_start3A_245 = tpu.memref_slice %arg4[%add3A_239, %dma_start3A_243, %dma_start3A_244] : memref<8192x2x2048xf32, #tpu.memory_space<hbm>> -> memref<8x2x2048xf32, #tpu.memory_space<hbm>>
    tpu.enqueue_dma source(%arg6 : memref<8x2x2048xf32, #tpu.memory_space<vmem>>) target(%dma_start3A_245 : memref<8x2x2048xf32, #tpu.memory_space<hbm>>) target_semaphore(%arg12 : memref<!tpu.dma_semaphore, #tpu.memory_space<semaphore_mem>>)
    %dma_wait3A_246 = arith.constant 0 : i32
    %dma_wait3A_247 = arith.constant 0 : i32
    %dma_wait3A_248 = tpu.memref_slice %arg4[%add3A_239, %dma_wait3A_246, %dma_wait3A_247] : memref<8192x2x2048xf32, #tpu.memory_space<hbm>> -> memref<8x2x2048xf32, #tpu.memory_space<hbm>>
    %dma_wait3A_249 = arith.constant 0 : i32
    %dma_wait3A_250 = arith.constant 0 : i32
    %dma_wait3A_251 = tpu.memref_slice %arg4[%add3A_239, %dma_wait3A_249, %dma_wait3A_250] : memref<8192x2x2048xf32, #tpu.memory_space<hbm>> -> memref<8x2x2048xf32, #tpu.memory_space<hbm>>
    tpu.wait_dma2 semaphore(%arg12 : memref<!tpu.dma_semaphore, #tpu.memory_space<semaphore_mem>>) src(%arg6 : memref<8x2x2048xf32, #tpu.memory_space<vmem>>) dst(%dma_wait3A_251 : memref<8x2x2048xf32, #tpu.memory_space<hbm>>)
    %add3A_252 = arith.constant 48 : i32
    %add3A_253 = arith.addi %mul3A_2, %add3A_252 : i32
    %dma_start3A_254 = arith.constant 0 : i32
    %dma_start3A_255 = arith.constant 0 : i32
    %dma_start3A_256 = tpu.memref_slice %arg2[%add3A_253, %dma_start3A_254, %dma_start3A_255] : memref<8192x2x2048xf32, #tpu.memory_space<hbm>> -> memref<8x2x2048xf32, #tpu.memory_space<hbm>>
    %dma_start3A_257 = arith.constant 0 : i32
    %dma_start3A_258 = arith.constant 0 : i32
    %dma_start3A_259 = tpu.memref_slice %arg2[%add3A_253, %dma_start3A_257, %dma_start3A_258] : memref<8192x2x2048xf32, #tpu.memory_space<hbm>> -> memref<8x2x2048xf32, #tpu.memory_space<hbm>>
    tpu.enqueue_dma source(%dma_start3A_259 : memref<8x2x2048xf32, #tpu.memory_space<hbm>>) target(%arg6 : memref<8x2x2048xf32, #tpu.memory_space<vmem>>) target_semaphore(%arg9 : memref<!tpu.dma_semaphore, #tpu.memory_space<semaphore_mem>>)
    %dma_wait3A_260 = arith.constant 0 : i32
    %dma_wait3A_261 = arith.constant 0 : i32
    %dma_wait3A_262 = tpu.memref_slice %arg2[%add3A_131, %dma_wait3A_260, %dma_wait3A_261] : memref<8192x2x2048xf32, #tpu.memory_space<hbm>> -> memref<8x2x2048xf32, #tpu.memory_space<hbm>>
    %dma_wait3A_263 = arith.constant 0 : i32
    %dma_wait3A_264 = arith.constant 0 : i32
    %dma_wait3A_265 = tpu.memref_slice %arg2[%add3A_131, %dma_wait3A_263, %dma_wait3A_264] : memref<8192x2x2048xf32, #tpu.memory_space<hbm>> -> memref<8x2x2048xf32, #tpu.memory_space<hbm>>
    tpu.wait_dma2 semaphore(%arg10 : memref<!tpu.dma_semaphore, #tpu.memory_space<semaphore_mem>>) src(%dma_wait3A_265 : memref<8x2x2048xf32, #tpu.memory_space<hbm>>) dst(%arg7 : memref<8x2x2048xf32, #tpu.memory_space<vmem>>)
    %add3A_266 = arith.constant 32 : i32
    %add3A_267 = arith.addi %mul3A_2, %add3A_266 : i32
    %jit3A_268 = arith.constant 2048 : i32
    %div3A_269 = arith.divsi %add3A_267, %jit3A_268 : i32
    %sign3A_270 = arith.constant 0 : i32
    %sign3A_271 = arith.cmpi sgt, %add3A_267, %sign3A_270 : i32
    %sign3A_272 = arith.extui %sign3A_271 : i1 to i32
    %sign3A_273 = arith.constant 0 : i32
    %sign3A_274 = arith.cmpi slt, %add3A_267, %sign3A_273 : i32
    %sign3A_275 = arith.extui %sign3A_274 : i1 to i32
    %sign3A_276 = arith.subi %sign3A_272, %sign3A_275 : i32
    %sign3A_277 = arith.constant 0 : i32
    %sign3A_278 = arith.cmpi sgt, %jit3A_268, %sign3A_277 : i32
    %sign3A_279 = arith.extui %sign3A_278 : i1 to i32
    %sign3A_280 = arith.constant 0 : i32
    %sign3A_281 = arith.cmpi slt, %jit3A_268, %sign3A_280 : i32
    %sign3A_282 = arith.extui %sign3A_281 : i1 to i32
    %sign3A_283 = arith.subi %sign3A_279, %sign3A_282 : i32
    %ne3A_284 = arith.cmpi ne, %sign3A_276, %sign3A_283 : i32
    %rem3A_285 = arith.remsi %add3A_267, %jit3A_268 : i32
    %ne3A_286 = arith.constant 0 : i32
    %ne3A_287 = arith.cmpi ne, %rem3A_285, %ne3A_286 : i32
    %and3A_288 = arith.andi %ne3A_284, %ne3A_287 : i1
    %sub3A_289 = arith.constant 1 : i32
    %sub3A_290 = arith.subi %div3A_269, %sub3A_289 : i32
    %select_n3A_291 = arith.select %and3A_288, %sub3A_290, %div3A_269 : i32
    %scan3A_292 = arith.constant 0 : i32
    %scan3A_293 = arith.constant 0 : i32
    %scan3A_294 = arith.constant 128 : i32
    %scan3A_295 = arith.addi %scan3A_293, %scan3A_294 : i32
    %scan3A_296 = arith.constant 1 : i32
    %scan3A_297 = scf.for %scan3A_480 = %scan3A_293 to %scan3A_295 step %scan3A_296 iter_args(%scan3A_481 = %scan3A_292) -> (i32)  : i32 {
      %mul3A_482 = arith.constant 16 : i32
      %mul3A_483 = arith.muli %scan3A_480, %mul3A_482 : i32
      %multiple_of3A = tpu.assume_multiple %mul3A_483, 16 : i32
      %get3A = arith.index_cast %select_n3A_291 : i32 to index
      %get3A_484 = arith.index_cast %multiple_of3A : i32 to index
      %get3A_485 = tpu.vector_load %arg5[%get3A, %get3A_484] {strides = array<i32>} : memref<4x2048xf32, #tpu.memory_space<vmem>>, vector<1x16xf32>,
      %get3A_486 = vector.shape_cast %get3A_485 : vector<1x16xf32> to vector<16xf32>
      %get3A_487 = arith.constant 0 : i32
      %get3A_488 = arith.constant 0 : i32
      %get3A_489 = arith.index_cast %get3A_487 : i32 to index
      %get3A_490 = arith.index_cast %get3A_488 : i32 to index
      %get3A_491 = arith.index_cast %multiple_of3A : i32 to index
      %get3A_492 = tpu.vector_load %arg7[%get3A_489, %get3A_490, %get3A_491] {strides = array<i32>} : memref<8x2x2048xf32, #tpu.memory_space<vmem>>, vector<1x1x16xf32>,
      %get3A_493 = vector.shape_cast %get3A_492 : vector<1x1x16xf32> to vector<16xf32>
      %add3A_494 = arith.addf %get3A_493, %get3A_486 : vector<16xf32>
      %swap3A = arith.constant 0 : i32
      %swap3A_495 = arith.constant 0 : i32
      %swap3A_496 = arith.index_cast %swap3A : i32 to index
      %swap3A_497 = arith.index_cast %swap3A_495 : i32 to index
      %swap3A_498 = arith.index_cast %multiple_of3A : i32 to index
      %swap3A_499 = tpu.vector_load %arg7[%swap3A_496, %swap3A_497, %swap3A_498] {strides = array<i32>} : memref<8x2x2048xf32, #tpu.memory_space<vmem>>, vector<1x1x16xf32>,
      %swap3A_500 = vector.shape_cast %swap3A_499 : vector<1x1x16xf32> to vector<16xf32>
      %swap3A_501 = vector.shape_cast %add3A_494 : vector<16xf32> to vector<1x1x16xf32>
      tpu.vector_store %arg7[%swap3A_496, %swap3A_497, %swap3A_498], %swap3A_501 {strides = array<i32>} : memref<8x2x2048xf32, #tpu.memory_space<vmem>>, vector<1x1x16xf32>,
      %get3A_502 = arith.constant 0 : i32
      %get3A_503 = arith.constant 1 : i32
      %get3A_504 = arith.index_cast %get3A_502 : i32 to index
      %get3A_505 = arith.index_cast %get3A_503 : i32 to index
      %get3A_506 = arith.index_cast %multiple_of3A : i32 to index
      %get3A_507 = tpu.vector_load %arg7[%get3A_504, %get3A_505, %get3A_506] {strides = array<i32>} : memref<8x2x2048xf32, #tpu.memory_space<vmem>>, vector<1x1x16xf32>,
      %get3A_508 = vector.shape_cast %get3A_507 : vector<1x1x16xf32> to vector<16xf32>
      %add3A_509 = arith.addf %get3A_508, %get3A_486 : vector<16xf32>
      %swap3A_510 = arith.constant 0 : i32
      %swap3A_511 = arith.constant 1 : i32
      %swap3A_512 = arith.index_cast %swap3A_510 : i32 to index
      %swap3A_513 = arith.index_cast %swap3A_511 : i32 to index
      %swap3A_514 = arith.index_cast %multiple_of3A : i32 to index
      %swap3A_515 = tpu.vector_load %arg7[%swap3A_512, %swap3A_513, %swap3A_514] {strides = array<i32>} : memref<8x2x2048xf32, #tpu.memory_space<vmem>>, vector<1x1x16xf32>,
      %swap3A_516 = vector.shape_cast %swap3A_515 : vector<1x1x16xf32> to vector<16xf32>
      %swap3A_517 = vector.shape_cast %add3A_509 : vector<16xf32> to vector<1x1x16xf32>
      tpu.vector_store %arg7[%swap3A_512, %swap3A_513, %swap3A_514], %swap3A_517 {strides = array<i32>} : memref<8x2x2048xf32, #tpu.memory_space<vmem>>, vector<1x1x16xf32>,
      %get3A_518 = arith.constant 1 : i32
      %get3A_519 = arith.constant 0 : i32
      %get3A_520 = arith.index_cast %get3A_518 : i32 to index
      %get3A_521 = arith.index_cast %get3A_519 : i32 to index
      %get3A_522 = arith.index_cast %multiple_of3A : i32 to index
      %get3A_523 = tpu.vector_load %arg7[%get3A_520, %get3A_521, %get3A_522] {strides = array<i32>} : memref<8x2x2048xf32, #tpu.memory_space<vmem>>, vector<1x1x16xf32>,
      %get3A_524 = vector.shape_cast %get3A_523 : vector<1x1x16xf32> to vector<16xf32>
      %add3A_525 = arith.addf %get3A_524, %get3A_486 : vector<16xf32>
      %swap3A_526 = arith.constant 1 : i32
      %swap3A_527 = arith.constant 0 : i32
      %swap3A_528 = arith.index_cast %swap3A_526 : i32 to index
      %swap3A_529 = arith.index_cast %swap3A_527 : i32 to index
      %swap3A_530 = arith.index_cast %multiple_of3A : i32 to index
      %swap3A_531 = tpu.vector_load %arg7[%swap3A_528, %swap3A_529, %swap3A_530] {strides = array<i32>} : memref<8x2x2048xf32, #tpu.memory_space<vmem>>, vector<1x1x16xf32>,
      %swap3A_532 = vector.shape_cast %swap3A_531 : vector<1x1x16xf32> to vector<16xf32>
      %swap3A_533 = vector.shape_cast %add3A_525 : vector<16xf32> to vector<1x1x16xf32>
      tpu.vector_store %arg7[%swap3A_528, %swap3A_529, %swap3A_530], %swap3A_533 {strides = array<i32>} : memref<8x2x2048xf32, #tpu.memory_space<vmem>>, vector<1x1x16xf32>,
      %get3A_534 = arith.constant 1 : i32
      %get3A_535 = arith.constant 1 : i32
      %get3A_536 = arith.index_cast %get3A_534 : i32 to index
      %get3A_537 = arith.index_cast %get3A_535 : i32 to index
      %get3A_538 = arith.index_cast %multiple_of3A : i32 to index
      %get3A_539 = tpu.vector_load %arg7[%get3A_536, %get3A_537, %get3A_538] {strides = array<i32>} : memref<8x2x2048xf32, #tpu.memory_space<vmem>>, vector<1x1x16xf32>,
      %get3A_540 = vector.shape_cast %get3A_539 : vector<1x1x16xf32> to vector<16xf32>
      %add3A_541 = arith.addf %get3A_540, %get3A_486 : vector<16xf32>
      %swap3A_542 = arith.constant 1 : i32
      %swap3A_543 = arith.constant 1 : i32
      %swap3A_544 = arith.index_cast %swap3A_542 : i32 to index
      %swap3A_545 = arith.index_cast %swap3A_543 : i32 to index
      %swap3A_546 = arith.index_cast %multiple_of3A : i32 to index
      %swap3A_547 = tpu.vector_load %arg7[%swap3A_544, %swap3A_545, %swap3A_546] {strides = array<i32>} : memref<8x2x2048xf32, #tpu.memory_space<vmem>>, vector<1x1x16xf32>,
      %swap3A_548 = vector.shape_cast %swap3A_547 : vector<1x1x16xf32> to vector<16xf32>
      %swap3A_549 = vector.shape_cast %add3A_541 : vector<16xf32> to vector<1x1x16xf32>
      tpu.vector_store %arg7[%swap3A_544, %swap3A_545, %swap3A_546], %swap3A_549 {strides = array<i32>} : memref<8x2x2048xf32, #tpu.memory_space<vmem>>, vector<1x1x16xf32>,
      %get3A_550 = arith.constant 2 : i32
      %get3A_551 = arith.constant 0 : i32
      %get3A_552 = arith.index_cast %get3A_550 : i32 to index
      %get3A_553 = arith.index_cast %get3A_551 : i32 to index
      %get3A_554 = arith.index_cast %multiple_of3A : i32 to index
      %get3A_555 = tpu.vector_load %arg7[%get3A_552, %get3A_553, %get3A_554] {strides = array<i32>} : memref<8x2x2048xf32, #tpu.memory_space<vmem>>, vector<1x1x16xf32>,
      %get3A_556 = vector.shape_cast %get3A_555 : vector<1x1x16xf32> to vector<16xf32>
      %add3A_557 = arith.addf %get3A_556, %get3A_486 : vector<16xf32>
      %swap3A_558 = arith.constant 2 : i32
      %swap3A_559 = arith.constant 0 : i32
      %swap3A_560 = arith.index_cast %swap3A_558 : i32 to index
      %swap3A_561 = arith.index_cast %swap3A_559 : i32 to index
      %swap3A_562 = arith.index_cast %multiple_of3A : i32 to index
      %swap3A_563 = tpu.vector_load %arg7[%swap3A_560, %swap3A_561, %swap3A_562] {strides = array<i32>} : memref<8x2x2048xf32, #tpu.memory_space<vmem>>, vector<1x1x16xf32>,
      %swap3A_564 = vector.shape_cast %swap3A_563 : vector<1x1x16xf32> to vector<16xf32>
      %swap3A_565 = vector.shape_cast %add3A_557 : vector<16xf32> to vector<1x1x16xf32>
      tpu.vector_store %arg7[%swap3A_560, %swap3A_561, %swap3A_562], %swap3A_565 {strides = array<i32>} : memref<8x2x2048xf32, #tpu.memory_space<vmem>>, vector<1x1x16xf32>,
      %get3A_566 = arith.constant 2 : i32
      %get3A_567 = arith.constant 1 : i32
      %get3A_568 = arith.index_cast %get3A_566 : i32 to index
      %get3A_569 = arith.index_cast %get3A_567 : i32 to index
      %get3A_570 = arith.index_cast %multiple_of3A : i32 to index
      %get3A_571 = tpu.vector_load %arg7[%get3A_568, %get3A_569, %get3A_570] {strides = array<i32>} : memref<8x2x2048xf32, #tpu.memory_space<vmem>>, vector<1x1x16xf32>,
      %get3A_572 = vector.shape_cast %get3A_571 : vector<1x1x16xf32> to vector<16xf32>
      %add3A_573 = arith.addf %get3A_572, %get3A_486 : vector<16xf32>
      %swap3A_574 = arith.constant 2 : i32
      %swap3A_575 = arith.constant 1 : i32
      %swap3A_576 = arith.index_cast %swap3A_574 : i32 to index
      %swap3A_577 = arith.index_cast %swap3A_575 : i32 to index
      %swap3A_578 = arith.index_cast %multiple_of3A : i32 to index
      %swap3A_579 = tpu.vector_load %arg7[%swap3A_576, %swap3A_577, %swap3A_578] {strides = array<i32>} : memref<8x2x2048xf32, #tpu.memory_space<vmem>>, vector<1x1x16xf32>,
      %swap3A_580 = vector.shape_cast %swap3A_579 : vector<1x1x16xf32> to vector<16xf32>
      %swap3A_581 = vector.shape_cast %add3A_573 : vector<16xf32> to vector<1x1x16xf32>
      tpu.vector_store %arg7[%swap3A_576, %swap3A_577, %swap3A_578], %swap3A_581 {strides = array<i32>} : memref<8x2x2048xf32, #tpu.memory_space<vmem>>, vector<1x1x16xf32>,
      %get3A_582 = arith.constant 3 : i32
      %get3A_583 = arith.constant 0 : i32
      %get3A_584 = arith.index_cast %get3A_582 : i32 to index
      %get3A_585 = arith.index_cast %get3A_583 : i32 to index
      %get3A_586 = arith.index_cast %multiple_of3A : i32 to index
      %get3A_587 = tpu.vector_load %arg7[%get3A_584, %get3A_585, %get3A_586] {strides = array<i32>} : memref<8x2x2048xf32, #tpu.memory_space<vmem>>, vector<1x1x16xf32>,
      %get3A_588 = vector.shape_cast %get3A_587 : vector<1x1x16xf32> to vector<16xf32>
      %add3A_589 = arith.addf %get3A_588, %get3A_486 : vector<16xf32>
      %swap3A_590 = arith.constant 3 : i32
      %swap3A_591 = arith.constant 0 : i32
      %swap3A_592 = arith.index_cast %swap3A_590 : i32 to index
      %swap3A_593 = arith.index_cast %swap3A_591 : i32 to index
      %swap3A_594 = arith.index_cast %multiple_of3A : i32 to index
      %swap3A_595 = tpu.vector_load %arg7[%swap3A_592, %swap3A_593, %swap3A_594] {strides = array<i32>} : memref<8x2x2048xf32, #tpu.memory_space<vmem>>, vector<1x1x16xf32>,
      %swap3A_596 = vector.shape_cast %swap3A_595 : vector<1x1x16xf32> to vector<16xf32>
      %swap3A_597 = vector.shape_cast %add3A_589 : vector<16xf32> to vector<1x1x16xf32>
      tpu.vector_store %arg7[%swap3A_592, %swap3A_593, %swap3A_594], %swap3A_597 {strides = array<i32>} : memref<8x2x2048xf32, #tpu.memory_space<vmem>>, vector<1x1x16xf32>,
      %get3A_598 = arith.constant 3 : i32
      %get3A_599 = arith.constant 1 : i32
      %get3A_600 = arith.index_cast %get3A_598 : i32 to index
      %get3A_601 = arith.index_cast %get3A_599 : i32 to index
      %get3A_602 = arith.index_cast %multiple_of3A : i32 to index
      %get3A_603 = tpu.vector_load %arg7[%get3A_600, %get3A_601, %get3A_602] {strides = array<i32>} : memref<8x2x2048xf32, #tpu.memory_space<vmem>>, vector<1x1x16xf32>,
      %get3A_604 = vector.shape_cast %get3A_603 : vector<1x1x16xf32> to vector<16xf32>
      %add3A_605 = arith.addf %get3A_604, %get3A_486 : vector<16xf32>
      %swap3A_606 = arith.constant 3 : i32
      %swap3A_607 = arith.constant 1 : i32
      %swap3A_608 = arith.index_cast %swap3A_606 : i32 to index
      %swap3A_609 = arith.index_cast %swap3A_607 : i32 to index
      %swap3A_610 = arith.index_cast %multiple_of3A : i32 to index
      %swap3A_611 = tpu.vector_load %arg7[%swap3A_608, %swap3A_609, %swap3A_610] {strides = array<i32>} : memref<8x2x2048xf32, #tpu.memory_space<vmem>>, vector<1x1x16xf32>,
      %swap3A_612 = vector.shape_cast %swap3A_611 : vector<1x1x16xf32> to vector<16xf32>
      %swap3A_613 = vector.shape_cast %add3A_605 : vector<16xf32> to vector<1x1x16xf32>
      tpu.vector_store %arg7[%swap3A_608, %swap3A_609, %swap3A_610], %swap3A_613 {strides = array<i32>} : memref<8x2x2048xf32, #tpu.memory_space<vmem>>, vector<1x1x16xf32>,
      %get3A_614 = arith.constant 4 : i32
      %get3A_615 = arith.constant 0 : i32
      %get3A_616 = arith.index_cast %get3A_614 : i32 to index
      %get3A_617 = arith.index_cast %get3A_615 : i32 to index
      %get3A_618 = arith.index_cast %multiple_of3A : i32 to index
      %get3A_619 = tpu.vector_load %arg7[%get3A_616, %get3A_617, %get3A_618] {strides = array<i32>} : memref<8x2x2048xf32, #tpu.memory_space<vmem>>, vector<1x1x16xf32>,
      %get3A_620 = vector.shape_cast %get3A_619 : vector<1x1x16xf32> to vector<16xf32>
      %add3A_621 = arith.addf %get3A_620, %get3A_486 : vector<16xf32>
      %swap3A_622 = arith.constant 4 : i32
      %swap3A_623 = arith.constant 0 : i32
      %swap3A_624 = arith.index_cast %swap3A_622 : i32 to index
      %swap3A_625 = arith.index_cast %swap3A_623 : i32 to index
      %swap3A_626 = arith.index_cast %multiple_of3A : i32 to index
      %swap3A_627 = tpu.vector_load %arg7[%swap3A_624, %swap3A_625, %swap3A_626] {strides = array<i32>} : memref<8x2x2048xf32, #tpu.memory_space<vmem>>, vector<1x1x16xf32>,
      %swap3A_628 = vector.shape_cast %swap3A_627 : vector<1x1x16xf32> to vector<16xf32>
      %swap3A_629 = vector.shape_cast %add3A_621 : vector<16xf32> to vector<1x1x16xf32>
      tpu.vector_store %arg7[%swap3A_624, %swap3A_625, %swap3A_626], %swap3A_629 {strides = array<i32>} : memref<8x2x2048xf32, #tpu.memory_space<vmem>>, vector<1x1x16xf32>,
      %get3A_630 = arith.constant 4 : i32
      %get3A_631 = arith.constant 1 : i32
      %get3A_632 = arith.index_cast %get3A_630 : i32 to index
      %get3A_633 = arith.index_cast %get3A_631 : i32 to index
      %get3A_634 = arith.index_cast %multiple_of3A : i32 to index
      %get3A_635 = tpu.vector_load %arg7[%get3A_632, %get3A_633, %get3A_634] {strides = array<i32>} : memref<8x2x2048xf32, #tpu.memory_space<vmem>>, vector<1x1x16xf32>,
      %get3A_636 = vector.shape_cast %get3A_635 : vector<1x1x16xf32> to vector<16xf32>
      %add3A_637 = arith.addf %get3A_636, %get3A_486 : vector<16xf32>
      %swap3A_638 = arith.constant 4 : i32
      %swap3A_639 = arith.constant 1 : i32
      %swap3A_640 = arith.index_cast %swap3A_638 : i32 to index
      %swap3A_641 = arith.index_cast %swap3A_639 : i32 to index
      %swap3A_642 = arith.index_cast %multiple_of3A : i32 to index
      %swap3A_643 = tpu.vector_load %arg7[%swap3A_640, %swap3A_641, %swap3A_642] {strides = array<i32>} : memref<8x2x2048xf32, #tpu.memory_space<vmem>>, vector<1x1x16xf32>,
      %swap3A_644 = vector.shape_cast %swap3A_643 : vector<1x1x16xf32> to vector<16xf32>
      %swap3A_645 = vector.shape_cast %add3A_637 : vector<16xf32> to vector<1x1x16xf32>
      tpu.vector_store %arg7[%swap3A_640, %swap3A_641, %swap3A_642], %swap3A_645 {strides = array<i32>} : memref<8x2x2048xf32, #tpu.memory_space<vmem>>, vector<1x1x16xf32>,
      %get3A_646 = arith.constant 5 : i32
      %get3A_647 = arith.constant 0 : i32
      %get3A_648 = arith.index_cast %get3A_646 : i32 to index
      %get3A_649 = arith.index_cast %get3A_647 : i32 to index
      %get3A_650 = arith.index_cast %multiple_of3A : i32 to index
      %get3A_651 = tpu.vector_load %arg7[%get3A_648, %get3A_649, %get3A_650] {strides = array<i32>} : memref<8x2x2048xf32, #tpu.memory_space<vmem>>, vector<1x1x16xf32>,
      %get3A_652 = vector.shape_cast %get3A_651 : vector<1x1x16xf32> to vector<16xf32>
      %add3A_653 = arith.addf %get3A_652, %get3A_486 : vector<16xf32>
      %swap3A_654 = arith.constant 5 : i32
      %swap3A_655 = arith.constant 0 : i32
      %swap3A_656 = arith.index_cast %swap3A_654 : i32 to index
      %swap3A_657 = arith.index_cast %swap3A_655 : i32 to index
      %swap3A_658 = arith.index_cast %multiple_of3A : i32 to index
      %swap3A_659 = tpu.vector_load %arg7[%swap3A_656, %swap3A_657, %swap3A_658] {strides = array<i32>} : memref<8x2x2048xf32, #tpu.memory_space<vmem>>, vector<1x1x16xf32>,
      %swap3A_660 = vector.shape_cast %swap3A_659 : vector<1x1x16xf32> to vector<16xf32>
      %swap3A_661 = vector.shape_cast %add3A_653 : vector<16xf32> to vector<1x1x16xf32>
      tpu.vector_store %arg7[%swap3A_656, %swap3A_657, %swap3A_658], %swap3A_661 {strides = array<i32>} : memref<8x2x2048xf32, #tpu.memory_space<vmem>>, vector<1x1x16xf32>,
      %get3A_662 = arith.constant 5 : i32
      %get3A_663 = arith.constant 1 : i32
      %get3A_664 = arith.index_cast %get3A_662 : i32 to index
      %get3A_665 = arith.index_cast %get3A_663 : i32 to index
      %get3A_666 = arith.index_cast %multiple_of3A : i32 to index
      %get3A_667 = tpu.vector_load %arg7[%get3A_664, %get3A_665, %get3A_666] {strides = array<i32>} : memref<8x2x2048xf32, #tpu.memory_space<vmem>>, vector<1x1x16xf32>,
      %get3A_668 = vector.shape_cast %get3A_667 : vector<1x1x16xf32> to vector<16xf32>
      %add3A_669 = arith.addf %get3A_668, %get3A_486 : vector<16xf32>
      %swap3A_670 = arith.constant 5 : i32
      %swap3A_671 = arith.constant 1 : i32
      %swap3A_672 = arith.index_cast %swap3A_670 : i32 to index
      %swap3A_673 = arith.index_cast %swap3A_671 : i32 to index
      %swap3A_674 = arith.index_cast %multiple_of3A : i32 to index
      %swap3A_675 = tpu.vector_load %arg7[%swap3A_672, %swap3A_673, %swap3A_674] {strides = array<i32>} : memref<8x2x2048xf32, #tpu.memory_space<vmem>>, vector<1x1x16xf32>,
      %swap3A_676 = vector.shape_cast %swap3A_675 : vector<1x1x16xf32> to vector<16xf32>
      %swap3A_677 = vector.shape_cast %add3A_669 : vector<16xf32> to vector<1x1x16xf32>
      tpu.vector_store %arg7[%swap3A_672, %swap3A_673, %swap3A_674], %swap3A_677 {strides = array<i32>} : memref<8x2x2048xf32, #tpu.memory_space<vmem>>, vector<1x1x16xf32>,
      %get3A_678 = arith.constant 6 : i32
      %get3A_679 = arith.constant 0 : i32
      %get3A_680 = arith.index_cast %get3A_678 : i32 to index
      %get3A_681 = arith.index_cast %get3A_679 : i32 to index
      %get3A_682 = arith.index_cast %multiple_of3A : i32 to index
      %get3A_683 = tpu.vector_load %arg7[%get3A_680, %get3A_681, %get3A_682] {strides = array<i32>} : memref<8x2x2048xf32, #tpu.memory_space<vmem>>, vector<1x1x16xf32>,
      %get3A_684 = vector.shape_cast %get3A_683 : vector<1x1x16xf32> to vector<16xf32>
      %add3A_685 = arith.addf %get3A_684, %get3A_486 : vector<16xf32>
      %swap3A_686 = arith.constant 6 : i32
      %swap3A_687 = arith.constant 0 : i32
      %swap3A_688 = arith.index_cast %swap3A_686 : i32 to index
      %swap3A_689 = arith.index_cast %swap3A_687 : i32 to index
      %swap3A_690 = arith.index_cast %multiple_of3A : i32 to index
      %swap3A_691 = tpu.vector_load %arg7[%swap3A_688, %swap3A_689, %swap3A_690] {strides = array<i32>} : memref<8x2x2048xf32, #tpu.memory_space<vmem>>, vector<1x1x16xf32>,
      %swap3A_692 = vector.shape_cast %swap3A_691 : vector<1x1x16xf32> to vector<16xf32>
      %swap3A_693 = vector.shape_cast %add3A_685 : vector<16xf32> to vector<1x1x16xf32>
      tpu.vector_store %arg7[%swap3A_688, %swap3A_689, %swap3A_690], %swap3A_693 {strides = array<i32>} : memref<8x2x2048xf32, #tpu.memory_space<vmem>>, vector<1x1x16xf32>,
      %get3A_694 = arith.constant 6 : i32
      %get3A_695 = arith.constant 1 : i32
      %get3A_696 = arith.index_cast %get3A_694 : i32 to index
      %get3A_697 = arith.index_cast %get3A_695 : i32 to index
      %get3A_698 = arith.index_cast %multiple_of3A : i32 to index
      %get3A_699 = tpu.vector_load %arg7[%get3A_696, %get3A_697, %get3A_698] {strides = array<i32>} : memref<8x2x2048xf32, #tpu.memory_space<vmem>>, vector<1x1x16xf32>,
      %get3A_700 = vector.shape_cast %get3A_699 : vector<1x1x16xf32> to vector<16xf32>
      %add3A_701 = arith.addf %get3A_700, %get3A_486 : vector<16xf32>
      %swap3A_702 = arith.constant 6 : i32
      %swap3A_703 = arith.constant 1 : i32
      %swap3A_704 = arith.index_cast %swap3A_702 : i32 to index
      %swap3A_705 = arith.index_cast %swap3A_703 : i32 to index
      %swap3A_706 = arith.index_cast %multiple_of3A : i32 to index
      %swap3A_707 = tpu.vector_load %arg7[%swap3A_704, %swap3A_705, %swap3A_706] {strides = array<i32>} : memref<8x2x2048xf32, #tpu.memory_space<vmem>>, vector<1x1x16xf32>,
      %swap3A_708 = vector.shape_cast %swap3A_707 : vector<1x1x16xf32> to vector<16xf32>
      %swap3A_709 = vector.shape_cast %add3A_701 : vector<16xf32> to vector<1x1x16xf32>
      tpu.vector_store %arg7[%swap3A_704, %swap3A_705, %swap3A_706], %swap3A_709 {strides = array<i32>} : memref<8x2x2048xf32, #tpu.memory_space<vmem>>, vector<1x1x16xf32>,
      %get3A_710 = arith.constant 7 : i32
      %get3A_711 = arith.constant 0 : i32
      %get3A_712 = arith.index_cast %get3A_710 : i32 to index
      %get3A_713 = arith.index_cast %get3A_711 : i32 to index
      %get3A_714 = arith.index_cast %multiple_of3A : i32 to index
      %get3A_715 = tpu.vector_load %arg7[%get3A_712, %get3A_713, %get3A_714] {strides = array<i32>} : memref<8x2x2048xf32, #tpu.memory_space<vmem>>, vector<1x1x16xf32>,
      %get3A_716 = vector.shape_cast %get3A_715 : vector<1x1x16xf32> to vector<16xf32>
      %add3A_717 = arith.addf %get3A_716, %get3A_486 : vector<16xf32>
      %swap3A_718 = arith.constant 7 : i32
      %swap3A_719 = arith.constant 0 : i32
      %swap3A_720 = arith.index_cast %swap3A_718 : i32 to index
      %swap3A_721 = arith.index_cast %swap3A_719 : i32 to index
      %swap3A_722 = arith.index_cast %multiple_of3A : i32 to index
      %swap3A_723 = tpu.vector_load %arg7[%swap3A_720, %swap3A_721, %swap3A_722] {strides = array<i32>} : memref<8x2x2048xf32, #tpu.memory_space<vmem>>, vector<1x1x16xf32>,
      %swap3A_724 = vector.shape_cast %swap3A_723 : vector<1x1x16xf32> to vector<16xf32>
      %swap3A_725 = vector.shape_cast %add3A_717 : vector<16xf32> to vector<1x1x16xf32>
      tpu.vector_store %arg7[%swap3A_720, %swap3A_721, %swap3A_722], %swap3A_725 {strides = array<i32>} : memref<8x2x2048xf32, #tpu.memory_space<vmem>>, vector<1x1x16xf32>,
      %get3A_726 = arith.constant 7 : i32
      %get3A_727 = arith.constant 1 : i32
      %get3A_728 = arith.index_cast %get3A_726 : i32 to index
      %get3A_729 = arith.index_cast %get3A_727 : i32 to index
      %get3A_730 = arith.index_cast %multiple_of3A : i32 to index
      %get3A_731 = tpu.vector_load %arg7[%get3A_728, %get3A_729, %get3A_730] {strides = array<i32>} : memref<8x2x2048xf32, #tpu.memory_space<vmem>>, vector<1x1x16xf32>,
      %get3A_732 = vector.shape_cast %get3A_731 : vector<1x1x16xf32> to vector<16xf32>
      %add3A_733 = arith.addf %get3A_732, %get3A_486 : vector<16xf32>
      %swap3A_734 = arith.constant 7 : i32
      %swap3A_735 = arith.constant 1 : i32
      %swap3A_736 = arith.index_cast %swap3A_734 : i32 to index
      %swap3A_737 = arith.index_cast %swap3A_735 : i32 to index
      %swap3A_738 = arith.index_cast %multiple_of3A : i32 to index
      %swap3A_739 = tpu.vector_load %arg7[%swap3A_736, %swap3A_737, %swap3A_738] {strides = array<i32>} : memref<8x2x2048xf32, #tpu.memory_space<vmem>>, vector<1x1x16xf32>,
      %swap3A_740 = vector.shape_cast %swap3A_739 : vector<1x1x16xf32> to vector<16xf32>
      %swap3A_741 = vector.shape_cast %add3A_733 : vector<16xf32> to vector<1x1x16xf32>
      tpu.vector_store %arg7[%swap3A_736, %swap3A_737, %swap3A_738], %swap3A_741 {strides = array<i32>} : memref<8x2x2048xf32, #tpu.memory_space<vmem>>, vector<1x1x16xf32>,
      %scan3A_742 = arith.constant 0 : i32
      scf.yield %scan3A_742 : i32
    }
    %scan3A_298 = arith.constant 128 : i32
    %add3A_299 = arith.constant 32 : i32
    %add3A_300 = arith.addi %mul3A_2, %add3A_299 : i32
    %dma_start3A_301 = arith.constant 0 : i32
    %dma_start3A_302 = arith.constant 0 : i32
    %dma_start3A_303 = tpu.memref_slice %arg4[%add3A_300, %dma_start3A_301, %dma_start3A_302] : memref<8192x2x2048xf32, #tpu.memory_space<hbm>> -> memref<8x2x2048xf32, #tpu.memory_space<hbm>>
    %dma_start3A_304 = arith.constant 0 : i32
    %dma_start3A_305 = arith.constant 0 : i32
    %dma_start3A_306 = tpu.memref_slice %arg4[%add3A_300, %dma_start3A_304, %dma_start3A_305] : memref<8192x2x2048xf32, #tpu.memory_space<hbm>> -> memref<8x2x2048xf32, #tpu.memory_space<hbm>>
    tpu.enqueue_dma source(%arg7 : memref<8x2x2048xf32, #tpu.memory_space<vmem>>) target(%dma_start3A_306 : memref<8x2x2048xf32, #tpu.memory_space<hbm>>) target_semaphore(%arg13 : memref<!tpu.dma_semaphore, #tpu.memory_space<semaphore_mem>>)
    %dma_wait3A_307 = arith.constant 0 : i32
    %dma_wait3A_308 = arith.constant 0 : i32
    %dma_wait3A_309 = tpu.memref_slice %arg4[%add3A_300, %dma_wait3A_307, %dma_wait3A_308] : memref<8192x2x2048xf32, #tpu.memory_space<hbm>> -> memref<8x2x2048xf32, #tpu.memory_space<hbm>>
    %dma_wait3A_310 = arith.constant 0 : i32
    %dma_wait3A_311 = arith.constant 0 : i32
    %dma_wait3A_312 = tpu.memref_slice %arg4[%add3A_300, %dma_wait3A_310, %dma_wait3A_311] : memref<8192x2x2048xf32, #tpu.memory_space<hbm>> -> memref<8x2x2048xf32, #tpu.memory_space<hbm>>
    tpu.wait_dma2 semaphore(%arg13 : memref<!tpu.dma_semaphore, #tpu.memory_space<semaphore_mem>>) src(%arg7 : memref<8x2x2048xf32, #tpu.memory_space<vmem>>) dst(%dma_wait3A_312 : memref<8x2x2048xf32, #tpu.memory_space<hbm>>)
    %add3A_313 = arith.constant 56 : i32
    %add3A_314 = arith.addi %mul3A_2, %add3A_313 : i32
    %dma_start3A_315 = arith.constant 0 : i32
    %dma_start3A_316 = arith.constant 0 : i32
    %dma_start3A_317 = tpu.memref_slice %arg2[%add3A_314, %dma_start3A_315, %dma_start3A_316] : memref<8192x2x2048xf32, #tpu.memory_space<hbm>> -> memref<8x2x2048xf32, #tpu.memory_space<hbm>>
    %dma_start3A_318 = arith.constant 0 : i32
    %dma_start3A_319 = arith.constant 0 : i32
    %dma_start3A_320 = tpu.memref_slice %arg2[%add3A_314, %dma_start3A_318, %dma_start3A_319] : memref<8192x2x2048xf32, #tpu.memory_space<hbm>> -> memref<8x2x2048xf32, #tpu.memory_space<hbm>>
    tpu.enqueue_dma source(%dma_start3A_320 : memref<8x2x2048xf32, #tpu.memory_space<hbm>>) target(%arg7 : memref<8x2x2048xf32, #tpu.memory_space<vmem>>) target_semaphore(%arg10 : memref<!tpu.dma_semaphore, #tpu.memory_space<semaphore_mem>>)
    %dma_wait3A_321 = arith.constant 0 : i32
    %dma_wait3A_322 = arith.constant 0 : i32
    %dma_wait3A_323 = tpu.memref_slice %arg2[%add3A_192, %dma_wait3A_321, %dma_wait3A_322] : memref<8192x2x2048xf32, #tpu.memory_space<hbm>> -> memref<8x2x2048xf32, #tpu.memory_space<hbm>>
    %dma_wait3A_324 = arith.constant 0 : i32
    %dma_wait3A_325 = arith.constant 0 : i32
    %dma_wait3A_326 = tpu.memref_slice %arg2[%add3A_192, %dma_wait3A_324, %dma_wait3A_325] : memref<8192x2x2048xf32, #tpu.memory_space<hbm>> -> memref<8x2x2048xf32, #tpu.memory_space<hbm>>
    tpu.wait_dma2 semaphore(%arg11 : memref<!tpu.dma_semaphore, #tpu.memory_space<semaphore_mem>>) src(%dma_wait3A_326 : memref<8x2x2048xf32, #tpu.memory_space<hbm>>) dst(%arg8 : memref<8x2x2048xf32, #tpu.memory_space<vmem>>)
    %add3A_327 = arith.constant 40 : i32
    %add3A_328 = arith.addi %mul3A_2, %add3A_327 : i32
    %jit3A_329 = arith.constant 2048 : i32
    %div3A_330 = arith.divsi %add3A_328, %jit3A_329 : i32
    %sign3A_331 = arith.constant 0 : i32
    %sign3A_332 = arith.cmpi sgt, %add3A_328, %sign3A_331 : i32
    %sign3A_333 = arith.extui %sign3A_332 : i1 to i32
    %sign3A_334 = arith.constant 0 : i32
    %sign3A_335 = arith.cmpi slt, %add3A_328, %sign3A_334 : i32
    %sign3A_336 = arith.extui %sign3A_335 : i1 to i32
    %sign3A_337 = arith.subi %sign3A_333, %sign3A_336 : i32
    %sign3A_338 = arith.constant 0 : i32
    %sign3A_339 = arith.cmpi sgt, %jit3A_329, %sign3A_338 : i32
    %sign3A_340 = arith.extui %sign3A_339 : i1 to i32
    %sign3A_341 = arith.constant 0 : i32
    %sign3A_342 = arith.cmpi slt, %jit3A_329, %sign3A_341 : i32
    %sign3A_343 = arith.extui %sign3A_342 : i1 to i32
    %sign3A_344 = arith.subi %sign3A_340, %sign3A_343 : i32
    %ne3A_345 = arith.cmpi ne, %sign3A_337, %sign3A_344 : i32
    %rem3A_346 = arith.remsi %add3A_328, %jit3A_329 : i32
    %ne3A_347 = arith.constant 0 : i32
    %ne3A_348 = arith.cmpi ne, %rem3A_346, %ne3A_347 : i32
    %and3A_349 = arith.andi %ne3A_345, %ne3A_348 : i1
    %sub3A_350 = arith.constant 1 : i32
    %sub3A_351 = arith.subi %div3A_330, %sub3A_350 : i32
    %select_n3A_352 = arith.select %and3A_349, %sub3A_351, %div3A_330 : i32
    %scan3A_353 = arith.constant 0 : i32
    %scan3A_354 = arith.constant 0 : i32
    %scan3A_355 = arith.constant 128 : i32
    %scan3A_356 = arith.addi %scan3A_354, %scan3A_355 : i32
    %scan3A_357 = arith.constant 1 : i32
    %scan3A_358 = scf.for %scan3A_480 = %scan3A_354 to %scan3A_356 step %scan3A_357 iter_args(%scan3A_481 = %scan3A_353) -> (i32)  : i32 {
      %mul3A_482 = arith.constant 16 : i32
      %mul3A_483 = arith.muli %scan3A_480, %mul3A_482 : i32
      %multiple_of3A = tpu.assume_multiple %mul3A_483, 16 : i32
      %get3A = arith.index_cast %select_n3A_352 : i32 to index
      %get3A_484 = arith.index_cast %multiple_of3A : i32 to index
      %get3A_485 = tpu.vector_load %arg5[%get3A, %get3A_484] {strides = array<i32>} : memref<4x2048xf32, #tpu.memory_space<vmem>>, vector<1x16xf32>,
      %get3A_486 = vector.shape_cast %get3A_485 : vector<1x16xf32> to vector<16xf32>
      %get3A_487 = arith.constant 0 : i32
      %get3A_488 = arith.constant 0 : i32
      %get3A_489 = arith.index_cast %get3A_487 : i32 to index
      %get3A_490 = arith.index_cast %get3A_488 : i32 to index
      %get3A_491 = arith.index_cast %multiple_of3A : i32 to index
      %get3A_492 = tpu.vector_load %arg8[%get3A_489, %get3A_490, %get3A_491] {strides = array<i32>} : memref<8x2x2048xf32, #tpu.memory_space<vmem>>, vector<1x1x16xf32>,
      %get3A_493 = vector.shape_cast %get3A_492 : vector<1x1x16xf32> to vector<16xf32>
      %add3A_494 = arith.addf %get3A_493, %get3A_486 : vector<16xf32>
      %swap3A = arith.constant 0 : i32
      %swap3A_495 = arith.constant 0 : i32
      %swap3A_496 = arith.index_cast %swap3A : i32 to index
      %swap3A_497 = arith.index_cast %swap3A_495 : i32 to index
      %swap3A_498 = arith.index_cast %multiple_of3A : i32 to index
      %swap3A_499 = tpu.vector_load %arg8[%swap3A_496, %swap3A_497, %swap3A_498] {strides = array<i32>} : memref<8x2x2048xf32, #tpu.memory_space<vmem>>, vector<1x1x16xf32>,
      %swap3A_500 = vector.shape_cast %swap3A_499 : vector<1x1x16xf32> to vector<16xf32>
      %swap3A_501 = vector.shape_cast %add3A_494 : vector<16xf32> to vector<1x1x16xf32>
      tpu.vector_store %arg8[%swap3A_496, %swap3A_497, %swap3A_498], %swap3A_501 {strides = array<i32>} : memref<8x2x2048xf32, #tpu.memory_space<vmem>>, vector<1x1x16xf32>,
      %get3A_502 = arith.constant 0 : i32
      %get3A_503 = arith.constant 1 : i32
      %get3A_504 = arith.index_cast %get3A_502 : i32 to index
      %get3A_505 = arith.index_cast %get3A_503 : i32 to index
      %get3A_506 = arith.index_cast %multiple_of3A : i32 to index
      %get3A_507 = tpu.vector_load %arg8[%get3A_504, %get3A_505, %get3A_506] {strides = array<i32>} : memref<8x2x2048xf32, #tpu.memory_space<vmem>>, vector<1x1x16xf32>,
      %get3A_508 = vector.shape_cast %get3A_507 : vector<1x1x16xf32> to vector<16xf32>
      %add3A_509 = arith.addf %get3A_508, %get3A_486 : vector<16xf32>
      %swap3A_510 = arith.constant 0 : i32
      %swap3A_511 = arith.constant 1 : i32
      %swap3A_512 = arith.index_cast %swap3A_510 : i32 to index
      %swap3A_513 = arith.index_cast %swap3A_511 : i32 to index
      %swap3A_514 = arith.index_cast %multiple_of3A : i32 to index
      %swap3A_515 = tpu.vector_load %arg8[%swap3A_512, %swap3A_513, %swap3A_514] {strides = array<i32>} : memref<8x2x2048xf32, #tpu.memory_space<vmem>>, vector<1x1x16xf32>,
      %swap3A_516 = vector.shape_cast %swap3A_515 : vector<1x1x16xf32> to vector<16xf32>
      %swap3A_517 = vector.shape_cast %add3A_509 : vector<16xf32> to vector<1x1x16xf32>
      tpu.vector_store %arg8[%swap3A_512, %swap3A_513, %swap3A_514], %swap3A_517 {strides = array<i32>} : memref<8x2x2048xf32, #tpu.memory_space<vmem>>, vector<1x1x16xf32>,
      %get3A_518 = arith.constant 1 : i32
      %get3A_519 = arith.constant 0 : i32
      %get3A_520 = arith.index_cast %get3A_518 : i32 to index
      %get3A_521 = arith.index_cast %get3A_519 : i32 to index
      %get3A_522 = arith.index_cast %multiple_of3A : i32 to index
      %get3A_523 = tpu.vector_load %arg8[%get3A_520, %get3A_521, %get3A_522] {strides = array<i32>} : memref<8x2x2048xf32, #tpu.memory_space<vmem>>, vector<1x1x16xf32>,
      %get3A_524 = vector.shape_cast %get3A_523 : vector<1x1x16xf32> to vector<16xf32>
      %add3A_525 = arith.addf %get3A_524, %get3A_486 : vector<16xf32>
      %swap3A_526 = arith.constant 1 : i32
      %swap3A_527 = arith.constant 0 : i32
      %swap3A_528 = arith.index_cast %swap3A_526 : i32 to index
      %swap3A_529 = arith.index_cast %swap3A_527 : i32 to index
      %swap3A_530 = arith.index_cast %multiple_of3A : i32 to index
      %swap3A_531 = tpu.vector_load %arg8[%swap3A_528, %swap3A_529, %swap3A_530] {strides = array<i32>} : memref<8x2x2048xf32, #tpu.memory_space<vmem>>, vector<1x1x16xf32>,
      %swap3A_532 = vector.shape_cast %swap3A_531 : vector<1x1x16xf32> to vector<16xf32>
      %swap3A_533 = vector.shape_cast %add3A_525 : vector<16xf32> to vector<1x1x16xf32>
      tpu.vector_store %arg8[%swap3A_528, %swap3A_529, %swap3A_530], %swap3A_533 {strides = array<i32>} : memref<8x2x2048xf32, #tpu.memory_space<vmem>>, vector<1x1x16xf32>,
      %get3A_534 = arith.constant 1 : i32
      %get3A_535 = arith.constant 1 : i32
      %get3A_536 = arith.index_cast %get3A_534 : i32 to index
      %get3A_537 = arith.index_cast %get3A_535 : i32 to index
      %get3A_538 = arith.index_cast %multiple_of3A : i32 to index
      %get3A_539 = tpu.vector_load %arg8[%get3A_536, %get3A_537, %get3A_538] {strides = array<i32>} : memref<8x2x2048xf32, #tpu.memory_space<vmem>>, vector<1x1x16xf32>,
      %get3A_540 = vector.shape_cast %get3A_539 : vector<1x1x16xf32> to vector<16xf32>
      %add3A_541 = arith.addf %get3A_540, %get3A_486 : vector<16xf32>
      %swap3A_542 = arith.constant 1 : i32
      %swap3A_543 = arith.constant 1 : i32
      %swap3A_544 = arith.index_cast %swap3A_542 : i32 to index
      %swap3A_545 = arith.index_cast %swap3A_543 : i32 to index
      %swap3A_546 = arith.index_cast %multiple_of3A : i32 to index
      %swap3A_547 = tpu.vector_load %arg8[%swap3A_544, %swap3A_545, %swap3A_546] {strides = array<i32>} : memref<8x2x2048xf32, #tpu.memory_space<vmem>>, vector<1x1x16xf32>,
      %swap3A_548 = vector.shape_cast %swap3A_547 : vector<1x1x16xf32> to vector<16xf32>
      %swap3A_549 = vector.shape_cast %add3A_541 : vector<16xf32> to vector<1x1x16xf32>
      tpu.vector_store %arg8[%swap3A_544, %swap3A_545, %swap3A_546], %swap3A_549 {strides = array<i32>} : memref<8x2x2048xf32, #tpu.memory_space<vmem>>, vector<1x1x16xf32>,
      %get3A_550 = arith.constant 2 : i32
      %get3A_551 = arith.constant 0 : i32
      %get3A_552 = arith.index_cast %get3A_550 : i32 to index
      %get3A_553 = arith.index_cast %get3A_551 : i32 to index
      %get3A_554 = arith.index_cast %multiple_of3A : i32 to index
      %get3A_555 = tpu.vector_load %arg8[%get3A_552, %get3A_553, %get3A_554] {strides = array<i32>} : memref<8x2x2048xf32, #tpu.memory_space<vmem>>, vector<1x1x16xf32>,
      %get3A_556 = vector.shape_cast %get3A_555 : vector<1x1x16xf32> to vector<16xf32>
      %add3A_557 = arith.addf %get3A_556, %get3A_486 : vector<16xf32>
      %swap3A_558 = arith.constant 2 : i32
      %swap3A_559 = arith.constant 0 : i32
      %swap3A_560 = arith.index_cast %swap3A_558 : i32 to index
      %swap3A_561 = arith.index_cast %swap3A_559 : i32 to index
      %swap3A_562 = arith.index_cast %multiple_of3A : i32 to index
      %swap3A_563 = tpu.vector_load %arg8[%swap3A_560, %swap3A_561, %swap3A_562] {strides = array<i32>} : memref<8x2x2048xf32, #tpu.memory_space<vmem>>, vector<1x1x16xf32>,
      %swap3A_564 = vector.shape_cast %swap3A_563 : vector<1x1x16xf32> to vector<16xf32>
      %swap3A_565 = vector.shape_cast %add3A_557 : vector<16xf32> to vector<1x1x16xf32>
      tpu.vector_store %arg8[%swap3A_560, %swap3A_561, %swap3A_562], %swap3A_565 {strides = array<i32>} : memref<8x2x2048xf32, #tpu.memory_space<vmem>>, vector<1x1x16xf32>,
      %get3A_566 = arith.constant 2 : i32
      %get3A_567 = arith.constant 1 : i32
      %get3A_568 = arith.index_cast %get3A_566 : i32 to index
      %get3A_569 = arith.index_cast %get3A_567 : i32 to index
      %get3A_570 = arith.index_cast %multiple_of3A : i32 to index
      %get3A_571 = tpu.vector_load %arg8[%get3A_568, %get3A_569, %get3A_570] {strides = array<i32>} : memref<8x2x2048xf32, #tpu.memory_space<vmem>>, vector<1x1x16xf32>,
      %get3A_572 = vector.shape_cast %get3A_571 : vector<1x1x16xf32> to vector<16xf32>
      %add3A_573 = arith.addf %get3A_572, %get3A_486 : vector<16xf32>
      %swap3A_574 = arith.constant 2 : i32
      %swap3A_575 = arith.constant 1 : i32
      %swap3A_576 = arith.index_cast %swap3A_574 : i32 to index
      %swap3A_577 = arith.index_cast %swap3A_575 : i32 to index
      %swap3A_578 = arith.index_cast %multiple_of3A : i32 to index
      %swap3A_579 = tpu.vector_load %arg8[%swap3A_576, %swap3A_577, %swap3A_578] {strides = array<i32>} : memref<8x2x2048xf32, #tpu.memory_space<vmem>>, vector<1x1x16xf32>,
      %swap3A_580 = vector.shape_cast %swap3A_579 : vector<1x1x16xf32> to vector<16xf32>
      %swap3A_581 = vector.shape_cast %add3A_573 : vector<16xf32> to vector<1x1x16xf32>
      tpu.vector_store %arg8[%swap3A_576, %swap3A_577, %swap3A_578], %swap3A_581 {strides = array<i32>} : memref<8x2x2048xf32, #tpu.memory_space<vmem>>, vector<1x1x16xf32>,
      %get3A_582 = arith.constant 3 : i32
      %get3A_583 = arith.constant 0 : i32
      %get3A_584 = arith.index_cast %get3A_582 : i32 to index
      %get3A_585 = arith.index_cast %get3A_583 : i32 to index
      %get3A_586 = arith.index_cast %multiple_of3A : i32 to index
      %get3A_587 = tpu.vector_load %arg8[%get3A_584, %get3A_585, %get3A_586] {strides = array<i32>} : memref<8x2x2048xf32, #tpu.memory_space<vmem>>, vector<1x1x16xf32>,
      %get3A_588 = vector.shape_cast %get3A_587 : vector<1x1x16xf32> to vector<16xf32>
      %add3A_589 = arith.addf %get3A_588, %get3A_486 : vector<16xf32>
      %swap3A_590 = arith.constant 3 : i32
      %swap3A_591 = arith.constant 0 : i32
      %swap3A_592 = arith.index_cast %swap3A_590 : i32 to index
      %swap3A_593 = arith.index_cast %swap3A_591 : i32 to index
      %swap3A_594 = arith.index_cast %multiple_of3A : i32 to index
      %swap3A_595 = tpu.vector_load %arg8[%swap3A_592, %swap3A_593, %swap3A_594] {strides = array<i32>} : memref<8x2x2048xf32, #tpu.memory_space<vmem>>, vector<1x1x16xf32>,
      %swap3A_596 = vector.shape_cast %swap3A_595 : vector<1x1x16xf32> to vector<16xf32>
      %swap3A_597 = vector.shape_cast %add3A_589 : vector<16xf32> to vector<1x1x16xf32>
      tpu.vector_store %arg8[%swap3A_592, %swap3A_593, %swap3A_594], %swap3A_597 {strides = array<i32>} : memref<8x2x2048xf32, #tpu.memory_space<vmem>>, vector<1x1x16xf32>,
      %get3A_598 = arith.constant 3 : i32
      %get3A_599 = arith.constant 1 : i32
      %get3A_600 = arith.index_cast %get3A_598 : i32 to index
      %get3A_601 = arith.index_cast %get3A_599 : i32 to index
      %get3A_602 = arith.index_cast %multiple_of3A : i32 to index
      %get3A_603 = tpu.vector_load %arg8[%get3A_600, %get3A_601, %get3A_602] {strides = array<i32>} : memref<8x2x2048xf32, #tpu.memory_space<vmem>>, vector<1x1x16xf32>,
      %get3A_604 = vector.shape_cast %get3A_603 : vector<1x1x16xf32> to vector<16xf32>
      %add3A_605 = arith.addf %get3A_604, %get3A_486 : vector<16xf32>
      %swap3A_606 = arith.constant 3 : i32
      %swap3A_607 = arith.constant 1 : i32
      %swap3A_608 = arith.index_cast %swap3A_606 : i32 to index
      %swap3A_609 = arith.index_cast %swap3A_607 : i32 to index
      %swap3A_610 = arith.index_cast %multiple_of3A : i32 to index
      %swap3A_611 = tpu.vector_load %arg8[%swap3A_608, %swap3A_609, %swap3A_610] {strides = array<i32>} : memref<8x2x2048xf32, #tpu.memory_space<vmem>>, vector<1x1x16xf32>,
      %swap3A_612 = vector.shape_cast %swap3A_611 : vector<1x1x16xf32> to vector<16xf32>
      %swap3A_613 = vector.shape_cast %add3A_605 : vector<16xf32> to vector<1x1x16xf32>
      tpu.vector_store %arg8[%swap3A_608, %swap3A_609, %swap3A_610], %swap3A_613 {strides = array<i32>} : memref<8x2x2048xf32, #tpu.memory_space<vmem>>, vector<1x1x16xf32>,
      %get3A_614 = arith.constant 4 : i32
      %get3A_615 = arith.constant 0 : i32
      %get3A_616 = arith.index_cast %get3A_614 : i32 to index
      %get3A_617 = arith.index_cast %get3A_615 : i32 to index
      %get3A_618 = arith.index_cast %multiple_of3A : i32 to index
      %get3A_619 = tpu.vector_load %arg8[%get3A_616, %get3A_617, %get3A_618] {strides = array<i32>} : memref<8x2x2048xf32, #tpu.memory_space<vmem>>, vector<1x1x16xf32>,
      %get3A_620 = vector.shape_cast %get3A_619 : vector<1x1x16xf32> to vector<16xf32>
      %add3A_621 = arith.addf %get3A_620, %get3A_486 : vector<16xf32>
      %swap3A_622 = arith.constant 4 : i32
      %swap3A_623 = arith.constant 0 : i32
      %swap3A_624 = arith.index_cast %swap3A_622 : i32 to index
      %swap3A_625 = arith.index_cast %swap3A_623 : i32 to index
      %swap3A_626 = arith.index_cast %multiple_of3A : i32 to index
      %swap3A_627 = tpu.vector_load %arg8[%swap3A_624, %swap3A_625, %swap3A_626] {strides = array<i32>} : memref<8x2x2048xf32, #tpu.memory_space<vmem>>, vector<1x1x16xf32>,
      %swap3A_628 = vector.shape_cast %swap3A_627 : vector<1x1x16xf32> to vector<16xf32>
      %swap3A_629 = vector.shape_cast %add3A_621 : vector<16xf32> to vector<1x1x16xf32>
      tpu.vector_store %arg8[%swap3A_624, %swap3A_625, %swap3A_626], %swap3A_629 {strides = array<i32>} : memref<8x2x2048xf32, #tpu.memory_space<vmem>>, vector<1x1x16xf32>,
      %get3A_630 = arith.constant 4 : i32
      %get3A_631 = arith.constant 1 : i32
      %get3A_632 = arith.index_cast %get3A_630 : i32 to index
      %get3A_633 = arith.index_cast %get3A_631 : i32 to index
      %get3A_634 = arith.index_cast %multiple_of3A : i32 to index
      %get3A_635 = tpu.vector_load %arg8[%get3A_632, %get3A_633, %get3A_634] {strides = array<i32>} : memref<8x2x2048xf32, #tpu.memory_space<vmem>>, vector<1x1x16xf32>,
      %get3A_636 = vector.shape_cast %get3A_635 : vector<1x1x16xf32> to vector<16xf32>
      %add3A_637 = arith.addf %get3A_636, %get3A_486 : vector<16xf32>
      %swap3A_638 = arith.constant 4 : i32
      %swap3A_639 = arith.constant 1 : i32
      %swap3A_640 = arith.index_cast %swap3A_638 : i32 to index
      %swap3A_641 = arith.index_cast %swap3A_639 : i32 to index
      %swap3A_642 = arith.index_cast %multiple_of3A : i32 to index
      %swap3A_643 = tpu.vector_load %arg8[%swap3A_640, %swap3A_641, %swap3A_642] {strides = array<i32>} : memref<8x2x2048xf32, #tpu.memory_space<vmem>>, vector<1x1x16xf32>,
      %swap3A_644 = vector.shape_cast %swap3A_643 : vector<1x1x16xf32> to vector<16xf32>
      %swap3A_645 = vector.shape_cast %add3A_637 : vector<16xf32> to vector<1x1x16xf32>
      tpu.vector_store %arg8[%swap3A_640, %swap3A_641, %swap3A_642], %swap3A_645 {strides = array<i32>} : memref<8x2x2048xf32, #tpu.memory_space<vmem>>, vector<1x1x16xf32>,
      %get3A_646 = arith.constant 5 : i32
      %get3A_647 = arith.constant 0 : i32
      %get3A_648 = arith.index_cast %get3A_646 : i32 to index
      %get3A_649 = arith.index_cast %get3A_647 : i32 to index
      %get3A_650 = arith.index_cast %multiple_of3A : i32 to index
      %get3A_651 = tpu.vector_load %arg8[%get3A_648, %get3A_649, %get3A_650] {strides = array<i32>} : memref<8x2x2048xf32, #tpu.memory_space<vmem>>, vector<1x1x16xf32>,
      %get3A_652 = vector.shape_cast %get3A_651 : vector<1x1x16xf32> to vector<16xf32>
      %add3A_653 = arith.addf %get3A_652, %get3A_486 : vector<16xf32>
      %swap3A_654 = arith.constant 5 : i32
      %swap3A_655 = arith.constant 0 : i32
      %swap3A_656 = arith.index_cast %swap3A_654 : i32 to index
      %swap3A_657 = arith.index_cast %swap3A_655 : i32 to index
      %swap3A_658 = arith.index_cast %multiple_of3A : i32 to index
      %swap3A_659 = tpu.vector_load %arg8[%swap3A_656, %swap3A_657, %swap3A_658] {strides = array<i32>} : memref<8x2x2048xf32, #tpu.memory_space<vmem>>, vector<1x1x16xf32>,
      %swap3A_660 = vector.shape_cast %swap3A_659 : vector<1x1x16xf32> to vector<16xf32>
      %swap3A_661 = vector.shape_cast %add3A_653 : vector<16xf32> to vector<1x1x16xf32>
      tpu.vector_store %arg8[%swap3A_656, %swap3A_657, %swap3A_658], %swap3A_661 {strides = array<i32>} : memref<8x2x2048xf32, #tpu.memory_space<vmem>>, vector<1x1x16xf32>,
      %get3A_662 = arith.constant 5 : i32
      %get3A_663 = arith.constant 1 : i32
      %get3A_664 = arith.index_cast %get3A_662 : i32 to index
      %get3A_665 = arith.index_cast %get3A_663 : i32 to index
      %get3A_666 = arith.index_cast %multiple_of3A : i32 to index
      %get3A_667 = tpu.vector_load %arg8[%get3A_664, %get3A_665, %get3A_666] {strides = array<i32>} : memref<8x2x2048xf32, #tpu.memory_space<vmem>>, vector<1x1x16xf32>,
      %get3A_668 = vector.shape_cast %get3A_667 : vector<1x1x16xf32> to vector<16xf32>
      %add3A_669 = arith.addf %get3A_668, %get3A_486 : vector<16xf32>
      %swap3A_670 = arith.constant 5 : i32
      %swap3A_671 = arith.constant 1 : i32
      %swap3A_672 = arith.index_cast %swap3A_670 : i32 to index
      %swap3A_673 = arith.index_cast %swap3A_671 : i32 to index
      %swap3A_674 = arith.index_cast %multiple_of3A : i32 to index
      %swap3A_675 = tpu.vector_load %arg8[%swap3A_672, %swap3A_673, %swap3A_674] {strides = array<i32>} : memref<8x2x2048xf32, #tpu.memory_space<vmem>>, vector<1x1x16xf32>,
      %swap3A_676 = vector.shape_cast %swap3A_675 : vector<1x1x16xf32> to vector<16xf32>
      %swap3A_677 = vector.shape_cast %add3A_669 : vector<16xf32> to vector<1x1x16xf32>
      tpu.vector_store %arg8[%swap3A_672, %swap3A_673, %swap3A_674], %swap3A_677 {strides = array<i32>} : memref<8x2x2048xf32, #tpu.memory_space<vmem>>, vector<1x1x16xf32>,
      %get3A_678 = arith.constant 6 : i32
      %get3A_679 = arith.constant 0 : i32
      %get3A_680 = arith.index_cast %get3A_678 : i32 to index
      %get3A_681 = arith.index_cast %get3A_679 : i32 to index
      %get3A_682 = arith.index_cast %multiple_of3A : i32 to index
      %get3A_683 = tpu.vector_load %arg8[%get3A_680, %get3A_681, %get3A_682] {strides = array<i32>} : memref<8x2x2048xf32, #tpu.memory_space<vmem>>, vector<1x1x16xf32>,
      %get3A_684 = vector.shape_cast %get3A_683 : vector<1x1x16xf32> to vector<16xf32>
      %add3A_685 = arith.addf %get3A_684, %get3A_486 : vector<16xf32>
      %swap3A_686 = arith.constant 6 : i32
      %swap3A_687 = arith.constant 0 : i32
      %swap3A_688 = arith.index_cast %swap3A_686 : i32 to index
      %swap3A_689 = arith.index_cast %swap3A_687 : i32 to index
      %swap3A_690 = arith.index_cast %multiple_of3A : i32 to index
      %swap3A_691 = tpu.vector_load %arg8[%swap3A_688, %swap3A_689, %swap3A_690] {strides = array<i32>} : memref<8x2x2048xf32, #tpu.memory_space<vmem>>, vector<1x1x16xf32>,
      %swap3A_692 = vector.shape_cast %swap3A_691 : vector<1x1x16xf32> to vector<16xf32>
      %swap3A_693 = vector.shape_cast %add3A_685 : vector<16xf32> to vector<1x1x16xf32>
      tpu.vector_store %arg8[%swap3A_688, %swap3A_689, %swap3A_690], %swap3A_693 {strides = array<i32>} : memref<8x2x2048xf32, #tpu.memory_space<vmem>>, vector<1x1x16xf32>,
      %get3A_694 = arith.constant 6 : i32
      %get3A_695 = arith.constant 1 : i32
      %get3A_696 = arith.index_cast %get3A_694 : i32 to index
      %get3A_697 = arith.index_cast %get3A_695 : i32 to index
      %get3A_698 = arith.index_cast %multiple_of3A : i32 to index
      %get3A_699 = tpu.vector_load %arg8[%get3A_696, %get3A_697, %get3A_698] {strides = array<i32>} : memref<8x2x2048xf32, #tpu.memory_space<vmem>>, vector<1x1x16xf32>,
      %get3A_700 = vector.shape_cast %get3A_699 : vector<1x1x16xf32> to vector<16xf32>
      %add3A_701 = arith.addf %get3A_700, %get3A_486 : vector<16xf32>
      %swap3A_702 = arith.constant 6 : i32
      %swap3A_703 = arith.constant 1 : i32
      %swap3A_704 = arith.index_cast %swap3A_702 : i32 to index
      %swap3A_705 = arith.index_cast %swap3A_703 : i32 to index
      %swap3A_706 = arith.index_cast %multiple_of3A : i32 to index
      %swap3A_707 = tpu.vector_load %arg8[%swap3A_704, %swap3A_705, %swap3A_706] {strides = array<i32>} : memref<8x2x2048xf32, #tpu.memory_space<vmem>>, vector<1x1x16xf32>,
      %swap3A_708 = vector.shape_cast %swap3A_707 : vector<1x1x16xf32> to vector<16xf32>
      %swap3A_709 = vector.shape_cast %add3A_701 : vector<16xf32> to vector<1x1x16xf32>
      tpu.vector_store %arg8[%swap3A_704, %swap3A_705, %swap3A_706], %swap3A_709 {strides = array<i32>} : memref<8x2x2048xf32, #tpu.memory_space<vmem>>, vector<1x1x16xf32>,
      %get3A_710 = arith.constant 7 : i32
      %get3A_711 = arith.constant 0 : i32
      %get3A_712 = arith.index_cast %get3A_710 : i32 to index
      %get3A_713 = arith.index_cast %get3A_711 : i32 to index
      %get3A_714 = arith.index_cast %multiple_of3A : i32 to index
      %get3A_715 = tpu.vector_load %arg8[%get3A_712, %get3A_713, %get3A_714] {strides = array<i32>} : memref<8x2x2048xf32, #tpu.memory_space<vmem>>, vector<1x1x16xf32>,
      %get3A_716 = vector.shape_cast %get3A_715 : vector<1x1x16xf32> to vector<16xf32>
      %add3A_717 = arith.addf %get3A_716, %get3A_486 : vector<16xf32>
      %swap3A_718 = arith.constant 7 : i32
      %swap3A_719 = arith.constant 0 : i32
      %swap3A_720 = arith.index_cast %swap3A_718 : i32 to index
      %swap3A_721 = arith.index_cast %swap3A_719 : i32 to index
      %swap3A_722 = arith.index_cast %multiple_of3A : i32 to index
      %swap3A_723 = tpu.vector_load %arg8[%swap3A_720, %swap3A_721, %swap3A_722] {strides = array<i32>} : memref<8x2x2048xf32, #tpu.memory_space<vmem>>, vector<1x1x16xf32>,
      %swap3A_724 = vector.shape_cast %swap3A_723 : vector<1x1x16xf32> to vector<16xf32>
      %swap3A_725 = vector.shape_cast %add3A_717 : vector<16xf32> to vector<1x1x16xf32>
      tpu.vector_store %arg8[%swap3A_720, %swap3A_721, %swap3A_722], %swap3A_725 {strides = array<i32>} : memref<8x2x2048xf32, #tpu.memory_space<vmem>>, vector<1x1x16xf32>,
      %get3A_726 = arith.constant 7 : i32
      %get3A_727 = arith.constant 1 : i32
      %get3A_728 = arith.index_cast %get3A_726 : i32 to index
      %get3A_729 = arith.index_cast %get3A_727 : i32 to index
      %get3A_730 = arith.index_cast %multiple_of3A : i32 to index
      %get3A_731 = tpu.vector_load %arg8[%get3A_728, %get3A_729, %get3A_730] {strides = array<i32>} : memref<8x2x2048xf32, #tpu.memory_space<vmem>>, vector<1x1x16xf32>,
      %get3A_732 = vector.shape_cast %get3A_731 : vector<1x1x16xf32> to vector<16xf32>
      %add3A_733 = arith.addf %get3A_732, %get3A_486 : vector<16xf32>
      %swap3A_734 = arith.constant 7 : i32
      %swap3A_735 = arith.constant 1 : i32
      %swap3A_736 = arith.index_cast %swap3A_734 : i32 to index
      %swap3A_737 = arith.index_cast %swap3A_735 : i32 to index
      %swap3A_738 = arith.index_cast %multiple_of3A : i32 to index
      %swap3A_739 = tpu.vector_load %arg8[%swap3A_736, %swap3A_737, %swap3A_738] {strides = array<i32>} : memref<8x2x2048xf32, #tpu.memory_space<vmem>>, vector<1x1x16xf32>,
      %swap3A_740 = vector.shape_cast %swap3A_739 : vector<1x1x16xf32> to vector<16xf32>
      %swap3A_741 = vector.shape_cast %add3A_733 : vector<16xf32> to vector<1x1x16xf32>
      tpu.vector_store %arg8[%swap3A_736, %swap3A_737, %swap3A_738], %swap3A_741 {strides = array<i32>} : memref<8x2x2048xf32, #tpu.memory_space<vmem>>, vector<1x1x16xf32>,
      %scan3A_742 = arith.constant 0 : i32
      scf.yield %scan3A_742 : i32
    }
    %scan3A_359 = arith.constant 128 : i32
    %add3A_360 = arith.constant 40 : i32
    %add3A_361 = arith.addi %mul3A_2, %add3A_360 : i32
    %dma_start3A_362 = arith.constant 0 : i32
    %dma_start3A_363 = arith.constant 0 : i32
    %dma_start3A_364 = tpu.memref_slice %arg4[%add3A_361, %dma_start3A_362, %dma_start3A_363] : memref<8192x2x2048xf32, #tpu.memory_space<hbm>> -> memref<8x2x2048xf32, #tpu.memory_space<hbm>>
    %dma_start3A_365 = arith.constant 0 : i32
    %dma_start3A_366 = arith.constant 0 : i32
    %dma_start3A_367 = tpu.memref_slice %arg4[%add3A_361, %dma_start3A_365, %dma_start3A_366] : memref<8192x2x2048xf32, #tpu.memory_space<hbm>> -> memref<8x2x2048xf32, #tpu.memory_space<hbm>>
    tpu.enqueue_dma source(%arg8 : memref<8x2x2048xf32, #tpu.memory_space<vmem>>) target(%dma_start3A_367 : memref<8x2x2048xf32, #tpu.memory_space<hbm>>) target_semaphore(%arg14 : memref<!tpu.dma_semaphore, #tpu.memory_space<semaphore_mem>>)
    %dma_wait3A_368 = arith.constant 0 : i32
    %dma_wait3A_369 = arith.constant 0 : i32
    %dma_wait3A_370 = tpu.memref_slice %arg2[%add3A_253, %dma_wait3A_368, %dma_wait3A_369] : memref<8192x2x2048xf32, #tpu.memory_space<hbm>> -> memref<8x2x2048xf32, #tpu.memory_space<hbm>>
    %dma_wait3A_371 = arith.constant 0 : i32
    %dma_wait3A_372 = arith.constant 0 : i32
    %dma_wait3A_373 = tpu.memref_slice %arg2[%add3A_253, %dma_wait3A_371, %dma_wait3A_372] : memref<8192x2x2048xf32, #tpu.memory_space<hbm>> -> memref<8x2x2048xf32, #tpu.memory_space<hbm>>
    tpu.wait_dma2 semaphore(%arg9 : memref<!tpu.dma_semaphore, #tpu.memory_space<semaphore_mem>>) src(%dma_wait3A_373 : memref<8x2x2048xf32, #tpu.memory_space<hbm>>) dst(%arg6 : memref<8x2x2048xf32, #tpu.memory_space<vmem>>)
    %add3A_374 = arith.constant 48 : i32
    %add3A_375 = arith.addi %mul3A_2, %add3A_374 : i32
    %jit3A_376 = arith.constant 2048 : i32
    %div3A_377 = arith.divsi %add3A_375, %jit3A_376 : i32
    %sign3A_378 = arith.constant 0 : i32
    %sign3A_379 = arith.cmpi sgt, %add3A_375, %sign3A_378 : i32
    %sign3A_380 = arith.extui %sign3A_379 : i1 to i32
    %sign3A_381 = arith.constant 0 : i32
    %sign3A_382 = arith.cmpi slt, %add3A_375, %sign3A_381 : i32
    %sign3A_383 = arith.extui %sign3A_382 : i1 to i32
    %sign3A_384 = arith.subi %sign3A_380, %sign3A_383 : i32
    %sign3A_385 = arith.constant 0 : i32
    %sign3A_386 = arith.cmpi sgt, %jit3A_376, %sign3A_385 : i32
    %sign3A_387 = arith.extui %sign3A_386 : i1 to i32
    %sign3A_388 = arith.constant 0 : i32
    %sign3A_389 = arith.cmpi slt, %jit3A_376, %sign3A_388 : i32
    %sign3A_390 = arith.extui %sign3A_389 : i1 to i32
    %sign3A_391 = arith.subi %sign3A_387, %sign3A_390 : i32
    %ne3A_392 = arith.cmpi ne, %sign3A_384, %sign3A_391 : i32
    %rem3A_393 = arith.remsi %add3A_375, %jit3A_376 : i32
    %ne3A_394 = arith.constant 0 : i32
    %ne3A_395 = arith.cmpi ne, %rem3A_393, %ne3A_394 : i32
    %and3A_396 = arith.andi %ne3A_392, %ne3A_395 : i1
    %sub3A_397 = arith.constant 1 : i32
    %sub3A_398 = arith.subi %div3A_377, %sub3A_397 : i32
    %select_n3A_399 = arith.select %and3A_396, %sub3A_398, %div3A_377 : i32
    %scan3A_400 = arith.constant 0 : i32
    %scan3A_401 = arith.constant 0 : i32
    %scan3A_402 = arith.constant 128 : i32
    %scan3A_403 = arith.addi %scan3A_401, %scan3A_402 : i32
    %scan3A_404 = arith.constant 1 : i32
    %scan3A_405 = scf.for %scan3A_480 = %scan3A_401 to %scan3A_403 step %scan3A_404 iter_args(%scan3A_481 = %scan3A_400) -> (i32)  : i32 {
      %mul3A_482 = arith.constant 16 : i32
      %mul3A_483 = arith.muli %scan3A_480, %mul3A_482 : i32
      %multiple_of3A = tpu.assume_multiple %mul3A_483, 16 : i32
      %get3A = arith.index_cast %select_n3A_399 : i32 to index
      %get3A_484 = arith.index_cast %multiple_of3A : i32 to index
      %get3A_485 = tpu.vector_load %arg5[%get3A, %get3A_484] {strides = array<i32>} : memref<4x2048xf32, #tpu.memory_space<vmem>>, vector<1x16xf32>,
      %get3A_486 = vector.shape_cast %get3A_485 : vector<1x16xf32> to vector<16xf32>
      %get3A_487 = arith.constant 0 : i32
      %get3A_488 = arith.constant 0 : i32
      %get3A_489 = arith.index_cast %get3A_487 : i32 to index
      %get3A_490 = arith.index_cast %get3A_488 : i32 to index
      %get3A_491 = arith.index_cast %multiple_of3A : i32 to index
      %get3A_492 = tpu.vector_load %arg6[%get3A_489, %get3A_490, %get3A_491] {strides = array<i32>} : memref<8x2x2048xf32, #tpu.memory_space<vmem>>, vector<1x1x16xf32>,
      %get3A_493 = vector.shape_cast %get3A_492 : vector<1x1x16xf32> to vector<16xf32>
      %add3A_494 = arith.addf %get3A_493, %get3A_486 : vector<16xf32>
      %swap3A = arith.constant 0 : i32
      %swap3A_495 = arith.constant 0 : i32
      %swap3A_496 = arith.index_cast %swap3A : i32 to index
      %swap3A_497 = arith.index_cast %swap3A_495 : i32 to index
      %swap3A_498 = arith.index_cast %multiple_of3A : i32 to index
      %swap3A_499 = tpu.vector_load %arg6[%swap3A_496, %swap3A_497, %swap3A_498] {strides = array<i32>} : memref<8x2x2048xf32, #tpu.memory_space<vmem>>, vector<1x1x16xf32>,
      %swap3A_500 = vector.shape_cast %swap3A_499 : vector<1x1x16xf32> to vector<16xf32>
      %swap3A_501 = vector.shape_cast %add3A_494 : vector<16xf32> to vector<1x1x16xf32>
      tpu.vector_store %arg6[%swap3A_496, %swap3A_497, %swap3A_498], %swap3A_501 {strides = array<i32>} : memref<8x2x2048xf32, #tpu.memory_space<vmem>>, vector<1x1x16xf32>,
      %get3A_502 = arith.constant 0 : i32
      %get3A_503 = arith.constant 1 : i32
      %get3A_504 = arith.index_cast %get3A_502 : i32 to index
      %get3A_505 = arith.index_cast %get3A_503 : i32 to index
      %get3A_506 = arith.index_cast %multiple_of3A : i32 to index
      %get3A_507 = tpu.vector_load %arg6[%get3A_504, %get3A_505, %get3A_506] {strides = array<i32>} : memref<8x2x2048xf32, #tpu.memory_space<vmem>>, vector<1x1x16xf32>,
      %get3A_508 = vector.shape_cast %get3A_507 : vector<1x1x16xf32> to vector<16xf32>
      %add3A_509 = arith.addf %get3A_508, %get3A_486 : vector<16xf32>
      %swap3A_510 = arith.constant 0 : i32
      %swap3A_511 = arith.constant 1 : i32
      %swap3A_512 = arith.index_cast %swap3A_510 : i32 to index
      %swap3A_513 = arith.index_cast %swap3A_511 : i32 to index
      %swap3A_514 = arith.index_cast %multiple_of3A : i32 to index
      %swap3A_515 = tpu.vector_load %arg6[%swap3A_512, %swap3A_513, %swap3A_514] {strides = array<i32>} : memref<8x2x2048xf32, #tpu.memory_space<vmem>>, vector<1x1x16xf32>,
      %swap3A_516 = vector.shape_cast %swap3A_515 : vector<1x1x16xf32> to vector<16xf32>
      %swap3A_517 = vector.shape_cast %add3A_509 : vector<16xf32> to vector<1x1x16xf32>
      tpu.vector_store %arg6[%swap3A_512, %swap3A_513, %swap3A_514], %swap3A_517 {strides = array<i32>} : memref<8x2x2048xf32, #tpu.memory_space<vmem>>, vector<1x1x16xf32>,
      %get3A_518 = arith.constant 1 : i32
      %get3A_519 = arith.constant 0 : i32
      %get3A_520 = arith.index_cast %get3A_518 : i32 to index
      %get3A_521 = arith.index_cast %get3A_519 : i32 to index
      %get3A_522 = arith.index_cast %multiple_of3A : i32 to index
      %get3A_523 = tpu.vector_load %arg6[%get3A_520, %get3A_521, %get3A_522] {strides = array<i32>} : memref<8x2x2048xf32, #tpu.memory_space<vmem>>, vector<1x1x16xf32>,
      %get3A_524 = vector.shape_cast %get3A_523 : vector<1x1x16xf32> to vector<16xf32>
      %add3A_525 = arith.addf %get3A_524, %get3A_486 : vector<16xf32>
      %swap3A_526 = arith.constant 1 : i32
      %swap3A_527 = arith.constant 0 : i32
      %swap3A_528 = arith.index_cast %swap3A_526 : i32 to index
      %swap3A_529 = arith.index_cast %swap3A_527 : i32 to index
      %swap3A_530 = arith.index_cast %multiple_of3A : i32 to index
      %swap3A_531 = tpu.vector_load %arg6[%swap3A_528, %swap3A_529, %swap3A_530] {strides = array<i32>} : memref<8x2x2048xf32, #tpu.memory_space<vmem>>, vector<1x1x16xf32>,
      %swap3A_532 = vector.shape_cast %swap3A_531 : vector<1x1x16xf32> to vector<16xf32>
      %swap3A_533 = vector.shape_cast %add3A_525 : vector<16xf32> to vector<1x1x16xf32>
      tpu.vector_store %arg6[%swap3A_528, %swap3A_529, %swap3A_530], %swap3A_533 {strides = array<i32>} : memref<8x2x2048xf32, #tpu.memory_space<vmem>>, vector<1x1x16xf32>,
      %get3A_534 = arith.constant 1 : i32
      %get3A_535 = arith.constant 1 : i32
      %get3A_536 = arith.index_cast %get3A_534 : i32 to index
      %get3A_537 = arith.index_cast %get3A_535 : i32 to index
      %get3A_538 = arith.index_cast %multiple_of3A : i32 to index
      %get3A_539 = tpu.vector_load %arg6[%get3A_536, %get3A_537, %get3A_538] {strides = array<i32>} : memref<8x2x2048xf32, #tpu.memory_space<vmem>>, vector<1x1x16xf32>,
      %get3A_540 = vector.shape_cast %get3A_539 : vector<1x1x16xf32> to vector<16xf32>
      %add3A_541 = arith.addf %get3A_540, %get3A_486 : vector<16xf32>
      %swap3A_542 = arith.constant 1 : i32
      %swap3A_543 = arith.constant 1 : i32
      %swap3A_544 = arith.index_cast %swap3A_542 : i32 to index
      %swap3A_545 = arith.index_cast %swap3A_543 : i32 to index
      %swap3A_546 = arith.index_cast %multiple_of3A : i32 to index
      %swap3A_547 = tpu.vector_load %arg6[%swap3A_544, %swap3A_545, %swap3A_546] {strides = array<i32>} : memref<8x2x2048xf32, #tpu.memory_space<vmem>>, vector<1x1x16xf32>,
      %swap3A_548 = vector.shape_cast %swap3A_547 : vector<1x1x16xf32> to vector<16xf32>
      %swap3A_549 = vector.shape_cast %add3A_541 : vector<16xf32> to vector<1x1x16xf32>
      tpu.vector_store %arg6[%swap3A_544, %swap3A_545, %swap3A_546], %swap3A_549 {strides = array<i32>} : memref<8x2x2048xf32, #tpu.memory_space<vmem>>, vector<1x1x16xf32>,
      %get3A_550 = arith.constant 2 : i32
      %get3A_551 = arith.constant 0 : i32
      %get3A_552 = arith.index_cast %get3A_550 : i32 to index
      %get3A_553 = arith.index_cast %get3A_551 : i32 to index
      %get3A_554 = arith.index_cast %multiple_of3A : i32 to index
      %get3A_555 = tpu.vector_load %arg6[%get3A_552, %get3A_553, %get3A_554] {strides = array<i32>} : memref<8x2x2048xf32, #tpu.memory_space<vmem>>, vector<1x1x16xf32>,
      %get3A_556 = vector.shape_cast %get3A_555 : vector<1x1x16xf32> to vector<16xf32>
      %add3A_557 = arith.addf %get3A_556, %get3A_486 : vector<16xf32>
      %swap3A_558 = arith.constant 2 : i32
      %swap3A_559 = arith.constant 0 : i32
      %swap3A_560 = arith.index_cast %swap3A_558 : i32 to index
      %swap3A_561 = arith.index_cast %swap3A_559 : i32 to index
      %swap3A_562 = arith.index_cast %multiple_of3A : i32 to index
      %swap3A_563 = tpu.vector_load %arg6[%swap3A_560, %swap3A_561, %swap3A_562] {strides = array<i32>} : memref<8x2x2048xf32, #tpu.memory_space<vmem>>, vector<1x1x16xf32>,
      %swap3A_564 = vector.shape_cast %swap3A_563 : vector<1x1x16xf32> to vector<16xf32>
      %swap3A_565 = vector.shape_cast %add3A_557 : vector<16xf32> to vector<1x1x16xf32>
      tpu.vector_store %arg6[%swap3A_560, %swap3A_561, %swap3A_562], %swap3A_565 {strides = array<i32>} : memref<8x2x2048xf32, #tpu.memory_space<vmem>>, vector<1x1x16xf32>,
      %get3A_566 = arith.constant 2 : i32
      %get3A_567 = arith.constant 1 : i32
      %get3A_568 = arith.index_cast %get3A_566 : i32 to index
      %get3A_569 = arith.index_cast %get3A_567 : i32 to index
      %get3A_570 = arith.index_cast %multiple_of3A : i32 to index
      %get3A_571 = tpu.vector_load %arg6[%get3A_568, %get3A_569, %get3A_570] {strides = array<i32>} : memref<8x2x2048xf32, #tpu.memory_space<vmem>>, vector<1x1x16xf32>,
      %get3A_572 = vector.shape_cast %get3A_571 : vector<1x1x16xf32> to vector<16xf32>
      %add3A_573 = arith.addf %get3A_572, %get3A_486 : vector<16xf32>
      %swap3A_574 = arith.constant 2 : i32
      %swap3A_575 = arith.constant 1 : i32
      %swap3A_576 = arith.index_cast %swap3A_574 : i32 to index
      %swap3A_577 = arith.index_cast %swap3A_575 : i32 to index
      %swap3A_578 = arith.index_cast %multiple_of3A : i32 to index
      %swap3A_579 = tpu.vector_load %arg6[%swap3A_576, %swap3A_577, %swap3A_578] {strides = array<i32>} : memref<8x2x2048xf32, #tpu.memory_space<vmem>>, vector<1x1x16xf32>,
      %swap3A_580 = vector.shape_cast %swap3A_579 : vector<1x1x16xf32> to vector<16xf32>
      %swap3A_581 = vector.shape_cast %add3A_573 : vector<16xf32> to vector<1x1x16xf32>
      tpu.vector_store %arg6[%swap3A_576, %swap3A_577, %swap3A_578], %swap3A_581 {strides = array<i32>} : memref<8x2x2048xf32, #tpu.memory_space<vmem>>, vector<1x1x16xf32>,
      %get3A_582 = arith.constant 3 : i32
      %get3A_583 = arith.constant 0 : i32
      %get3A_584 = arith.index_cast %get3A_582 : i32 to index
      %get3A_585 = arith.index_cast %get3A_583 : i32 to index
      %get3A_586 = arith.index_cast %multiple_of3A : i32 to index
      %get3A_587 = tpu.vector_load %arg6[%get3A_584, %get3A_585, %get3A_586] {strides = array<i32>} : memref<8x2x2048xf32, #tpu.memory_space<vmem>>, vector<1x1x16xf32>,
      %get3A_588 = vector.shape_cast %get3A_587 : vector<1x1x16xf32> to vector<16xf32>
      %add3A_589 = arith.addf %get3A_588, %get3A_486 : vector<16xf32>
      %swap3A_590 = arith.constant 3 : i32
      %swap3A_591 = arith.constant 0 : i32
      %swap3A_592 = arith.index_cast %swap3A_590 : i32 to index
      %swap3A_593 = arith.index_cast %swap3A_591 : i32 to index
      %swap3A_594 = arith.index_cast %multiple_of3A : i32 to index
      %swap3A_595 = tpu.vector_load %arg6[%swap3A_592, %swap3A_593, %swap3A_594] {strides = array<i32>} : memref<8x2x2048xf32, #tpu.memory_space<vmem>>, vector<1x1x16xf32>,
      %swap3A_596 = vector.shape_cast %swap3A_595 : vector<1x1x16xf32> to vector<16xf32>
      %swap3A_597 = vector.shape_cast %add3A_589 : vector<16xf32> to vector<1x1x16xf32>
      tpu.vector_store %arg6[%swap3A_592, %swap3A_593, %swap3A_594], %swap3A_597 {strides = array<i32>} : memref<8x2x2048xf32, #tpu.memory_space<vmem>>, vector<1x1x16xf32>,
      %get3A_598 = arith.constant 3 : i32
      %get3A_599 = arith.constant 1 : i32
      %get3A_600 = arith.index_cast %get3A_598 : i32 to index
      %get3A_601 = arith.index_cast %get3A_599 : i32 to index
      %get3A_602 = arith.index_cast %multiple_of3A : i32 to index
      %get3A_603 = tpu.vector_load %arg6[%get3A_600, %get3A_601, %get3A_602] {strides = array<i32>} : memref<8x2x2048xf32, #tpu.memory_space<vmem>>, vector<1x1x16xf32>,
      %get3A_604 = vector.shape_cast %get3A_603 : vector<1x1x16xf32> to vector<16xf32>
      %add3A_605 = arith.addf %get3A_604, %get3A_486 : vector<16xf32>
      %swap3A_606 = arith.constant 3 : i32
      %swap3A_607 = arith.constant 1 : i32
      %swap3A_608 = arith.index_cast %swap3A_606 : i32 to index
      %swap3A_609 = arith.index_cast %swap3A_607 : i32 to index
      %swap3A_610 = arith.index_cast %multiple_of3A : i32 to index
      %swap3A_611 = tpu.vector_load %arg6[%swap3A_608, %swap3A_609, %swap3A_610] {strides = array<i32>} : memref<8x2x2048xf32, #tpu.memory_space<vmem>>, vector<1x1x16xf32>,
      %swap3A_612 = vector.shape_cast %swap3A_611 : vector<1x1x16xf32> to vector<16xf32>
      %swap3A_613 = vector.shape_cast %add3A_605 : vector<16xf32> to vector<1x1x16xf32>
      tpu.vector_store %arg6[%swap3A_608, %swap3A_609, %swap3A_610], %swap3A_613 {strides = array<i32>} : memref<8x2x2048xf32, #tpu.memory_space<vmem>>, vector<1x1x16xf32>,
      %get3A_614 = arith.constant 4 : i32
      %get3A_615 = arith.constant 0 : i32
      %get3A_616 = arith.index_cast %get3A_614 : i32 to index
      %get3A_617 = arith.index_cast %get3A_615 : i32 to index
      %get3A_618 = arith.index_cast %multiple_of3A : i32 to index
      %get3A_619 = tpu.vector_load %arg6[%get3A_616, %get3A_617, %get3A_618] {strides = array<i32>} : memref<8x2x2048xf32, #tpu.memory_space<vmem>>, vector<1x1x16xf32>,
      %get3A_620 = vector.shape_cast %get3A_619 : vector<1x1x16xf32> to vector<16xf32>
      %add3A_621 = arith.addf %get3A_620, %get3A_486 : vector<16xf32>
      %swap3A_622 = arith.constant 4 : i32
      %swap3A_623 = arith.constant 0 : i32
      %swap3A_624 = arith.index_cast %swap3A_622 : i32 to index
      %swap3A_625 = arith.index_cast %swap3A_623 : i32 to index
      %swap3A_626 = arith.index_cast %multiple_of3A : i32 to index
      %swap3A_627 = tpu.vector_load %arg6[%swap3A_624, %swap3A_625, %swap3A_626] {strides = array<i32>} : memref<8x2x2048xf32, #tpu.memory_space<vmem>>, vector<1x1x16xf32>,
      %swap3A_628 = vector.shape_cast %swap3A_627 : vector<1x1x16xf32> to vector<16xf32>
      %swap3A_629 = vector.shape_cast %add3A_621 : vector<16xf32> to vector<1x1x16xf32>
      tpu.vector_store %arg6[%swap3A_624, %swap3A_625, %swap3A_626], %swap3A_629 {strides = array<i32>} : memref<8x2x2048xf32, #tpu.memory_space<vmem>>, vector<1x1x16xf32>,
      %get3A_630 = arith.constant 4 : i32
      %get3A_631 = arith.constant 1 : i32
      %get3A_632 = arith.index_cast %get3A_630 : i32 to index
      %get3A_633 = arith.index_cast %get3A_631 : i32 to index
      %get3A_634 = arith.index_cast %multiple_of3A : i32 to index
      %get3A_635 = tpu.vector_load %arg6[%get3A_632, %get3A_633, %get3A_634] {strides = array<i32>} : memref<8x2x2048xf32, #tpu.memory_space<vmem>>, vector<1x1x16xf32>,
      %get3A_636 = vector.shape_cast %get3A_635 : vector<1x1x16xf32> to vector<16xf32>
      %add3A_637 = arith.addf %get3A_636, %get3A_486 : vector<16xf32>
      %swap3A_638 = arith.constant 4 : i32
      %swap3A_639 = arith.constant 1 : i32
      %swap3A_640 = arith.index_cast %swap3A_638 : i32 to index
      %swap3A_641 = arith.index_cast %swap3A_639 : i32 to index
      %swap3A_642 = arith.index_cast %multiple_of3A : i32 to index
      %swap3A_643 = tpu.vector_load %arg6[%swap3A_640, %swap3A_641, %swap3A_642] {strides = array<i32>} : memref<8x2x2048xf32, #tpu.memory_space<vmem>>, vector<1x1x16xf32>,
      %swap3A_644 = vector.shape_cast %swap3A_643 : vector<1x1x16xf32> to vector<16xf32>
      %swap3A_645 = vector.shape_cast %add3A_637 : vector<16xf32> to vector<1x1x16xf32>
      tpu.vector_store %arg6[%swap3A_640, %swap3A_641, %swap3A_642], %swap3A_645 {strides = array<i32>} : memref<8x2x2048xf32, #tpu.memory_space<vmem>>, vector<1x1x16xf32>,
      %get3A_646 = arith.constant 5 : i32
      %get3A_647 = arith.constant 0 : i32
      %get3A_648 = arith.index_cast %get3A_646 : i32 to index
      %get3A_649 = arith.index_cast %get3A_647 : i32 to index
      %get3A_650 = arith.index_cast %multiple_of3A : i32 to index
      %get3A_651 = tpu.vector_load %arg6[%get3A_648, %get3A_649, %get3A_650] {strides = array<i32>} : memref<8x2x2048xf32, #tpu.memory_space<vmem>>, vector<1x1x16xf32>,
      %get3A_652 = vector.shape_cast %get3A_651 : vector<1x1x16xf32> to vector<16xf32>
      %add3A_653 = arith.addf %get3A_652, %get3A_486 : vector<16xf32>
      %swap3A_654 = arith.constant 5 : i32
      %swap3A_655 = arith.constant 0 : i32
      %swap3A_656 = arith.index_cast %swap3A_654 : i32 to index
      %swap3A_657 = arith.index_cast %swap3A_655 : i32 to index
      %swap3A_658 = arith.index_cast %multiple_of3A : i32 to index
      %swap3A_659 = tpu.vector_load %arg6[%swap3A_656, %swap3A_657, %swap3A_658] {strides = array<i32>} : memref<8x2x2048xf32, #tpu.memory_space<vmem>>, vector<1x1x16xf32>,
      %swap3A_660 = vector.shape_cast %swap3A_659 : vector<1x1x16xf32> to vector<16xf32>
      %swap3A_661 = vector.shape_cast %add3A_653 : vector<16xf32> to vector<1x1x16xf32>
      tpu.vector_store %arg6[%swap3A_656, %swap3A_657, %swap3A_658], %swap3A_661 {strides = array<i32>} : memref<8x2x2048xf32, #tpu.memory_space<vmem>>, vector<1x1x16xf32>,
      %get3A_662 = arith.constant 5 : i32
      %get3A_663 = arith.constant 1 : i32
      %get3A_664 = arith.index_cast %get3A_662 : i32 to index
      %get3A_665 = arith.index_cast %get3A_663 : i32 to index
      %get3A_666 = arith.index_cast %multiple_of3A : i32 to index
      %get3A_667 = tpu.vector_load %arg6[%get3A_664, %get3A_665, %get3A_666] {strides = array<i32>} : memref<8x2x2048xf32, #tpu.memory_space<vmem>>, vector<1x1x16xf32>,
      %get3A_668 = vector.shape_cast %get3A_667 : vector<1x1x16xf32> to vector<16xf32>
      %add3A_669 = arith.addf %get3A_668, %get3A_486 : vector<16xf32>
      %swap3A_670 = arith.constant 5 : i32
      %swap3A_671 = arith.constant 1 : i32
      %swap3A_672 = arith.index_cast %swap3A_670 : i32 to index
      %swap3A_673 = arith.index_cast %swap3A_671 : i32 to index
      %swap3A_674 = arith.index_cast %multiple_of3A : i32 to index
      %swap3A_675 = tpu.vector_load %arg6[%swap3A_672, %swap3A_673, %swap3A_674] {strides = array<i32>} : memref<8x2x2048xf32, #tpu.memory_space<vmem>>, vector<1x1x16xf32>,
      %swap3A_676 = vector.shape_cast %swap3A_675 : vector<1x1x16xf32> to vector<16xf32>
      %swap3A_677 = vector.shape_cast %add3A_669 : vector<16xf32> to vector<1x1x16xf32>
      tpu.vector_store %arg6[%swap3A_672, %swap3A_673, %swap3A_674], %swap3A_677 {strides = array<i32>} : memref<8x2x2048xf32, #tpu.memory_space<vmem>>, vector<1x1x16xf32>,
      %get3A_678 = arith.constant 6 : i32
      %get3A_679 = arith.constant 0 : i32
      %get3A_680 = arith.index_cast %get3A_678 : i32 to index
      %get3A_681 = arith.index_cast %get3A_679 : i32 to index
      %get3A_682 = arith.index_cast %multiple_of3A : i32 to index
      %get3A_683 = tpu.vector_load %arg6[%get3A_680, %get3A_681, %get3A_682] {strides = array<i32>} : memref<8x2x2048xf32, #tpu.memory_space<vmem>>, vector<1x1x16xf32>,
      %get3A_684 = vector.shape_cast %get3A_683 : vector<1x1x16xf32> to vector<16xf32>
      %add3A_685 = arith.addf %get3A_684, %get3A_486 : vector<16xf32>
      %swap3A_686 = arith.constant 6 : i32
      %swap3A_687 = arith.constant 0 : i32
      %swap3A_688 = arith.index_cast %swap3A_686 : i32 to index
      %swap3A_689 = arith.index_cast %swap3A_687 : i32 to index
      %swap3A_690 = arith.index_cast %multiple_of3A : i32 to index
      %swap3A_691 = tpu.vector_load %arg6[%swap3A_688, %swap3A_689, %swap3A_690] {strides = array<i32>} : memref<8x2x2048xf32, #tpu.memory_space<vmem>>, vector<1x1x16xf32>,
      %swap3A_692 = vector.shape_cast %swap3A_691 : vector<1x1x16xf32> to vector<16xf32>
      %swap3A_693 = vector.shape_cast %add3A_685 : vector<16xf32> to vector<1x1x16xf32>
      tpu.vector_store %arg6[%swap3A_688, %swap3A_689, %swap3A_690], %swap3A_693 {strides = array<i32>} : memref<8x2x2048xf32, #tpu.memory_space<vmem>>, vector<1x1x16xf32>,
      %get3A_694 = arith.constant 6 : i32
      %get3A_695 = arith.constant 1 : i32
      %get3A_696 = arith.index_cast %get3A_694 : i32 to index
      %get3A_697 = arith.index_cast %get3A_695 : i32 to index
      %get3A_698 = arith.index_cast %multiple_of3A : i32 to index
      %get3A_699 = tpu.vector_load %arg6[%get3A_696, %get3A_697, %get3A_698] {strides = array<i32>} : memref<8x2x2048xf32, #tpu.memory_space<vmem>>, vector<1x1x16xf32>,
      %get3A_700 = vector.shape_cast %get3A_699 : vector<1x1x16xf32> to vector<16xf32>
      %add3A_701 = arith.addf %get3A_700, %get3A_486 : vector<16xf32>
      %swap3A_702 = arith.constant 6 : i32
      %swap3A_703 = arith.constant 1 : i32
      %swap3A_704 = arith.index_cast %swap3A_702 : i32 to index
      %swap3A_705 = arith.index_cast %swap3A_703 : i32 to index
      %swap3A_706 = arith.index_cast %multiple_of3A : i32 to index
      %swap3A_707 = tpu.vector_load %arg6[%swap3A_704, %swap3A_705, %swap3A_706] {strides = array<i32>} : memref<8x2x2048xf32, #tpu.memory_space<vmem>>, vector<1x1x16xf32>,
      %swap3A_708 = vector.shape_cast %swap3A_707 : vector<1x1x16xf32> to vector<16xf32>
      %swap3A_709 = vector.shape_cast %add3A_701 : vector<16xf32> to vector<1x1x16xf32>
      tpu.vector_store %arg6[%swap3A_704, %swap3A_705, %swap3A_706], %swap3A_709 {strides = array<i32>} : memref<8x2x2048xf32, #tpu.memory_space<vmem>>, vector<1x1x16xf32>,
      %get3A_710 = arith.constant 7 : i32
      %get3A_711 = arith.constant 0 : i32
      %get3A_712 = arith.index_cast %get3A_710 : i32 to index
      %get3A_713 = arith.index_cast %get3A_711 : i32 to index
      %get3A_714 = arith.index_cast %multiple_of3A : i32 to index
      %get3A_715 = tpu.vector_load %arg6[%get3A_712, %get3A_713, %get3A_714] {strides = array<i32>} : memref<8x2x2048xf32, #tpu.memory_space<vmem>>, vector<1x1x16xf32>,
      %get3A_716 = vector.shape_cast %get3A_715 : vector<1x1x16xf32> to vector<16xf32>
      %add3A_717 = arith.addf %get3A_716, %get3A_486 : vector<16xf32>
      %swap3A_718 = arith.constant 7 : i32
      %swap3A_719 = arith.constant 0 : i32
      %swap3A_720 = arith.index_cast %swap3A_718 : i32 to index
      %swap3A_721 = arith.index_cast %swap3A_719 : i32 to index
      %swap3A_722 = arith.index_cast %multiple_of3A : i32 to index
      %swap3A_723 = tpu.vector_load %arg6[%swap3A_720, %swap3A_721, %swap3A_722] {strides = array<i32>} : memref<8x2x2048xf32, #tpu.memory_space<vmem>>, vector<1x1x16xf32>,
      %swap3A_724 = vector.shape_cast %swap3A_723 : vector<1x1x16xf32> to vector<16xf32>
      %swap3A_725 = vector.shape_cast %add3A_717 : vector<16xf32> to vector<1x1x16xf32>
      tpu.vector_store %arg6[%swap3A_720, %swap3A_721, %swap3A_722], %swap3A_725 {strides = array<i32>} : memref<8x2x2048xf32, #tpu.memory_space<vmem>>, vector<1x1x16xf32>,
      %get3A_726 = arith.constant 7 : i32
      %get3A_727 = arith.constant 1 : i32
      %get3A_728 = arith.index_cast %get3A_726 : i32 to index
      %get3A_729 = arith.index_cast %get3A_727 : i32 to index
      %get3A_730 = arith.index_cast %multiple_of3A : i32 to index
      %get3A_731 = tpu.vector_load %arg6[%get3A_728, %get3A_729, %get3A_730] {strides = array<i32>} : memref<8x2x2048xf32, #tpu.memory_space<vmem>>, vector<1x1x16xf32>,
      %get3A_732 = vector.shape_cast %get3A_731 : vector<1x1x16xf32> to vector<16xf32>
      %add3A_733 = arith.addf %get3A_732, %get3A_486 : vector<16xf32>
      %swap3A_734 = arith.constant 7 : i32
      %swap3A_735 = arith.constant 1 : i32
      %swap3A_736 = arith.index_cast %swap3A_734 : i32 to index
      %swap3A_737 = arith.index_cast %swap3A_735 : i32 to index
      %swap3A_738 = arith.index_cast %multiple_of3A : i32 to index
      %swap3A_739 = tpu.vector_load %arg6[%swap3A_736, %swap3A_737, %swap3A_738] {strides = array<i32>} : memref<8x2x2048xf32, #tpu.memory_space<vmem>>, vector<1x1x16xf32>,
      %swap3A_740 = vector.shape_cast %swap3A_739 : vector<1x1x16xf32> to vector<16xf32>
      %swap3A_741 = vector.shape_cast %add3A_733 : vector<16xf32> to vector<1x1x16xf32>
      tpu.vector_store %arg6[%swap3A_736, %swap3A_737, %swap3A_738], %swap3A_741 {strides = array<i32>} : memref<8x2x2048xf32, #tpu.memory_space<vmem>>, vector<1x1x16xf32>,
      %scan3A_742 = arith.constant 0 : i32
      scf.yield %scan3A_742 : i32
    }
    %scan3A_406 = arith.constant 128 : i32
    %add3A_407 = arith.constant 48 : i32
    %add3A_408 = arith.addi %mul3A_2, %add3A_407 : i32
    %dma_start3A_409 = arith.constant 0 : i32
    %dma_start3A_410 = arith.constant 0 : i32
    %dma_start3A_411 = tpu.memref_slice %arg4[%add3A_408, %dma_start3A_409, %dma_start3A_410] : memref<8192x2x2048xf32, #tpu.memory_space<hbm>> -> memref<8x2x2048xf32, #tpu.memory_space<hbm>>
    %dma_start3A_412 = arith.constant 0 : i32
    %dma_start3A_413 = arith.constant 0 : i32
    %dma_start3A_414 = tpu.memref_slice %arg4[%add3A_408, %dma_start3A_412, %dma_start3A_413] : memref<8192x2x2048xf32, #tpu.memory_space<hbm>> -> memref<8x2x2048xf32, #tpu.memory_space<hbm>>
    tpu.enqueue_dma source(%arg6 : memref<8x2x2048xf32, #tpu.memory_space<vmem>>) target(%dma_start3A_414 : memref<8x2x2048xf32, #tpu.memory_space<hbm>>) target_semaphore(%arg12 : memref<!tpu.dma_semaphore, #tpu.memory_space<semaphore_mem>>)
    %dma_wait3A_415 = arith.constant 0 : i32
    %dma_wait3A_416 = arith.constant 0 : i32
    %dma_wait3A_417 = tpu.memref_slice %arg2[%add3A_314, %dma_wait3A_415, %dma_wait3A_416] : memref<8192x2x2048xf32, #tpu.memory_space<hbm>> -> memref<8x2x2048xf32, #tpu.memory_space<hbm>>
    %dma_wait3A_418 = arith.constant 0 : i32
    %dma_wait3A_419 = arith.constant 0 : i32
    %dma_wait3A_420 = tpu.memref_slice %arg2[%add3A_314, %dma_wait3A_418, %dma_wait3A_419] : memref<8192x2x2048xf32, #tpu.memory_space<hbm>> -> memref<8x2x2048xf32, #tpu.memory_space<hbm>>
    tpu.wait_dma2 semaphore(%arg10 : memref<!tpu.dma_semaphore, #tpu.memory_space<semaphore_mem>>) src(%dma_wait3A_420 : memref<8x2x2048xf32, #tpu.memory_space<hbm>>) dst(%arg7 : memref<8x2x2048xf32, #tpu.memory_space<vmem>>)
    %add3A_421 = arith.constant 56 : i32
    %add3A_422 = arith.addi %mul3A_2, %add3A_421 : i32
    %jit3A_423 = arith.constant 2048 : i32
    %div3A_424 = arith.divsi %add3A_422, %jit3A_423 : i32
    %sign3A_425 = arith.constant 0 : i32
    %sign3A_426 = arith.cmpi sgt, %add3A_422, %sign3A_425 : i32
    %sign3A_427 = arith.extui %sign3A_426 : i1 to i32
    %sign3A_428 = arith.constant 0 : i32
    %sign3A_429 = arith.cmpi slt, %add3A_422, %sign3A_428 : i32
    %sign3A_430 = arith.extui %sign3A_429 : i1 to i32
    %sign3A_431 = arith.subi %sign3A_427, %sign3A_430 : i32
    %sign3A_432 = arith.constant 0 : i32
    %sign3A_433 = arith.cmpi sgt, %jit3A_423, %sign3A_432 : i32
    %sign3A_434 = arith.extui %sign3A_433 : i1 to i32
    %sign3A_435 = arith.constant 0 : i32
    %sign3A_436 = arith.cmpi slt, %jit3A_423, %sign3A_435 : i32
    %sign3A_437 = arith.extui %sign3A_436 : i1 to i32
    %sign3A_438 = arith.subi %sign3A_434, %sign3A_437 : i32
    %ne3A_439 = arith.cmpi ne, %sign3A_431, %sign3A_438 : i32
    %rem3A_440 = arith.remsi %add3A_422, %jit3A_423 : i32
    %ne3A_441 = arith.constant 0 : i32
    %ne3A_442 = arith.cmpi ne, %rem3A_440, %ne3A_441 : i32
    %and3A_443 = arith.andi %ne3A_439, %ne3A_442 : i1
    %sub3A_444 = arith.constant 1 : i32
    %sub3A_445 = arith.subi %div3A_424, %sub3A_444 : i32
    %select_n3A_446 = arith.select %and3A_443, %sub3A_445, %div3A_424 : i32
    %scan3A_447 = arith.constant 0 : i32
    %scan3A_448 = arith.constant 0 : i32
    %scan3A_449 = arith.constant 128 : i32
    %scan3A_450 = arith.addi %scan3A_448, %scan3A_449 : i32
    %scan3A_451 = arith.constant 1 : i32
    %scan3A_452 = scf.for %scan3A_480 = %scan3A_448 to %scan3A_450 step %scan3A_451 iter_args(%scan3A_481 = %scan3A_447) -> (i32)  : i32 {
      %mul3A_482 = arith.constant 16 : i32
      %mul3A_483 = arith.muli %scan3A_480, %mul3A_482 : i32
      %multiple_of3A = tpu.assume_multiple %mul3A_483, 16 : i32
      %get3A = arith.index_cast %select_n3A_446 : i32 to index
      %get3A_484 = arith.index_cast %multiple_of3A : i32 to index
      %get3A_485 = tpu.vector_load %arg5[%get3A, %get3A_484] {strides = array<i32>} : memref<4x2048xf32, #tpu.memory_space<vmem>>, vector<1x16xf32>,
      %get3A_486 = vector.shape_cast %get3A_485 : vector<1x16xf32> to vector<16xf32>
      %get3A_487 = arith.constant 0 : i32
      %get3A_488 = arith.constant 0 : i32
      %get3A_489 = arith.index_cast %get3A_487 : i32 to index
      %get3A_490 = arith.index_cast %get3A_488 : i32 to index
      %get3A_491 = arith.index_cast %multiple_of3A : i32 to index
      %get3A_492 = tpu.vector_load %arg7[%get3A_489, %get3A_490, %get3A_491] {strides = array<i32>} : memref<8x2x2048xf32, #tpu.memory_space<vmem>>, vector<1x1x16xf32>,
      %get3A_493 = vector.shape_cast %get3A_492 : vector<1x1x16xf32> to vector<16xf32>
      %add3A_494 = arith.addf %get3A_493, %get3A_486 : vector<16xf32>
      %swap3A = arith.constant 0 : i32
      %swap3A_495 = arith.constant 0 : i32
      %swap3A_496 = arith.index_cast %swap3A : i32 to index
      %swap3A_497 = arith.index_cast %swap3A_495 : i32 to index
      %swap3A_498 = arith.index_cast %multiple_of3A : i32 to index
      %swap3A_499 = tpu.vector_load %arg7[%swap3A_496, %swap3A_497, %swap3A_498] {strides = array<i32>} : memref<8x2x2048xf32, #tpu.memory_space<vmem>>, vector<1x1x16xf32>,
      %swap3A_500 = vector.shape_cast %swap3A_499 : vector<1x1x16xf32> to vector<16xf32>
      %swap3A_501 = vector.shape_cast %add3A_494 : vector<16xf32> to vector<1x1x16xf32>
      tpu.vector_store %arg7[%swap3A_496, %swap3A_497, %swap3A_498], %swap3A_501 {strides = array<i32>} : memref<8x2x2048xf32, #tpu.memory_space<vmem>>, vector<1x1x16xf32>,
      %get3A_502 = arith.constant 0 : i32
      %get3A_503 = arith.constant 1 : i32
      %get3A_504 = arith.index_cast %get3A_502 : i32 to index
      %get3A_505 = arith.index_cast %get3A_503 : i32 to index
      %get3A_506 = arith.index_cast %multiple_of3A : i32 to index
      %get3A_507 = tpu.vector_load %arg7[%get3A_504, %get3A_505, %get3A_506] {strides = array<i32>} : memref<8x2x2048xf32, #tpu.memory_space<vmem>>, vector<1x1x16xf32>,
      %get3A_508 = vector.shape_cast %get3A_507 : vector<1x1x16xf32> to vector<16xf32>
      %add3A_509 = arith.addf %get3A_508, %get3A_486 : vector<16xf32>
      %swap3A_510 = arith.constant 0 : i32
      %swap3A_511 = arith.constant 1 : i32
      %swap3A_512 = arith.index_cast %swap3A_510 : i32 to index
      %swap3A_513 = arith.index_cast %swap3A_511 : i32 to index
      %swap3A_514 = arith.index_cast %multiple_of3A : i32 to index
      %swap3A_515 = tpu.vector_load %arg7[%swap3A_512, %swap3A_513, %swap3A_514] {strides = array<i32>} : memref<8x2x2048xf32, #tpu.memory_space<vmem>>, vector<1x1x16xf32>,
      %swap3A_516 = vector.shape_cast %swap3A_515 : vector<1x1x16xf32> to vector<16xf32>
      %swap3A_517 = vector.shape_cast %add3A_509 : vector<16xf32> to vector<1x1x16xf32>
      tpu.vector_store %arg7[%swap3A_512, %swap3A_513, %swap3A_514], %swap3A_517 {strides = array<i32>} : memref<8x2x2048xf32, #tpu.memory_space<vmem>>, vector<1x1x16xf32>,
      %get3A_518 = arith.constant 1 : i32
      %get3A_519 = arith.constant 0 : i32
      %get3A_520 = arith.index_cast %get3A_518 : i32 to index
      %get3A_521 = arith.index_cast %get3A_519 : i32 to index
      %get3A_522 = arith.index_cast %multiple_of3A : i32 to index
      %get3A_523 = tpu.vector_load %arg7[%get3A_520, %get3A_521, %get3A_522] {strides = array<i32>} : memref<8x2x2048xf32, #tpu.memory_space<vmem>>, vector<1x1x16xf32>,
      %get3A_524 = vector.shape_cast %get3A_523 : vector<1x1x16xf32> to vector<16xf32>
      %add3A_525 = arith.addf %get3A_524, %get3A_486 : vector<16xf32>
      %swap3A_526 = arith.constant 1 : i32
      %swap3A_527 = arith.constant 0 : i32
      %swap3A_528 = arith.index_cast %swap3A_526 : i32 to index
      %swap3A_529 = arith.index_cast %swap3A_527 : i32 to index
      %swap3A_530 = arith.index_cast %multiple_of3A : i32 to index
      %swap3A_531 = tpu.vector_load %arg7[%swap3A_528, %swap3A_529, %swap3A_530] {strides = array<i32>} : memref<8x2x2048xf32, #tpu.memory_space<vmem>>, vector<1x1x16xf32>,
      %swap3A_532 = vector.shape_cast %swap3A_531 : vector<1x1x16xf32> to vector<16xf32>
      %swap3A_533 = vector.shape_cast %add3A_525 : vector<16xf32> to vector<1x1x16xf32>
      tpu.vector_store %arg7[%swap3A_528, %swap3A_529, %swap3A_530], %swap3A_533 {strides = array<i32>} : memref<8x2x2048xf32, #tpu.memory_space<vmem>>, vector<1x1x16xf32>,
      %get3A_534 = arith.constant 1 : i32
      %get3A_535 = arith.constant 1 : i32
      %get3A_536 = arith.index_cast %get3A_534 : i32 to index
      %get3A_537 = arith.index_cast %get3A_535 : i32 to index
      %get3A_538 = arith.index_cast %multiple_of3A : i32 to index
      %get3A_539 = tpu.vector_load %arg7[%get3A_536, %get3A_537, %get3A_538] {strides = array<i32>} : memref<8x2x2048xf32, #tpu.memory_space<vmem>>, vector<1x1x16xf32>,
      %get3A_540 = vector.shape_cast %get3A_539 : vector<1x1x16xf32> to vector<16xf32>
      %add3A_541 = arith.addf %get3A_540, %get3A_486 : vector<16xf32>
      %swap3A_542 = arith.constant 1 : i32
      %swap3A_543 = arith.constant 1 : i32
      %swap3A_544 = arith.index_cast %swap3A_542 : i32 to index
      %swap3A_545 = arith.index_cast %swap3A_543 : i32 to index
      %swap3A_546 = arith.index_cast %multiple_of3A : i32 to index
      %swap3A_547 = tpu.vector_load %arg7[%swap3A_544, %swap3A_545, %swap3A_546] {strides = array<i32>} : memref<8x2x2048xf32, #tpu.memory_space<vmem>>, vector<1x1x16xf32>,
      %swap3A_548 = vector.shape_cast %swap3A_547 : vector<1x1x16xf32> to vector<16xf32>
      %swap3A_549 = vector.shape_cast %add3A_541 : vector<16xf32> to vector<1x1x16xf32>
      tpu.vector_store %arg7[%swap3A_544, %swap3A_545, %swap3A_546], %swap3A_549 {strides = array<i32>} : memref<8x2x2048xf32, #tpu.memory_space<vmem>>, vector<1x1x16xf32>,
      %get3A_550 = arith.constant 2 : i32
      %get3A_551 = arith.constant 0 : i32
      %get3A_552 = arith.index_cast %get3A_550 : i32 to index
      %get3A_553 = arith.index_cast %get3A_551 : i32 to index
      %get3A_554 = arith.index_cast %multiple_of3A : i32 to index
      %get3A_555 = tpu.vector_load %arg7[%get3A_552, %get3A_553, %get3A_554] {strides = array<i32>} : memref<8x2x2048xf32, #tpu.memory_space<vmem>>, vector<1x1x16xf32>,
      %get3A_556 = vector.shape_cast %get3A_555 : vector<1x1x16xf32> to vector<16xf32>
      %add3A_557 = arith.addf %get3A_556, %get3A_486 : vector<16xf32>
      %swap3A_558 = arith.constant 2 : i32
      %swap3A_559 = arith.constant 0 : i32
      %swap3A_560 = arith.index_cast %swap3A_558 : i32 to index
      %swap3A_561 = arith.index_cast %swap3A_559 : i32 to index
      %swap3A_562 = arith.index_cast %multiple_of3A : i32 to index
      %swap3A_563 = tpu.vector_load %arg7[%swap3A_560, %swap3A_561, %swap3A_562] {strides = array<i32>} : memref<8x2x2048xf32, #tpu.memory_space<vmem>>, vector<1x1x16xf32>,
      %swap3A_564 = vector.shape_cast %swap3A_563 : vector<1x1x16xf32> to vector<16xf32>
      %swap3A_565 = vector.shape_cast %add3A_557 : vector<16xf32> to vector<1x1x16xf32>
      tpu.vector_store %arg7[%swap3A_560, %swap3A_561, %swap3A_562], %swap3A_565 {strides = array<i32>} : memref<8x2x2048xf32, #tpu.memory_space<vmem>>, vector<1x1x16xf32>,
      %get3A_566 = arith.constant 2 : i32
      %get3A_567 = arith.constant 1 : i32
      %get3A_568 = arith.index_cast %get3A_566 : i32 to index
      %get3A_569 = arith.index_cast %get3A_567 : i32 to index
      %get3A_570 = arith.index_cast %multiple_of3A : i32 to index
      %get3A_571 = tpu.vector_load %arg7[%get3A_568, %get3A_569, %get3A_570] {strides = array<i32>} : memref<8x2x2048xf32, #tpu.memory_space<vmem>>, vector<1x1x16xf32>,
      %get3A_572 = vector.shape_cast %get3A_571 : vector<1x1x16xf32> to vector<16xf32>
      %add3A_573 = arith.addf %get3A_572, %get3A_486 : vector<16xf32>
      %swap3A_574 = arith.constant 2 : i32
      %swap3A_575 = arith.constant 1 : i32
      %swap3A_576 = arith.index_cast %swap3A_574 : i32 to index
      %swap3A_577 = arith.index_cast %swap3A_575 : i32 to index
      %swap3A_578 = arith.index_cast %multiple_of3A : i32 to index
      %swap3A_579 = tpu.vector_load %arg7[%swap3A_576, %swap3A_577, %swap3A_578] {strides = array<i32>} : memref<8x2x2048xf32, #tpu.memory_space<vmem>>, vector<1x1x16xf32>,
      %swap3A_580 = vector.shape_cast %swap3A_579 : vector<1x1x16xf32> to vector<16xf32>
      %swap3A_581 = vector.shape_cast %add3A_573 : vector<16xf32> to vector<1x1x16xf32>
      tpu.vector_store %arg7[%swap3A_576, %swap3A_577, %swap3A_578], %swap3A_581 {strides = array<i32>} : memref<8x2x2048xf32, #tpu.memory_space<vmem>>, vector<1x1x16xf32>,
      %get3A_582 = arith.constant 3 : i32
      %get3A_583 = arith.constant 0 : i32
      %get3A_584 = arith.index_cast %get3A_582 : i32 to index
      %get3A_585 = arith.index_cast %get3A_583 : i32 to index
      %get3A_586 = arith.index_cast %multiple_of3A : i32 to index
      %get3A_587 = tpu.vector_load %arg7[%get3A_584, %get3A_585, %get3A_586] {strides = array<i32>} : memref<8x2x2048xf32, #tpu.memory_space<vmem>>, vector<1x1x16xf32>,
      %get3A_588 = vector.shape_cast %get3A_587 : vector<1x1x16xf32> to vector<16xf32>
      %add3A_589 = arith.addf %get3A_588, %get3A_486 : vector<16xf32>
      %swap3A_590 = arith.constant 3 : i32
      %swap3A_591 = arith.constant 0 : i32
      %swap3A_592 = arith.index_cast %swap3A_590 : i32 to index
      %swap3A_593 = arith.index_cast %swap3A_591 : i32 to index
      %swap3A_594 = arith.index_cast %multiple_of3A : i32 to index
      %swap3A_595 = tpu.vector_load %arg7[%swap3A_592, %swap3A_593, %swap3A_594] {strides = array<i32>} : memref<8x2x2048xf32, #tpu.memory_space<vmem>>, vector<1x1x16xf32>,
      %swap3A_596 = vector.shape_cast %swap3A_595 : vector<1x1x16xf32> to vector<16xf32>
      %swap3A_597 = vector.shape_cast %add3A_589 : vector<16xf32> to vector<1x1x16xf32>
      tpu.vector_store %arg7[%swap3A_592, %swap3A_593, %swap3A_594], %swap3A_597 {strides = array<i32>} : memref<8x2x2048xf32, #tpu.memory_space<vmem>>, vector<1x1x16xf32>,
      %get3A_598 = arith.constant 3 : i32
      %get3A_599 = arith.constant 1 : i32
      %get3A_600 = arith.index_cast %get3A_598 : i32 to index
      %get3A_601 = arith.index_cast %get3A_599 : i32 to index
      %get3A_602 = arith.index_cast %multiple_of3A : i32 to index
      %get3A_603 = tpu.vector_load %arg7[%get3A_600, %get3A_601, %get3A_602] {strides = array<i32>} : memref<8x2x2048xf32, #tpu.memory_space<vmem>>, vector<1x1x16xf32>,
      %get3A_604 = vector.shape_cast %get3A_603 : vector<1x1x16xf32> to vector<16xf32>
      %add3A_605 = arith.addf %get3A_604, %get3A_486 : vector<16xf32>
      %swap3A_606 = arith.constant 3 : i32
      %swap3A_607 = arith.constant 1 : i32
      %swap3A_608 = arith.index_cast %swap3A_606 : i32 to index
      %swap3A_609 = arith.index_cast %swap3A_607 : i32 to index
      %swap3A_610 = arith.index_cast %multiple_of3A : i32 to index
      %swap3A_611 = tpu.vector_load %arg7[%swap3A_608, %swap3A_609, %swap3A_610] {strides = array<i32>} : memref<8x2x2048xf32, #tpu.memory_space<vmem>>, vector<1x1x16xf32>,
      %swap3A_612 = vector.shape_cast %swap3A_611 : vector<1x1x16xf32> to vector<16xf32>
      %swap3A_613 = vector.shape_cast %add3A_605 : vector<16xf32> to vector<1x1x16xf32>
      tpu.vector_store %arg7[%swap3A_608, %swap3A_609, %swap3A_610], %swap3A_613 {strides = array<i32>} : memref<8x2x2048xf32, #tpu.memory_space<vmem>>, vector<1x1x16xf32>,
      %get3A_614 = arith.constant 4 : i32
      %get3A_615 = arith.constant 0 : i32
      %get3A_616 = arith.index_cast %get3A_614 : i32 to index
      %get3A_617 = arith.index_cast %get3A_615 : i32 to index
      %get3A_618 = arith.index_cast %multiple_of3A : i32 to index
      %get3A_619 = tpu.vector_load %arg7[%get3A_616, %get3A_617, %get3A_618] {strides = array<i32>} : memref<8x2x2048xf32, #tpu.memory_space<vmem>>, vector<1x1x16xf32>,
      %get3A_620 = vector.shape_cast %get3A_619 : vector<1x1x16xf32> to vector<16xf32>
      %add3A_621 = arith.addf %get3A_620, %get3A_486 : vector<16xf32>
      %swap3A_622 = arith.constant 4 : i32
      %swap3A_623 = arith.constant 0 : i32
      %swap3A_624 = arith.index_cast %swap3A_622 : i32 to index
      %swap3A_625 = arith.index_cast %swap3A_623 : i32 to index
      %swap3A_626 = arith.index_cast %multiple_of3A : i32 to index
      %swap3A_627 = tpu.vector_load %arg7[%swap3A_624, %swap3A_625, %swap3A_626] {strides = array<i32>} : memref<8x2x2048xf32, #tpu.memory_space<vmem>>, vector<1x1x16xf32>,
      %swap3A_628 = vector.shape_cast %swap3A_627 : vector<1x1x16xf32> to vector<16xf32>
      %swap3A_629 = vector.shape_cast %add3A_621 : vector<16xf32> to vector<1x1x16xf32>
      tpu.vector_store %arg7[%swap3A_624, %swap3A_625, %swap3A_626], %swap3A_629 {strides = array<i32>} : memref<8x2x2048xf32, #tpu.memory_space<vmem>>, vector<1x1x16xf32>,
      %get3A_630 = arith.constant 4 : i32
      %get3A_631 = arith.constant 1 : i32
      %get3A_632 = arith.index_cast %get3A_630 : i32 to index
      %get3A_633 = arith.index_cast %get3A_631 : i32 to index
      %get3A_634 = arith.index_cast %multiple_of3A : i32 to index
      %get3A_635 = tpu.vector_load %arg7[%get3A_632, %get3A_633, %get3A_634] {strides = array<i32>} : memref<8x2x2048xf32, #tpu.memory_space<vmem>>, vector<1x1x16xf32>,
      %get3A_636 = vector.shape_cast %get3A_635 : vector<1x1x16xf32> to vector<16xf32>
      %add3A_637 = arith.addf %get3A_636, %get3A_486 : vector<16xf32>
      %swap3A_638 = arith.constant 4 : i32
      %swap3A_639 = arith.constant 1 : i32
      %swap3A_640 = arith.index_cast %swap3A_638 : i32 to index
      %swap3A_641 = arith.index_cast %swap3A_639 : i32 to index
      %swap3A_642 = arith.index_cast %multiple_of3A : i32 to index
      %swap3A_643 = tpu.vector_load %arg7[%swap3A_640, %swap3A_641, %swap3A_642] {strides = array<i32>} : memref<8x2x2048xf32, #tpu.memory_space<vmem>>, vector<1x1x16xf32>,
      %swap3A_644 = vector.shape_cast %swap3A_643 : vector<1x1x16xf32> to vector<16xf32>
      %swap3A_645 = vector.shape_cast %add3A_637 : vector<16xf32> to vector<1x1x16xf32>
      tpu.vector_store %arg7[%swap3A_640, %swap3A_641, %swap3A_642], %swap3A_645 {strides = array<i32>} : memref<8x2x2048xf32, #tpu.memory_space<vmem>>, vector<1x1x16xf32>,
      %get3A_646 = arith.constant 5 : i32
      %get3A_647 = arith.constant 0 : i32
      %get3A_648 = arith.index_cast %get3A_646 : i32 to index
      %get3A_649 = arith.index_cast %get3A_647 : i32 to index
      %get3A_650 = arith.index_cast %multiple_of3A : i32 to index
      %get3A_651 = tpu.vector_load %arg7[%get3A_648, %get3A_649, %get3A_650] {strides = array<i32>} : memref<8x2x2048xf32, #tpu.memory_space<vmem>>, vector<1x1x16xf32>,
      %get3A_652 = vector.shape_cast %get3A_651 : vector<1x1x16xf32> to vector<16xf32>
      %add3A_653 = arith.addf %get3A_652, %get3A_486 : vector<16xf32>
      %swap3A_654 = arith.constant 5 : i32
      %swap3A_655 = arith.constant 0 : i32
      %swap3A_656 = arith.index_cast %swap3A_654 : i32 to index
      %swap3A_657 = arith.index_cast %swap3A_655 : i32 to index
      %swap3A_658 = arith.index_cast %multiple_of3A : i32 to index
      %swap3A_659 = tpu.vector_load %arg7[%swap3A_656, %swap3A_657, %swap3A_658] {strides = array<i32>} : memref<8x2x2048xf32, #tpu.memory_space<vmem>>, vector<1x1x16xf32>,
      %swap3A_660 = vector.shape_cast %swap3A_659 : vector<1x1x16xf32> to vector<16xf32>
      %swap3A_661 = vector.shape_cast %add3A_653 : vector<16xf32> to vector<1x1x16xf32>
      tpu.vector_store %arg7[%swap3A_656, %swap3A_657, %swap3A_658], %swap3A_661 {strides = array<i32>} : memref<8x2x2048xf32, #tpu.memory_space<vmem>>, vector<1x1x16xf32>,
      %get3A_662 = arith.constant 5 : i32
      %get3A_663 = arith.constant 1 : i32
      %get3A_664 = arith.index_cast %get3A_662 : i32 to index
      %get3A_665 = arith.index_cast %get3A_663 : i32 to index
      %get3A_666 = arith.index_cast %multiple_of3A : i32 to index
      %get3A_667 = tpu.vector_load %arg7[%get3A_664, %get3A_665, %get3A_666] {strides = array<i32>} : memref<8x2x2048xf32, #tpu.memory_space<vmem>>, vector<1x1x16xf32>,
      %get3A_668 = vector.shape_cast %get3A_667 : vector<1x1x16xf32> to vector<16xf32>
      %add3A_669 = arith.addf %get3A_668, %get3A_486 : vector<16xf32>
      %swap3A_670 = arith.constant 5 : i32
      %swap3A_671 = arith.constant 1 : i32
      %swap3A_672 = arith.index_cast %swap3A_670 : i32 to index
      %swap3A_673 = arith.index_cast %swap3A_671 : i32 to index
      %swap3A_674 = arith.index_cast %multiple_of3A : i32 to index
      %swap3A_675 = tpu.vector_load %arg7[%swap3A_672, %swap3A_673, %swap3A_674] {strides = array<i32>} : memref<8x2x2048xf32, #tpu.memory_space<vmem>>, vector<1x1x16xf32>,
      %swap3A_676 = vector.shape_cast %swap3A_675 : vector<1x1x16xf32> to vector<16xf32>
      %swap3A_677 = vector.shape_cast %add3A_669 : vector<16xf32> to vector<1x1x16xf32>
      tpu.vector_store %arg7[%swap3A_672, %swap3A_673, %swap3A_674], %swap3A_677 {strides = array<i32>} : memref<8x2x2048xf32, #tpu.memory_space<vmem>>, vector<1x1x16xf32>,
      %get3A_678 = arith.constant 6 : i32
      %get3A_679 = arith.constant 0 : i32
      %get3A_680 = arith.index_cast %get3A_678 : i32 to index
      %get3A_681 = arith.index_cast %get3A_679 : i32 to index
      %get3A_682 = arith.index_cast %multiple_of3A : i32 to index
      %get3A_683 = tpu.vector_load %arg7[%get3A_680, %get3A_681, %get3A_682] {strides = array<i32>} : memref<8x2x2048xf32, #tpu.memory_space<vmem>>, vector<1x1x16xf32>,
      %get3A_684 = vector.shape_cast %get3A_683 : vector<1x1x16xf32> to vector<16xf32>
      %add3A_685 = arith.addf %get3A_684, %get3A_486 : vector<16xf32>
      %swap3A_686 = arith.constant 6 : i32
      %swap3A_687 = arith.constant 0 : i32
      %swap3A_688 = arith.index_cast %swap3A_686 : i32 to index
      %swap3A_689 = arith.index_cast %swap3A_687 : i32 to index
      %swap3A_690 = arith.index_cast %multiple_of3A : i32 to index
      %swap3A_691 = tpu.vector_load %arg7[%swap3A_688, %swap3A_689, %swap3A_690] {strides = array<i32>} : memref<8x2x2048xf32, #tpu.memory_space<vmem>>, vector<1x1x16xf32>,
      %swap3A_692 = vector.shape_cast %swap3A_691 : vector<1x1x16xf32> to vector<16xf32>
      %swap3A_693 = vector.shape_cast %add3A_685 : vector<16xf32> to vector<1x1x16xf32>
      tpu.vector_store %arg7[%swap3A_688, %swap3A_689, %swap3A_690], %swap3A_693 {strides = array<i32>} : memref<8x2x2048xf32, #tpu.memory_space<vmem>>, vector<1x1x16xf32>,
      %get3A_694 = arith.constant 6 : i32
      %get3A_695 = arith.constant 1 : i32
      %get3A_696 = arith.index_cast %get3A_694 : i32 to index
      %get3A_697 = arith.index_cast %get3A_695 : i32 to index
      %get3A_698 = arith.index_cast %multiple_of3A : i32 to index
      %get3A_699 = tpu.vector_load %arg7[%get3A_696, %get3A_697, %get3A_698] {strides = array<i32>} : memref<8x2x2048xf32, #tpu.memory_space<vmem>>, vector<1x1x16xf32>,
      %get3A_700 = vector.shape_cast %get3A_699 : vector<1x1x16xf32> to vector<16xf32>
      %add3A_701 = arith.addf %get3A_700, %get3A_486 : vector<16xf32>
      %swap3A_702 = arith.constant 6 : i32
      %swap3A_703 = arith.constant 1 : i32
      %swap3A_704 = arith.index_cast %swap3A_702 : i32 to index
      %swap3A_705 = arith.index_cast %swap3A_703 : i32 to index
      %swap3A_706 = arith.index_cast %multiple_of3A : i32 to index
      %swap3A_707 = tpu.vector_load %arg7[%swap3A_704, %swap3A_705, %swap3A_706] {strides = array<i32>} : memref<8x2x2048xf32, #tpu.memory_space<vmem>>, vector<1x1x16xf32>,
      %swap3A_708 = vector.shape_cast %swap3A_707 : vector<1x1x16xf32> to vector<16xf32>
      %swap3A_709 = vector.shape_cast %add3A_701 : vector<16xf32> to vector<1x1x16xf32>
      tpu.vector_store %arg7[%swap3A_704, %swap3A_705, %swap3A_706], %swap3A_709 {strides = array<i32>} : memref<8x2x2048xf32, #tpu.memory_space<vmem>>, vector<1x1x16xf32>,
      %get3A_710 = arith.constant 7 : i32
      %get3A_711 = arith.constant 0 : i32
      %get3A_712 = arith.index_cast %get3A_710 : i32 to index
      %get3A_713 = arith.index_cast %get3A_711 : i32 to index
      %get3A_714 = arith.index_cast %multiple_of3A : i32 to index
      %get3A_715 = tpu.vector_load %arg7[%get3A_712, %get3A_713, %get3A_714] {strides = array<i32>} : memref<8x2x2048xf32, #tpu.memory_space<vmem>>, vector<1x1x16xf32>,
      %get3A_716 = vector.shape_cast %get3A_715 : vector<1x1x16xf32> to vector<16xf32>
      %add3A_717 = arith.addf %get3A_716, %get3A_486 : vector<16xf32>
      %swap3A_718 = arith.constant 7 : i32
      %swap3A_719 = arith.constant 0 : i32
      %swap3A_720 = arith.index_cast %swap3A_718 : i32 to index
      %swap3A_721 = arith.index_cast %swap3A_719 : i32 to index
      %swap3A_722 = arith.index_cast %multiple_of3A : i32 to index
      %swap3A_723 = tpu.vector_load %arg7[%swap3A_720, %swap3A_721, %swap3A_722] {strides = array<i32>} : memref<8x2x2048xf32, #tpu.memory_space<vmem>>, vector<1x1x16xf32>,
      %swap3A_724 = vector.shape_cast %swap3A_723 : vector<1x1x16xf32> to vector<16xf32>
      %swap3A_725 = vector.shape_cast %add3A_717 : vector<16xf32> to vector<1x1x16xf32>
      tpu.vector_store %arg7[%swap3A_720, %swap3A_721, %swap3A_722], %swap3A_725 {strides = array<i32>} : memref<8x2x2048xf32, #tpu.memory_space<vmem>>, vector<1x1x16xf32>,
      %get3A_726 = arith.constant 7 : i32
      %get3A_727 = arith.constant 1 : i32
      %get3A_728 = arith.index_cast %get3A_726 : i32 to index
      %get3A_729 = arith.index_cast %get3A_727 : i32 to index
      %get3A_730 = arith.index_cast %multiple_of3A : i32 to index
      %get3A_731 = tpu.vector_load %arg7[%get3A_728, %get3A_729, %get3A_730] {strides = array<i32>} : memref<8x2x2048xf32, #tpu.memory_space<vmem>>, vector<1x1x16xf32>,
      %get3A_732 = vector.shape_cast %get3A_731 : vector<1x1x16xf32> to vector<16xf32>
      %add3A_733 = arith.addf %get3A_732, %get3A_486 : vector<16xf32>
      %swap3A_734 = arith.constant 7 : i32
      %swap3A_735 = arith.constant 1 : i32
      %swap3A_736 = arith.index_cast %swap3A_734 : i32 to index
      %swap3A_737 = arith.index_cast %swap3A_735 : i32 to index
      %swap3A_738 = arith.index_cast %multiple_of3A : i32 to index
      %swap3A_739 = tpu.vector_load %arg7[%swap3A_736, %swap3A_737, %swap3A_738] {strides = array<i32>} : memref<8x2x2048xf32, #tpu.memory_space<vmem>>, vector<1x1x16xf32>,
      %swap3A_740 = vector.shape_cast %swap3A_739 : vector<1x1x16xf32> to vector<16xf32>
      %swap3A_741 = vector.shape_cast %add3A_733 : vector<16xf32> to vector<1x1x16xf32>
      tpu.vector_store %arg7[%swap3A_736, %swap3A_737, %swap3A_738], %swap3A_741 {strides = array<i32>} : memref<8x2x2048xf32, #tpu.memory_space<vmem>>, vector<1x1x16xf32>,
      %scan3A_742 = arith.constant 0 : i32
      scf.yield %scan3A_742 : i32
    }
    %scan3A_453 = arith.constant 128 : i32
    %add3A_454 = arith.constant 56 : i32
    %add3A_455 = arith.addi %mul3A_2, %add3A_454 : i32
    %dma_start3A_456 = arith.constant 0 : i32
    %dma_start3A_457 = arith.constant 0 : i32
    %dma_start3A_458 = tpu.memref_slice %arg4[%add3A_455, %dma_start3A_456, %dma_start3A_457] : memref<8192x2x2048xf32, #tpu.memory_space<hbm>> -> memref<8x2x2048xf32, #tpu.memory_space<hbm>>
    %dma_start3A_459 = arith.constant 0 : i32
    %dma_start3A_460 = arith.constant 0 : i32
    %dma_start3A_461 = tpu.memref_slice %arg4[%add3A_455, %dma_start3A_459, %dma_start3A_460] : memref<8192x2x2048xf32, #tpu.memory_space<hbm>> -> memref<8x2x2048xf32, #tpu.memory_space<hbm>>
    tpu.enqueue_dma source(%arg7 : memref<8x2x2048xf32, #tpu.memory_space<vmem>>) target(%dma_start3A_461 : memref<8x2x2048xf32, #tpu.memory_space<hbm>>) target_semaphore(%arg13 : memref<!tpu.dma_semaphore, #tpu.memory_space<semaphore_mem>>)
    %dma_wait3A_462 = arith.constant 0 : i32
    %dma_wait3A_463 = arith.constant 0 : i32
    %dma_wait3A_464 = tpu.memref_slice %arg4[%add3A_361, %dma_wait3A_462, %dma_wait3A_463] : memref<8192x2x2048xf32, #tpu.memory_space<hbm>> -> memref<8x2x2048xf32, #tpu.memory_space<hbm>>
    %dma_wait3A_465 = arith.constant 0 : i32
    %dma_wait3A_466 = arith.constant 0 : i32
    %dma_wait3A_467 = tpu.memref_slice %arg4[%add3A_361, %dma_wait3A_465, %dma_wait3A_466] : memref<8192x2x2048xf32, #tpu.memory_space<hbm>> -> memref<8x2x2048xf32, #tpu.memory_space<hbm>>
    tpu.wait_dma2 semaphore(%arg14 : memref<!tpu.dma_semaphore, #tpu.memory_space<semaphore_mem>>) src(%arg8 : memref<8x2x2048xf32, #tpu.memory_space<vmem>>) dst(%dma_wait3A_467 : memref<8x2x2048xf32, #tpu.memory_space<hbm>>)
    %dma_wait3A_468 = arith.constant 0 : i32
    %dma_wait3A_469 = arith.constant 0 : i32
    %dma_wait3A_470 = tpu.memref_slice %arg4[%add3A_408, %dma_wait3A_468, %dma_wait3A_469] : memref<8192x2x2048xf32, #tpu.memory_space<hbm>> -> memref<8x2x2048xf32, #tpu.memory_space<hbm>>
    %dma_wait3A_471 = arith.constant 0 : i32
    %dma_wait3A_472 = arith.constant 0 : i32
    %dma_wait3A_473 = tpu.memref_slice %arg4[%add3A_408, %dma_wait3A_471, %dma_wait3A_472] : memref<8192x2x2048xf32, #tpu.memory_space<hbm>> -> memref<8x2x2048xf32, #tpu.memory_space<hbm>>
    tpu.wait_dma2 semaphore(%arg12 : memref<!tpu.dma_semaphore, #tpu.memory_space<semaphore_mem>>) src(%arg6 : memref<8x2x2048xf32, #tpu.memory_space<vmem>>) dst(%dma_wait3A_473 : memref<8x2x2048xf32, #tpu.memory_space<hbm>>)
    %dma_wait3A_474 = arith.constant 0 : i32
    %dma_wait3A_475 = arith.constant 0 : i32
    %dma_wait3A_476 = tpu.memref_slice %arg4[%add3A_455, %dma_wait3A_474, %dma_wait3A_475] : memref<8192x2x2048xf32, #tpu.memory_space<hbm>> -> memref<8x2x2048xf32, #tpu.memory_space<hbm>>
    %dma_wait3A_477 = arith.constant 0 : i32
    %dma_wait3A_478 = arith.constant 0 : i32
    %dma_wait3A_479 = tpu.memref_slice %arg4[%add3A_455, %dma_wait3A_477, %dma_wait3A_478] : memref<8192x2x2048xf32, #tpu.memory_space<hbm>> -> memref<8x2x2048xf32, #tpu.memory_space<hbm>>
    tpu.wait_dma2 semaphore(%arg13 : memref<!tpu.dma_semaphore, #tpu.memory_space<semaphore_mem>>) src(%arg7 : memref<8x2x2048xf32, #tpu.memory_space<vmem>>) dst(%dma_wait3A_479 : memref<8x2x2048xf32, #tpu.memory_space<hbm>>)
    return
  }
}

module attributes {stable_mosaic.version = 14 : i64} {
  func.func @body(%arg0: i32, %arg1: memref<1x1x2048xf32, #tpu.memory_space<vmem>>, %arg2: memref<512x2x2048xf32, #tpu.memory_space<vmem>>, %arg3: memref<8192x2x2048xf32, #tpu.memory_space<any>>, %arg4: memref<512x2x2048xf32, #tpu.memory_space<vmem>>) attributes {dimension_semantics = [#tpu.dimension_semantics<arbitrary>], iteration_bounds = array<i64: 12>, scalar_prefetch = 0 : i64, scratch_operands = 0 : i64, tpu.core_type = #tpu.core_type<tc>, window_params = [{transform_indices = @transform_0, window_bounds = array<i64: 1, 1, 2048>}, {transform_indices = @transform_1, window_bounds = array<i64: 512, 2, 2048>}, {}, {transform_indices = @transform_3, window_bounds = array<i64: 512, 2, 2048>}]} {
    %get3A = arith.constant 0 : index
    %get3A_0 = arith.constant 0 : index
    %get3A_1 = arith.constant 0 : index
    %get3A_2 = vector.load %arg2[%get3A, %get3A_0, %get3A_1] : memref<512x2x2048xf32, #tpu.memory_space<vmem>>, vector<512x2x2048xf32>
    %get3A_3 = arith.constant 0 : index
    %get3A_4 = arith.constant 0 : index
    %get3A_5 = arith.constant 0 : index
    %get3A_6 = vector.load %arg1[%get3A_3, %get3A_4, %get3A_5] : memref<1x1x2048xf32, #tpu.memory_space<vmem>>, vector<1x1x2048xf32>
    %add3A = vector.broadcast %get3A_6 : vector<1x1x2048xf32> to vector<512x2x2048xf32>
    %add3A_7 = arith.addf %get3A_2, %add3A : vector<512x2x2048xf32>
    %swap3A = arith.constant 0 : index
    %swap3A_8 = arith.constant 0 : index
    %swap3A_9 = arith.constant 0 : index
    %swap3A_10 = vector.load %arg4[%swap3A, %swap3A_8, %swap3A_9] : memref<512x2x2048xf32, #tpu.memory_space<vmem>>, vector<512x2x2048xf32>
    tpu.vector_store %arg4[%swap3A, %swap3A_8, %swap3A_9], %add3A_7 {strides = array<i32>} : memref<512x2x2048xf32, #tpu.memory_space<vmem>>, vector<512x2x2048xf32>,
    return
  }
  func.func @transform_0(%arg0: i32) -> (i32, i32, i32) {
    %add3A = arith.constant 4 : i32
    %add3A_0 = arith.addi %add3A, %arg0 : i32
    %jit3A = arith.constant 4 : i32
    %div3A = arith.divsi %add3A_0, %jit3A : i32
    %sign3A = arith.constant 0 : i32
    %sign3A_1 = arith.cmpi sgt, %add3A_0, %sign3A : i32
    %sign3A_2 = arith.extui %sign3A_1 : i1 to i32
    %sign3A_3 = arith.constant 0 : i32
    %sign3A_4 = arith.cmpi slt, %add3A_0, %sign3A_3 : i32
    %sign3A_5 = arith.extui %sign3A_4 : i1 to i32
    %sign3A_6 = arith.subi %sign3A_2, %sign3A_5 : i32
    %sign3A_7 = arith.constant 0 : i32
    %sign3A_8 = arith.cmpi sgt, %jit3A, %sign3A_7 : i32
    %sign3A_9 = arith.extui %sign3A_8 : i1 to i32
    %sign3A_10 = arith.constant 0 : i32
    %sign3A_11 = arith.cmpi slt, %jit3A, %sign3A_10 : i32
    %sign3A_12 = arith.extui %sign3A_11 : i1 to i32
    %sign3A_13 = arith.subi %sign3A_9, %sign3A_12 : i32
    %ne3A = arith.cmpi ne, %sign3A_6, %sign3A_13 : i32
    %rem3A = arith.remsi %add3A_0, %jit3A : i32
    %ne3A_14 = arith.constant 0 : i32
    %ne3A_15 = arith.cmpi ne, %rem3A, %ne3A_14 : i32
    %and3A = arith.andi %ne3A, %ne3A_15 : i1
    %sub3A = arith.constant 1 : i32
    %sub3A_16 = arith.subi %div3A, %sub3A : i32
    %select_n3A = arith.select %and3A, %sub3A_16, %div3A : i32
    %c0_i32 = arith.constant 0 : i32
    %c0_i32_17 = arith.constant 0 : i32
    %c0_i32_18 = arith.constant 0 : i32
    return %select_n3A, %c0_i32, %c0_i32_17 : i32, i32, i32
  }
  func.func @transform_1(%arg0: i32) -> (i32, i32, i32) {
    %add3A = arith.constant 4 : i32
    %add3A_0 = arith.addi %add3A, %arg0 : i32
    %c0_i32 = arith.constant 0 : i32
    %c0_i32_1 = arith.constant 0 : i32
    %c0_i32_2 = arith.constant 0 : i32
    return %add3A_0, %c0_i32, %c0_i32_1 : i32, i32, i32
  }
  func.func @transform_3(%arg0: i32) -> (i32, i32, i32) {
    %add3A = arith.constant 4 : i32
    %add3A_0 = arith.addi %add3A, %arg0 : i32
    %c0_i32 = arith.constant 0 : i32
    %c0_i32_1 = arith.constant 0 : i32
    %c0_i32_2 = arith.constant 0 : i32
    return %add3A_0, %c0_i32, %c0_i32_1 : i32, i32, i32
  }
}

</mosaic_0001>

<sc_bundles>
// kernel: kernel.4.cloned.1.call-start
scs
__scs_entry_jumppad:
0x0: {  	(pc) =	sbr.rel $0x88, $3  }
0x1: {  	(tag) =	ssettag $0x0;
	lr =	simm.s32 $0x1  }
0x2: {  	[smem:$0x3F9F] =	sst lr;
	_ =	strace $0xD0000000  }
0x3: {  	_ = 	snop  }
0x4: {  	_ = 	snop  }
0x5: {  	_ = 	snop  }
0x6: {  	_ = 	snop  }
0x7: {  	_ = 	snop  }
__scs_overlays_trampoline_lowered:
0x8: {  	[smem:$0x3FAE] =	sst s0  }
0x9: {  	[smem:$0x3FAF] =	sst s1  }
0xa: {  	[smem:$0x3FB0] =	sst s2  }
0xb: {  	[smem:$0x3FB1] =	sst s3  }
0xc: {  	[smem:$0x3FB2] =	sst s4  }
0xd: {  	[smem:$0x3FB3] =	sst s5  }
0xe: {  	[smem:$0x3FB4] =	sst s6  }
0xf: {  	[smem:$0x3FB5] =	sst s7  }
0x10: {  	[smem:$0x3FB6] =	sst s8  }
0x11: {  	[smem:$0x3FB7] =	sst s9;
	s0 =	simm.s32 @!p0 $0x0  }
0x12: {  	s1 =	sld [smem:$0x3F9D];
	s0 =	simm.s32 @p0 $0x1  }
0x13: {  	[smem:$0x3FB8] =	sst s0;
	s0 =	simm.s32 @!p1 $0x0  }
0x14: {  	s2 =	sld [smem:$0x3F9C];
	s0 =	simm.s32 @p1 $0x1  }
0x15: {  	[smem:$0x3FB9] =	sst s0;
	s0 =	simm.s32 @!p2 $0x0  }
0x16: {  	s3 =	sld [smem:$0x3FDB];
	s0 =	simm.s32 @p2 $0x1  }
0x17: {  	s4 =	simm.s32 $0x1BF5;
	[smem:$0x3FBB] =	sst s0  }
0x18: {  	s0 =	sld [smem:$0x3F9E];
	_ =	swait.ge [sflag:s4], $0x0  }
0x19: {  	s7 =	sld [smem:$0x3F9F]  }
0x1a: {  	s8 =	sadd.s32 $0xFFFFE003, lr  }
0x1b: {  	s9 =	sadd.s32 $0xFFFFFEF7, lr;
	s5 =	simm.s32 $0xFFFFFFFF;
	p2 =	slt.u32 s8, $0xFFFFF086  }
0x1c: {  	p1 =	slt.u32 s9, $0xF7A;
	s5 =	simm.s32 @!p2 $0x0  }
0x1d: {  	s5 =	simm.s32 @p1 $0x1;
	p0 =	seq.s32 s7, s2  }
0x1e: {  	s7 =	smul.u32 @!p0 $0xF7A, s2;
	p2 =	seq.s32 @!p0 s5, $0x0  }
0x1f: {  	s9 =	smul.u32 $0xF7A, s1;
	s8 =	simm.s32 @!p0 $0x1BF5;
	p2 =	por !p2, p0  }
0x20: {  	[sflag:s8] =	ssyncset.s32 @!p0 $0xFFFFF086;
	s6 =	sadd.s32 @!p0 s3, s7;
	s7 =	simm.s32 @!p0 $0x108  }
0x21: {  	s3 =	sadd.s32 s3, s9;
	s6 =	sadd.s32 @!p0 $0x88, s6;
	s7 =	simm.s32 @p2 $0x1082  }
0x22: {  	[simem:s7], [sflag:s8] =	dma.local @!p0 [hbm:s6], $0xF7A  }
0x23: {  	s9 =	sor.u32 $0xD0000000, s2;
	s6 =	simm.s32 $0x108;
	_ =	swait.ge @!p0 [sflag:s8], $0x0  }
0x24: {  	s3 =	sadd.s32 $0x88, s3;
	s6 =	simm.s32 @!p1 $0x1082;
	[sflag:s4] =	ssyncset.s32 $0xFFFFF086  }
0x25: {  	[simem:s6], [sflag:s4] =	dma.local [hbm:s3], $0xF7A  }
0x26: {  	[smem:$0x3F9F] =	sst s1;
	(tag) =	ssettag s2;
	_ =	strace s9  }
0x27: {  	s1 =	sld [smem:$0x3FAF]  }
0x28: {  	s2 =	sld [smem:$0x3FB0]  }
0x29: {  	s4 =	sld [smem:$0x3FB2]  }
0x2a: {  	p0 =	seq.s32 s5, $0x0;
	s5 =	sld [smem:$0x3FB3]  }
0x2b: {  	s6 =	sld [smem:$0x3FB4]  }
0x2c: {  	s7 =	sld [smem:$0x3FB5]  }
0x2d: {  	s3 =	simm.s32 $0x108;
	s8 =	sld [smem:$0x3FB6]  }
0x2e: {  	s3 =	simm.s32 @!p0 $0x1082;
	s9 =	sld [smem:$0x3FB7]  }
0x2f: {  	lr =	sadd.s32 s0, s3;
	s0 =	sld [smem:$0x3FAE]  }
0x30: {  	s3 =	sld [smem:$0x3FB1]  }
0x31: {  	[smem:$0x3FBA] =	sst s10  }
0x32: {  	s10 =	sld [smem:$0x3FB8];
	_ =	sdelay $0x3  }
0x33: {  	p0 =	seq.s32 s10, $0x1;
	s10 =	sld [smem:$0x3FBA];
	_ =	sdelay $0x3  }
0x34: {  	[smem:$0x3FBA] =	sst s10  }
0x35: {  	s10 =	sld [smem:$0x3FB9];
	_ =	sdelay $0x3  }
0x36: {  	p1 =	seq.s32 s10, $0x1;
	s10 =	sld [smem:$0x3FBA];
	_ =	sdelay $0x3  }
0x37: {  	[smem:$0x3FBA] =	sst s10  }
0x38: {  	s10 =	sld [smem:$0x3FBB]  }
0x39: {  	_ = 	snop;
	(pc) =	sbr.ind lr, $3  }
0x3a: {  	_ = 	snop  }
0x3b: {  	_ = 	snop  }
0x3c: {  	p2 =	seq.s32 s10, $0x1;
	s10 =	sld [smem:$0x3FBA]  }
0x3d: {  	_ =	shalt  }
0x3e: {  	_ =	shalt  }
0x3f: {  	_ =	shalt  }
0x40: {  	_ =	shalt  }
0x41: {  	_ =	shalt  }
0x42: {  	_ =	shalt  }
0x43: {  	_ =	shalt  }
0x44: {  	_ =	shalt  }
0x45: {  	_ =	shalt  }
0x46: {  	_ =	shalt  }
0x47: {  	_ =	shalt  }
0x48: {  	_ =	shalt  }
0x49: {  	_ =	shalt  }
0x4a: {  	_ =	shalt  }
0x4b: {  	_ =	shalt  }
0x4c: {  	_ =	shalt  }
0x4d: {  	_ =	shalt  }
0x4e: {  	_ =	shalt  }
0x4f: {  	_ =	shalt  }
0x50: {  	_ =	shalt  }
0x51: {  	_ =	shalt  }
0x52: {  	_ =	shalt  }
0x53: {  	_ =	shalt  }
0x54: {  	_ =	shalt  }
0x55: {  	_ =	shalt  }
0x56: {  	_ =	shalt  }
0x57: {  	_ =	shalt  }
0x58: {  	_ =	shalt  }
0x59: {  	_ =	shalt  }
0x5a: {  	_ =	shalt  }
0x5b: {  	_ =	shalt  }
0x5c: {  	_ =	shalt  }
0x5d: {  	_ =	shalt  }
0x5e: {  	_ =	shalt  }
0x5f: {  	_ =	shalt  }
0x60: {  	_ =	shalt  }
0x61: {  	_ =	shalt  }
0x62: {  	_ =	shalt  }
0x63: {  	_ =	shalt  }
0x64: {  	_ =	shalt  }
0x65: {  	_ =	shalt  }
0x66: {  	_ =	shalt  }
0x67: {  	_ =	shalt  }
0x68: {  	_ =	shalt  }
0x69: {  	_ =	shalt  }
0x6a: {  	_ =	shalt  }
0x6b: {  	_ =	shalt  }
0x6c: {  	_ =	shalt  }
0x6d: {  	_ =	shalt  }
0x6e: {  	_ =	shalt  }
0x6f: {  	_ =	shalt  }
0x70: {  	_ =	shalt  }
0x71: {  	_ =	shalt  }
0x72: {  	_ =	shalt  }
0x73: {  	_ =	shalt  }
0x74: {  	_ =	shalt  }
0x75: {  	_ =	shalt  }
0x76: {  	_ =	shalt  }
0x77: {  	_ =	shalt  }
0x78: {  	_ =	shalt  }
0x79: {  	_ =	shalt  }
0x7a: {  	_ =	shalt  }
0x7b: {  	_ =	shalt  }
0x7c: {  	_ =	shalt  }
0x7d: {  	_ =	shalt  }
0x7e: {  	_ =	shalt  }
0x7f: {  	_ =	shalt  }
0x80: {  	_ =	shalt  }
0x81: {  	_ =	shalt  }
0x82: {  	_ =	shalt  }
0x83: {  	_ =	shalt  }
0x84: {  	_ =	shalt  }
0x85: {  	_ =	shalt  }
0x86: {  	_ =	shalt  }
0x87: {  	_ =	shalt  }
.Lfunc_end0:
.L_simem_size_0:
called_computation_lowered:
.L_overlay_start_0:
0x88: {  	s2 =	sld [smem:$0x3FD9]  }
0x89: {  	s3 =	sld [smem:$0x3FFE];
	_ =	sdelay $0x1  }
0x8a: {  	s1 =	srdreg.scid  }
0x8b: {  	s0 =	sand.u32 $0x1, s1  }
0x8c: {  	s18 =	sshll.u32 s0, $0xA;
	s2 =	sadd.s32 s3, s2  }
0x8d: {  	s2 =	sadd.s32 s2, s18  }
0x8e: {  	[smem:$0x3FC6] =	sst s2  }
0x8f: {  	_ = 	snop  }
0x90: {  	s2 =	sld [smem:$0x3FC9]  }
0x91: {  	s19 =	sld [smem:$0x3FC8]  }
0x92: {  	s4 =	sld [smem:$0x3FD0];
	(tm) =	ssettm $0x1  }
0x93: {  	s5 =	sld [smem:$0x3FFB];
	_ =	sdelay $0x3  }
0x94: {  	_ =	strace s5  }
0x95: {  	s5 =	sld [smem:$0x3FFC];
	_ =	sdelay $0x3  }
0x96: {  	_ =	strace s5  }
0x97: {  	s5 =	sld [smem:$0x3FFD];
	_ =	sdelay $0x3  }
0x98: {  	_ =	strace s5  }
0x99: {  	_ =	strace $0x8FFFFFFF  }
0x9a: {  	s20 =	sld [smem:$0x3FDB];
	_ =	sdelay $0x1  }
0x9b: {  	s6 =	simm.s32 $_scs_section_size  }
0x9c: {  	s7 =	simm.s32 $_size__tile_overlayer_lowered;
	s8 =	simm.s32 $_tile_overlayer_lowered  }
0x9d: {  	s23 =	simm.s32 $0x1BFF;
	s22 =	sshll.u32 s8, $0x1;
	s5 =	sadd.s32 s6, s20  }
0x9e: {  	s9 =	simm.s32 $0x0;
	s21 =	sshll.u32 s7, $0x1;
	s7 =	sadd.s32 s22, s5  }
0x9f: {  	[timem:s9], [sflag:s23] =	dma.local [hbm:s7], s21  }
0xa0: {  	_ =	swait.ge [sflag:s23], s21  }
0xa1: {  	s6 =	ssub.s32 $0x0, s21;
	[sflag:s23] =	ssyncset.done $0x0  }
0xa2: {  	[sflag:s23] =	ssyncadd.s32 s6;
	_ =	sdelay $0x1  }
0xa3: {  	s24 =	simm.s32 $0x1B8B  }
0xa4: {  	_ =	swait.ge [sflag:s24], $0x1  }
0xa5: {  	[sflag:s24] =	ssyncset.done $0x0  }
0xa6: {  	s25 =	simm.s32 $0x1B8E;
	[sflag:s24] =	ssyncadd.s32 $0xFFFFFFFF  }
0xa7: {  	s26 =	simm.s32 $execute0_lowered;
	[smem:$0x3FD2] =	sst s25  }
0xa8: {  	s6 =	sshll.u32 s26, $0x1;
	_ =	strace $0x80000046;
	[dreg:$0x1] =	wrdreg $0xFFFFFFFF  }
0xa9: {  	s28 =	simm.s32 $_size_execute0_lowered;
	s5 =	sadd.s32 s5, s6;
	[dreg:$0x0] =	wrdreg $0x0  }
0xaa: {  	s6 =	sshll.u32 s28, $0x1;
	[dreg:$0x2] =	wrdreg s5  }
0xab: {  	[dreg:$0x3] =	wrdreg s6  }
0xac: {  	[dreg:$0x4] =	wrdreg $0xC0  }
0xad: {  	_ =	task [dreg:s9], $0x5FFFF  }
0xae: {  	[dreg:$0x1] =	wrdreg $0xFFFFFFFF  }
0xaf: {  	[dreg:$0x0] =	wrdreg $0x60  }
0xb0: {  	[dreg:$0x2] =	wrdreg s2  }
0xb1: {  	[dreg:$0x3] =	wrdreg s19  }
0xb2: {  	[dreg:$0x4] =	wrdreg s4  }
0xb3: {  	[dreg:$0x5] =	wrdreg $0x9  }
0xb4: {  	_ =	task.clear_ibuf [dreg:s9], $0x6FFFF;
	_ =	strace $0x90000046  }
0xb5: {  	s29 =	simm.s32 $0x9;
	_ =	strace $0x80000048  }
0xb6: {  	_ =	swait.ge [sflag:s29], $0x1  }
0xb7: {  	[sflag:s29] =	ssyncadd.s32 $0xFFFFFFFF  }
0xb8: {  	_ =	strace $0x90000048  }
0xb9: {  	_ =	sfence  }
0xba: {  	s30 =	sld [smem:$0x0];
	_ =	sdelay $0x2  }
0xbb: {  	s31 =	sshll.u32 s1, $0xD;
	s1 =	sshrl.u32 s1, $0x2  }
0xbc: {  	s3 =	sand.u32 $0x4000, s31;
	s1 =	sadd.s32 s1, s30  }
0xbd: {  	s0 =	sor.u32 s3, s0;
	s1 =	sshll.u32 s1, $0x11  }
0xbe: {  	s0 =	sor.u32 s1, s0  }
0xbf: {  	s0 =	sadd.s32 $0x8F2B, s0  }
0xc0: {  	[sflag:s0] =	ssyncadd.remote.s32 $0x1  }
0xc1: {  	_ =	sfence.sel $0xFFFF  }
0xc2: {  	[dreg:$0x0] =	wrdreg $0xFFFFFFFF;
	(pc) =	sbr.abs _section_cstart, $3  }
0xc3: {  	[dreg:$0x1] =	wrdreg $0xFFFFFFFF  }
0xc4: {  	_ =	task.clear_ibuf [dreg:s9], $0x2FFFF;
	_ =	strace $0x9FFFFFFF  }
0xc5: {  	(tm) =	ssettm $0x7FFFFFFF  }
tec
execute0_lowered:
.L_overlay_start_1:
0x0: {  	(tag) =	ssettag $0x1  }
0x1: {  	s0 =	rddreg [dreg:$0x0]  }
0x2: {  	s1 =	rddreg [dreg:$0x2];
	s3 =	simm.s32 $0x0  }
0x3: {  	s2 =	srdreg.scid;
	s5 =	stileid.u32;
	s28 =	simm.s32 $0x2  }
0x4: {  	s29 =	simm.s32 $0x5;
	s30 =	simm.s32 $0x3;
	s2 =	sand.u32 $0x1, s2  }
0x5: {  	s31 =	simm.s32 $0x6;
	[smem:$0x7FF] =	sst s3;
	s4 =	ssub.s32 $0x2, s2  }
0x6: {  	s5 =	sshll.u32 s5, $0x10;
	s2 =	sshll.u32 s2, $0xF;
	s6 =	sshrl.u32 s4, $0x1  }
0x7: {  	_ =	strace $0x80000047;
	s2 =	sor.u32 s2, s5;
	s4 =	ssub.s32 s4, s6  }
0x8: {  	s5 =	sadd.s32 s0, s2;
	s20 =	sor.u32 $0x1000, s2;
	s22 =	sor.u32 $0x2000, s2  }
0x9: {  	s13 =	sor.u32 $0x3000, s2;
	s23 =	sadd.s32 s1, s2;
	s25 =	sor.u32 $0x4000, s2  }
0xa: {  	s17 =	sor.u32 $0x5000, s2;
	s26 =	sor.u32 $0x6000, s2;
	s2 =	sor.u32 $0x7000, s2  }
0xb: {  	[dreg:$0x4] =	wrdreg s5;
	s21 =	sadd.s32 s0, s20;
	s7 =	sadd.s32 s0, s22  }
0xc: {  	[dreg:$0x7] =	wrdreg s23;
	s24 =	sadd.s32 s0, s13;
	s9 =	sadd.s32 s1, s20  }
0xd: {  	s10 =	sadd.s32 s0, s25;
	s11 =	sadd.s32 s1, s22;
	s12 =	sadd.s32 s0, s17  }
0xe: {  	s13 =	sadd.s32 s1, s13;
	s14 =	sadd.s32 s0, s26;
	s15 =	sadd.s32 s1, s25  }
0xf: {  	s16 =	sadd.s32 s0, s2;
	s17 =	sadd.s32 s1, s17;
	s18 =	sadd.s32 s1, s26  }
0x10: {  	s19 =	sadd.s32 s1, s2;
	s20 =	smax.u32 s4, $0x1;
	s22 =	simm.s32 $0x2000  }
0x11: {  	s23 =	simm.s32 $0xA000;
	s25 =	simm.s32 $0x1;
	[dreg:$0x5] =	wrdreg s21  }
0x12: {  	s26 =	simm.s32 $0x4;
	s0 =	simm.s32 $0x0;
	[dreg:$0x6] =	wrdreg s7  }
0x13: {  	[dreg:$0x8] =	wrdreg s24;
	s21 =	simm.s32 $0x7;
	s24 =	simm.s32 $0x12000  }
.LBB2_1:
0x14: {  	s1 =	rddreg [dreg:$0x1]  }
0x15: {  	[tilespmem:s3], [sflag:$0x7] =	stream.linear.gather [hbm4b:s1+s3], $0x2000, $0x38;
	[tilespmem:$0x1A000] =	vst v63  }
0x16: {  	_ =	swait.ge [sflag:s21], $0x2000  }
0x17: {  	[sflag:s21] =	ssyncset.done $0x0  }
0x18: {  	s2 =	rddreg [dreg:$0x4];
	[sflag:s21] =	ssyncadd.s32 $0xFFFFE000  }
0x19: {  	[tilespmem:s22], [sflag:$0x1] =	stream.linear.gather [hbm4b:s2+s3], $0x8000, $0x38;
	[tilespmem:$0x1A000] =	vst v63  }
0x1a: {  	s4 =	rddreg [dreg:$0x5]  }
0x1b: {  	[tilespmem:s23], [sflag:$0x2] =	stream.linear.gather [hbm4b:s4+s3], $0x8000, $0x38;
	[tilespmem:$0x1A000] =	vst v63  }
0x1c: {  	s5 =	rddreg [dreg:$0x6]  }
0x1d: {  	[tilespmem:s24], [sflag:$0x3] =	stream.linear.gather [hbm4b:s5+s3], $0x8000, $0x38;
	[tilespmem:$0x1A000] =	vst v63  }
0x1e: {  	s6 =	simm.s32 $0x0;
	_ =	swait.ge [sflag:s25], $0x8000  }
0x1f: {  	s1 =	sand.u32 $0x3FFFFF00, s6;
	s4 =	sand.u32 $0x70, s3;
	[sflag:s25] =	ssyncset.done $0x0  }
0x20: {  	s2 =	sor.u32 s4, s1;
	[sflag:s25] =	ssyncadd.s32 $0xFFFF8000  }
0x21: {  	s7 =	simm.s32 $0x0;
	v0 =	vld [tilespmem:s2+$0x5080]  }
0x22: {  	s1 =	sand.u32 $0x3FFFFE00, s7;
	v1 =	vld [tilespmem:s2+$0x6080]  }
0x23: {  	s1 =	sor.u32 s4, s1;
	v2 =	vld [tilespmem:s2+$0x3080]  }
0x24: {  	v9 =	vld [tilespmem:s1+$0x0]  }
0x25: {  	v3 =	vld [tilespmem:s2+$0x7000]  }
0x26: {  	v6 =	vld [tilespmem:s2+$0x3000]  }
0x27: {  	v4 =	vld [tilespmem:s2+$0x2080]  }
0x28: {  	v5 =	vld [tilespmem:s2+$0x9080]  }
0x29: {  	v14 =	vld [tilespmem:s2+$0x9000];
	v0 =	vadd.f32 v0, v9  }
0x2a: {  	v10 =	vld [tilespmem:s2+$0x4080];
	v1 =	vadd.f32 v1, v9  }
0x2b: {  	v7 =	vld [tilespmem:s2+$0x8080];
	v6 =	vadd.f32 v6, v9;
	[tilespmem:s2+$0x5080] =	vst v0  }
0x2c: {  	v16 =	vld [tilespmem:s2+$0x4000];
	v0 =	vadd.f32 v3, v9;
	[tilespmem:s2+$0x6080] =	vst v1  }
0x2d: {  	v11 =	vld [tilespmem:s2+$0x6000];
	v1 =	vadd.f32 v2, v9;
	[tilespmem:s2+$0x3000] =	vst v6  }
0x2e: {  	v8 =	vld [tilespmem:s2+$0x2000];
	[tilespmem:s2+$0x7000] =	vst v0;
	v0 =	vadd.f32 v14, v9  }
0x2f: {  	s8 =	simm.s32 $0x20;
	v12 =	vld [tilespmem:s2+$0x7080];
	s1 =	simm.s32 $0x10;
	[tilespmem:s2+$0x3080] =	vst v1;
	v1 =	vadd.f32 v10, v9  }
0x30: {  	s4 =	sand.u32 $0x3FFFFF00, s8;
	v15 =	vld [tilespmem:s2+$0x5000];
	s6 =	sand.u32 $0x70, s1;
	[tilespmem:s2+$0x9000] =	vst v0;
	v0 =	vadd.f32 v4, v9  }
0x31: {  	v13 =	vld [tilespmem:s2+$0x8000];
	s4 =	sor.u32 s6, s4;
	[tilespmem:s2+$0x4080] =	vst v1;
	v1 =	vadd.f32 v16, v9  }
0x32: {  	v2 =	vld [tilespmem:s4+$0x5080];
	[tilespmem:s2+$0x2080] =	vst v0;
	v0 =	vadd.f32 v11, v9  }
0x33: {  	v3 =	vadd.f32 v8, v9;
	v4 =	vld [tilespmem:s4+$0x6080];
	[tilespmem:s2+$0x4000] =	vst v1  }
0x34: {  	v6 =	vadd.f32 v5, v9;
	v1 =	vld [tilespmem:s4+$0x3080];
	[tilespmem:s2+$0x6000] =	vst v0  }
0x35: {  	v8 =	vadd.f32 v15, v9;
	v5 =	vld [tilespmem:s4+$0x7000];
	[tilespmem:s2+$0x2000] =	vst v3  }
0x36: {  	s5 =	simm.s32 $0x40;
	v10 =	vadd.f32 v7, v9;
	v0 =	vld [tilespmem:s4+$0x2080];
	[tilespmem:s2+$0x9080] =	vst v6  }
0x37: {  	s7 =	sand.u32 $0x3FFFFE00, s5;
	v3 =	vld [tilespmem:s4+$0x9080];
	[tilespmem:s2+$0x5000] =	vst v8  }
0x38: {  	s5 =	simm.s32 $0x2;
	s6 =	sor.u32 s6, s7;
	v7 =	vadd.f32 v12, v9;
	v6 =	vadd.f32 v13, v9;
	v8 =	vld [tilespmem:s4+$0x3000];
	[tilespmem:s2+$0x8080] =	vst v10  }
.LBB2_2:
0x39: {  	p0 =	sne.s32 s5, $0x7F  }
0x3a: {  	v9 =	vld [tilespmem:s4+$0x8080];
	s1 =	sadd.s32 $0x10, s1;
	[tilespmem:s2+$0x7080] =	vst v7;
	s7 =	smov.u32 s5;
	s5 =	sadd.s32 $0x1, s5  }
0x3b: {  	v10 =	vld [tilespmem:s4+$0x2000];
	[tilespmem:s2+$0x8000] =	vst v6;
	s2 =	smov.u32 s4  }
0x3c: {  	v11 =	vld [tilespmem:s6+$0x0]  }
0x3d: {  	v12 =	vld [tilespmem:s2+$0x4080]  }
0x3e: {  	v6 =	vld [tilespmem:s2+$0x6000]  }
0x3f: {  	v7 =	vld [tilespmem:s2+$0x7080]  }
0x40: {  	v13 =	vld [tilespmem:s2+$0x8000]  }
0x41: {  	v2 =	vadd.f32 v2, v11;
	v4 =	vadd.f32 v4, v11;
	v14 =	vld [tilespmem:s2+$0x9000]  }
0x42: {  	v5 =	vadd.f32 v5, v11;
	v3 =	vadd.f32 v3, v11;
	v15 =	vld [tilespmem:s2+$0x5000]  }
0x43: {  	v8 =	vadd.f32 v8, v11;
	v1 =	vadd.f32 v1, v11;
	v16 =	vld [tilespmem:s2+$0x4000];
	[tilespmem:s2+$0x5080] =	vst v2  }
0x44: {  	v9 =	vadd.f32 v9, v11;
	[tilespmem:s2+$0x6080] =	vst v4;
	v7 =	vadd.f32 v7, v11  }
0x45: {  	[tilespmem:s2+$0x3000] =	vst v8;
	v8 =	vadd.f32 v6, v11;
	v6 =	vadd.f32 v13, v11  }
0x46: {  	v0 =	vadd.f32 v0, v11;
	[tilespmem:s2+$0x7000] =	vst v5;
	v2 =	vadd.f32 v14, v11  }
0x47: {  	s4 =	sand.u32 $0x70, s1;
	s6 =	sshll.u32 s7, $0x6;
	s7 =	sshll.u32 s7, $0x5;
	[tilespmem:s2+$0x3080] =	vst v1;
	v1 =	vadd.f32 v12, v11;
	v12 =	vadd.f32 v15, v11  }
0x48: {  	s6 =	sand.u32 $0x3FFFFE00, s6;
	s7 =	sand.u32 $0x3FFFFF00, s7;
	v10 =	vadd.f32 v10, v11;
	v5 =	vadd.f32 v16, v11;
	[tilespmem:s2+$0x9000] =	vst v2  }
0x49: {  	s6 =	sor.u32 s4, s6;
	s4 =	sor.u32 s4, s7;
	[tilespmem:s2+$0x4080] =	vst v1  }
0x4a: {  	v2 =	vld [tilespmem:s4+$0x5080];
	[tilespmem:s2+$0x2080] =	vst v0  }
0x4b: {  	v4 =	vld [tilespmem:s4+$0x6080];
	[tilespmem:s2+$0x4000] =	vst v5  }
.Ltmp0:
0x4c: {  	v1 =	vld [tilespmem:s4+$0x3080];
	[tilespmem:s2+$0x6000] =	vst v8;
	(pc) =	sbr.rel @p0 .LBB2_2-.Ltmp0, $4  }
0x4d: {  	v5 =	vld [tilespmem:s4+$0x7000];
	[tilespmem:s2+$0x2000] =	vst v10  }
0x4e: {  	v0 =	vld [tilespmem:s4+$0x2080];
	[tilespmem:s2+$0x9080] =	vst v3  }
0x4f: {  	v3 =	vld [tilespmem:s4+$0x9080];
	[tilespmem:s2+$0x5000] =	vst v12  }
0x50: {  	v8 =	vld [tilespmem:s4+$0x3000];
	[tilespmem:s2+$0x8080] =	vst v9  }
0x51: {  	v9 =	vld [tilespmem:s4+$0x8080];
	[tilespmem:s2+$0x7080] =	vst v7  }
0x52: {  	v7 =	vld [tilespmem:s4+$0x2000];
	[tilespmem:s2+$0x8000] =	vst v6  }
0x53: {  	v6 =	vld [tilespmem:s6+$0x0];
	_ =	sdelay $0x4  }
0x54: {  	v2 =	vadd.f32 v2, v6  }
0x55: {  	v10 =	vld [tilespmem:s4+$0x4080];
	v4 =	vadd.f32 v4, v6  }
0x56: {  	v8 =	vadd.f32 v8, v6;
	[tilespmem:s4+$0x5080] =	vst v2  }
0x57: {  	v14 =	vld [tilespmem:s4+$0x9000];
	v1 =	vadd.f32 v1, v6;
	[tilespmem:s4+$0x6080] =	vst v4  }
0x58: {  	v11 =	vld [tilespmem:s4+$0x6000];
	v0 =	vadd.f32 v0, v6;
	[tilespmem:s4+$0x3000] =	vst v8  }
0x59: {  	v2 =	vadd.f32 v5, v6;
	[tilespmem:s4+$0x3080] =	vst v1  }
0x5a: {  	v16 =	vld [tilespmem:s4+$0x4000];
	v1 =	vadd.f32 v10, v6;
	[tilespmem:s4+$0x2080] =	vst v0  }
0x5b: {  	v15 =	vld [tilespmem:s4+$0x5000];
	v0 =	vadd.f32 v7, v6;
	[tilespmem:s4+$0x7000] =	vst v2  }
0x5c: {  	v2 =	vadd.f32 v14, v6;
	[tilespmem:s4+$0x4080] =	vst v1  }
0x5d: {  	v13 =	vld [tilespmem:s4+$0x8000];
	v1 =	vadd.f32 v11, v6;
	[tilespmem:s4+$0x2000] =	vst v0  }
0x5e: {  	v12 =	vld [tilespmem:s4+$0x7080];
	v0 =	vadd.f32 v9, v6;
	[tilespmem:s4+$0x9000] =	vst v2  }
0x5f: {  	v2 =	vadd.f32 v16, v6;
	[tilespmem:s4+$0x6000] =	vst v1  }
0x60: {  	v1 =	vadd.f32 v15, v6;
	[tilespmem:s4+$0x8080] =	vst v0  }
0x61: {  	[tilespmem:s4+$0x4000] =	vst v2;
	v2 =	vadd.f32 v3, v6  }
0x62: {  	[tilespmem:s4+$0x5000] =	vst v1;
	v1 =	vadd.f32 v13, v6  }
0x63: {  	[tilespmem:s4+$0x9080] =	vst v2;
	v2 =	vadd.f32 v12, v6  }
0x64: {  	[tilespmem:s4+$0x8000] =	vst v1  }
0x65: {  	s1 =	simm.s32 $0x0;
	s8 =	rddreg [dreg:$0x7];
	[tilespmem:s4+$0x7080] =	vst v2  }
0x66: {  	[hbm4b:s8+s1] =	stream.linear.scatter [tilespmem:s22], [sflag:$0x4], $0x8000, $0x38;
	[tilespmem:$0x1A000] =	vst v63  }
0x67: {  	_ =	swait.ge [sflag:s26], $0x8000  }
0x68: {  	[sflag:s26] =	ssyncset.done $0x0  }
0x69: {  	s4 =	rddreg [dreg:$0x8];
	[sflag:s26] =	ssyncadd.s32 $0xFFFF8000  }
0x6a: {  	[tilespmem:s22], [sflag:$0x1] =	stream.linear.gather [hbm4b:s4+s1], $0x8000, $0x38;
	[tilespmem:$0x1A000] =	vst v63  }
0x6b: {  	s5 =	simm.s32 $0x0;
	_ =	swait.ge [sflag:s28], $0x8000  }
0x6c: {  	s2 =	sand.u32 $0x3FFFFF00, s5;
	s1 =	sand.u32 $0x70, s1;
	[sflag:s28] =	ssyncset.done $0x0  }
0x6d: {  	s2 =	sor.u32 s1, s2;
	[sflag:s28] =	ssyncadd.s32 $0xFFFF8000  }
0x6e: {  	s6 =	simm.s32 $0x0;
	v0 =	vld [tilespmem:s2+$0xD080]  }
0x6f: {  	s4 =	sand.u32 $0x3FFFFE00, s6;
	v1 =	vld [tilespmem:s2+$0xE080]  }
0x70: {  	s1 =	sor.u32 s1, s4;
	v2 =	vld [tilespmem:s2+$0xB080]  }
0x71: {  	v9 =	vld [tilespmem:s1+$0x0]  }
0x72: {  	v3 =	vld [tilespmem:s2+$0xF000]  }
0x73: {  	v6 =	vld [tilespmem:s2+$0xB000]  }
0x74: {  	v4 =	vld [tilespmem:s2+$0xA080]  }
0x75: {  	v5 =	vld [tilespmem:s2+$0x11080]  }
0x76: {  	v61 =	vld [tilespmem:s2+$0x11000];
	v0 =	vadd.f32 v0, v9  }
0x77: {  	v10 =	vld [tilespmem:s2+$0xC080];
	v1 =	vadd.f32 v1, v9  }
0x78: {  	v7 =	vld [tilespmem:s2+$0x10080];
	v6 =	vadd.f32 v6, v9;
	[tilespmem:s2+$0xD080] =	vst v0  }
0x79: {  	v63 =	vld [tilespmem:s2+$0xC000];
	v0 =	vadd.f32 v3, v9;
	[tilespmem:s2+$0xE080] =	vst v1  }
0x7a: {  	v11 =	vld [tilespmem:s2+$0xE000];
	v1 =	vadd.f32 v2, v9;
	[tilespmem:s2+$0xB000] =	vst v6  }
0x7b: {  	v8 =	vld [tilespmem:s2+$0xA000];
	[tilespmem:s2+$0xF000] =	vst v0;
	v0 =	vadd.f32 v61, v9  }
0x7c: {  	s7 =	simm.s32 $0x20;
	v59 =	vld [tilespmem:s2+$0xF080];
	s1 =	simm.s32 $0x10;
	[tilespmem:s2+$0xB080] =	vst v1;
	v1 =	vadd.f32 v10, v9  }
0x7d: {  	s4 =	sand.u32 $0x3FFFFF00, s7;
	v62 =	vld [tilespmem:s2+$0xD000];
	s8 =	sand.u32 $0x70, s1;
	[tilespmem:s2+$0x11000] =	vst v0;
	v0 =	vadd.f32 v4, v9  }
0x7e: {  	v60 =	vld [tilespmem:s2+$0x10000];
	s4 =	sor.u32 s8, s4;
	[tilespmem:s2+$0xC080] =	vst v1;
	v1 =	vadd.f32 v63, v9  }
0x7f: {  	v2 =	vld [tilespmem:s4+$0xD080];
	[tilespmem:s2+$0xA080] =	vst v0;
	v0 =	vadd.f32 v11, v9  }
0x80: {  	v3 =	vadd.f32 v8, v9;
	v4 =	vld [tilespmem:s4+$0xE080];
	[tilespmem:s2+$0xC000] =	vst v1  }
0x81: {  	v6 =	vadd.f32 v5, v9;
	v1 =	vld [tilespmem:s4+$0xB080];
	[tilespmem:s2+$0xE000] =	vst v0  }
0x82: {  	v8 =	vadd.f32 v62, v9;
	v5 =	vld [tilespmem:s4+$0xF000];
	[tilespmem:s2+$0xA000] =	vst v3  }
0x83: {  	s5 =	simm.s32 $0x40;
	v10 =	vadd.f32 v7, v9;
	v0 =	vld [tilespmem:s4+$0xA080];
	[tilespmem:s2+$0x11080] =	vst v6  }
0x84: {  	s7 =	sand.u32 $0x3FFFFE00, s5;
	v3 =	vld [tilespmem:s4+$0x11080];
	[tilespmem:s2+$0xD000] =	vst v8  }
0x85: {  	s5 =	simm.s32 $0x2;
	s6 =	sor.u32 s8, s7;
	v7 =	vadd.f32 v59, v9;
	v6 =	vadd.f32 v60, v9;
	v8 =	vld [tilespmem:s4+$0xB000];
	[tilespmem:s2+$0x10080] =	vst v10  }
.LBB2_4:
0x86: {  	p0 =	sne.s32 s5, $0x7F  }
0x87: {  	v9 =	vld [tilespmem:s4+$0x10080];
	s1 =	sadd.s32 $0x10, s1;
	[tilespmem:s2+$0xF080] =	vst v7;
	s7 =	smov.u32 s5;
	s5 =	sadd.s32 $0x1, s5  }
0x88: {  	v10 =	vld [tilespmem:s4+$0xA000];
	[tilespmem:s2+$0x10000] =	vst v6;
	s2 =	smov.u32 s4  }
0x89: {  	v11 =	vld [tilespmem:s6+$0x0]  }
0x8a: {  	v12 =	vld [tilespmem:s2+$0xC080]  }
0x8b: {  	v6 =	vld [tilespmem:s2+$0xE000]  }
0x8c: {  	v7 =	vld [tilespmem:s2+$0xF080]  }
0x8d: {  	v13 =	vld [tilespmem:s2+$0x10000]  }
0x8e: {  	v2 =	vadd.f32 v2, v11;
	v4 =	vadd.f32 v4, v11;
	v14 =	vld [tilespmem:s2+$0x11000]  }
0x8f: {  	v5 =	vadd.f32 v5, v11;
	v3 =	vadd.f32 v3, v11;
	v15 =	vld [tilespmem:s2+$0xD000]  }
0x90: {  	v8 =	vadd.f32 v8, v11;
	v1 =	vadd.f32 v1, v11;
	v16 =	vld [tilespmem:s2+$0xC000];
	[tilespmem:s2+$0xD080] =	vst v2  }
0x91: {  	v9 =	vadd.f32 v9, v11;
	[tilespmem:s2+$0xE080] =	vst v4;
	v7 =	vadd.f32 v7, v11  }
0x92: {  	[tilespmem:s2+$0xB000] =	vst v8;
	v8 =	vadd.f32 v6, v11;
	v6 =	vadd.f32 v13, v11  }
0x93: {  	v0 =	vadd.f32 v0, v11;
	[tilespmem:s2+$0xF000] =	vst v5;
	v2 =	vadd.f32 v14, v11  }
0x94: {  	s4 =	sand.u32 $0x70, s1;
	s6 =	sshll.u32 s7, $0x6;
	s7 =	sshll.u32 s7, $0x5;
	[tilespmem:s2+$0xB080] =	vst v1;
	v1 =	vadd.f32 v12, v11;
	v12 =	vadd.f32 v15, v11  }
0x95: {  	s6 =	sand.u32 $0x3FFFFE00, s6;
	s7 =	sand.u32 $0x3FFFFF00, s7;
	v10 =	vadd.f32 v10, v11;
	v5 =	vadd.f32 v16, v11;
	[tilespmem:s2+$0x11000] =	vst v2  }
0x96: {  	s6 =	sor.u32 s4, s6;
	s4 =	sor.u32 s4, s7;
	[tilespmem:s2+$0xC080] =	vst v1  }
0x97: {  	v2 =	vld [tilespmem:s4+$0xD080];
	[tilespmem:s2+$0xA080] =	vst v0  }
0x98: {  	v4 =	vld [tilespmem:s4+$0xE080];
	[tilespmem:s2+$0xC000] =	vst v5  }
.Ltmp1:
0x99: {  	v1 =	vld [tilespmem:s4+$0xB080];
	[tilespmem:s2+$0xE000] =	vst v8;
	(pc) =	sbr.rel @p0 .LBB2_4-.Ltmp1, $4  }
0x9a: {  	v5 =	vld [tilespmem:s4+$0xF000];
	[tilespmem:s2+$0xA000] =	vst v10  }
0x9b: {  	v0 =	vld [tilespmem:s4+$0xA080];
	[tilespmem:s2+$0x11080] =	vst v3  }
0x9c: {  	v3 =	vld [tilespmem:s4+$0x11080];
	[tilespmem:s2+$0xD000] =	vst v12  }
0x9d: {  	v8 =	vld [tilespmem:s4+$0xB000];
	[tilespmem:s2+$0x10080] =	vst v9  }
0x9e: {  	v9 =	vld [tilespmem:s4+$0x10080];
	[tilespmem:s2+$0xF080] =	vst v7  }
0x9f: {  	v7 =	vld [tilespmem:s4+$0xA000];
	[tilespmem:s2+$0x10000] =	vst v6  }
0xa0: {  	v6 =	vld [tilespmem:s6+$0x0];
	_ =	sdelay $0x4  }
0xa1: {  	v2 =	vadd.f32 v2, v6  }
0xa2: {  	v10 =	vld [tilespmem:s4+$0xC080];
	v4 =	vadd.f32 v4, v6  }
0xa3: {  	v8 =	vadd.f32 v8, v6;
	[tilespmem:s4+$0xD080] =	vst v2  }
0xa4: {  	v14 =	vld [tilespmem:s4+$0x11000];
	v1 =	vadd.f32 v1, v6;
	[tilespmem:s4+$0xE080] =	vst v4  }
0xa5: {  	v11 =	vld [tilespmem:s4+$0xE000];
	v0 =	vadd.f32 v0, v6;
	[tilespmem:s4+$0xB000] =	vst v8  }
0xa6: {  	v2 =	vadd.f32 v5, v6;
	[tilespmem:s4+$0xB080] =	vst v1  }
0xa7: {  	v16 =	vld [tilespmem:s4+$0xC000];
	v1 =	vadd.f32 v10, v6;
	[tilespmem:s4+$0xA080] =	vst v0  }
0xa8: {  	v15 =	vld [tilespmem:s4+$0xD000];
	v0 =	vadd.f32 v7, v6;
	[tilespmem:s4+$0xF000] =	vst v2  }
0xa9: {  	v2 =	vadd.f32 v14, v6;
	[tilespmem:s4+$0xC080] =	vst v1  }
0xaa: {  	v13 =	vld [tilespmem:s4+$0x10000];
	v1 =	vadd.f32 v11, v6;
	[tilespmem:s4+$0xA000] =	vst v0  }
0xab: {  	v12 =	vld [tilespmem:s4+$0xF080];
	v0 =	vadd.f32 v9, v6;
	[tilespmem:s4+$0x11000] =	vst v2  }
0xac: {  	v2 =	vadd.f32 v16, v6;
	[tilespmem:s4+$0xE000] =	vst v1  }
0xad: {  	v1 =	vadd.f32 v15, v6;
	[tilespmem:s4+$0x10080] =	vst v0  }
0xae: {  	[tilespmem:s4+$0xC000] =	vst v2;
	v2 =	vadd.f32 v3, v6  }
0xaf: {  	[tilespmem:s4+$0xD000] =	vst v1;
	v1 =	vadd.f32 v13, v6  }
0xb0: {  	[tilespmem:s4+$0x11080] =	vst v2;
	v2 =	vadd.f32 v12, v6  }
0xb1: {  	[tilespmem:s4+$0x10000] =	vst v1  }
0xb2: {  	s1 =	simm.s32 $0x0;
	[tilespmem:s4+$0xF080] =	vst v2  }
0xb3: {  	[hbm4b:s9+s1] =	stream.linear.scatter [tilespmem:s23], [sflag:$0x5], $0x8000, $0x38;
	[tilespmem:$0x1A000] =	vst v63  }
0xb4: {  	_ =	swait.ge [sflag:s29], $0x8000  }
0xb5: {  	[sflag:s29] =	ssyncset.done $0x0  }
0xb6: {  	s6 =	simm.s32 $0x0;
	[sflag:s29] =	ssyncadd.s32 $0xFFFF8000  }
0xb7: {  	[tilespmem:s23], [sflag:$0x2] =	stream.linear.gather [hbm4b:s10+s1], $0x8000, $0x38;
	[tilespmem:$0x1A000] =	vst v63  }
0xb8: {  	s7 =	sand.u32 $0x70, s1;
	s2 =	sand.u32 $0x3FFFFF00, s6;
	_ =	swait.ge [sflag:s30], $0x8000  }
0xb9: {  	s5 =	simm.s32 $0x0;
	s2 =	sor.u32 s7, s2;
	[sflag:s30] =	ssyncset.done $0x0  }
0xba: {  	s5 =	sand.u32 $0x3FFFFE00, s5;
	s8 =	sadd.s32 $0x12000, s2;
	[sflag:s30] =	ssyncadd.s32 $0xFFFF8000  }
0xbb: {  	s4 =	sor.u32 s7, s5;
	v1 =	vld [tilespmem:s8+$0x80]  }
0xbc: {  	v0 =	vld [tilespmem:s4+$0x0];
	_ =	sdelay $0x3  }
0xbd: {  	v2 =	vld [tilespmem:s2+$0x12000]  }
0xbe: {  	v1 =	vadd.f32 v1, v0;
	_ =	sdelay $0x1  }
0xbf: {  	[tilespmem:s8+$0x80] =	vst v1  }
0xc0: {  	v5 =	vld [tilespmem:s2+$0x13080]  }
0xc1: {  	v2 =	vadd.f32 v2, v0;
	v4 =	vld [tilespmem:s2+$0x13000]  }
0xc2: {  	v3 =	vld [tilespmem:s2+$0x14000]  }
0xc3: {  	[tilespmem:s2+$0x12000] =	vst v2;
	v2 =	vld [tilespmem:s2+$0x14080]  }
0xc4: {  	s4 =	simm.s32 $0x1;
	v1 =	vld [tilespmem:s2+$0x15000]  }
.LBB2_6:
0xc5: {  	p0 =	sne.s32 s4, $0x7F  }
0xc6: {  	v5 =	vadd.f32 v5, v0;
	v6 =	vld [tilespmem:s2+$0x15080];
	s1 =	sadd.s32 $0x10, s1;
	s5 =	smov.u32 s4;
	s4 =	sadd.s32 $0x1, s4  }
0xc7: {  	v4 =	vadd.f32 v4, v0;
	v7 =	vld [tilespmem:s2+$0x16000]  }
0xc8: {  	[tilespmem:s2+$0x13080] =	vst v5;
	v3 =	vadd.f32 v3, v0;
	v5 =	vld [tilespmem:s2+$0x16080]  }
0xc9: {  	[tilespmem:s2+$0x13000] =	vst v4;
	v2 =	vadd.f32 v2, v0;
	v4 =	vld [tilespmem:s2+$0x17000]  }
0xca: {  	[tilespmem:s2+$0x14000] =	vst v3;
	v1 =	vadd.f32 v1, v0;
	v3 =	vld [tilespmem:s2+$0x17080]  }
0xcb: {  	[tilespmem:s2+$0x14080] =	vst v2;
	v2 =	vadd.f32 v6, v0;
	v6 =	vld [tilespmem:s2+$0x18000]  }
0xcc: {  	[tilespmem:s2+$0x15000] =	vst v1;
	v1 =	vadd.f32 v7, v0;
	v7 =	vld [tilespmem:s2+$0x18080]  }
0xcd: {  	[tilespmem:s2+$0x15080] =	vst v2;
	v2 =	vadd.f32 v5, v0;
	v5 =	vld [tilespmem:s2+$0x19000]  }
0xce: {  	[tilespmem:s2+$0x16000] =	vst v1;
	v1 =	vadd.f32 v4, v0;
	v4 =	vld [tilespmem:s2+$0x19080]  }
0xcf: {  	[tilespmem:s2+$0x16080] =	vst v2;
	v2 =	vadd.f32 v3, v0  }
0xd0: {  	[tilespmem:s2+$0x17000] =	vst v1;
	v1 =	vadd.f32 v6, v0  }
0xd1: {  	s6 =	sshll.u32 s5, $0x5;
	[tilespmem:s2+$0x17080] =	vst v2;
	v2 =	vadd.f32 v7, v0  }
0xd2: {  	s7 =	sand.u32 $0x70, s1;
	s6 =	sand.u32 $0x3FFFFF00, s6;
	[tilespmem:s2+$0x18000] =	vst v1;
	v1 =	vadd.f32 v5, v0  }
0xd3: {  	s5 =	sshll.u32 s5, $0x6;
	s6 =	sor.u32 s7, s6;
	[tilespmem:s2+$0x18080] =	vst v2;
	v0 =	vadd.f32 v4, v0  }
0xd4: {  	s5 =	sand.u32 $0x3FFFFE00, s5;
	s8 =	sadd.s32 $0x12000, s6;
	v2 =	vld [tilespmem:s6+$0x12000];
	[tilespmem:s2+$0x19000] =	vst v1  }
0xd5: {  	s5 =	sor.u32 s7, s5;
	[tilespmem:s2+$0x19080] =	vst v0;
	s2 =	smov.u32 s6  }
0xd6: {  	v1 =	vld [tilespmem:s8+$0x80]  }
0xd7: {  	v0 =	vld [tilespmem:s5+$0x0];
	_ =	sdelay $0x4  }
0xd8: {  	v2 =	vadd.f32 v2, v0;
	v1 =	vadd.f32 v1, v0;
	_ =	sdelay $0x1  }
0xd9: {  	[tilespmem:s8+$0x80] =	vst v1  }
.Ltmp2:
0xda: {  	[tilespmem:s2+$0x12000] =	vst v2;
	v5 =	vld [tilespmem:s2+$0x13080];
	(pc) =	sbr.rel @p0 .LBB2_6-.Ltmp2, $4  }
0xdb: {  	v4 =	vld [tilespmem:s2+$0x13000]  }
0xdc: {  	v3 =	vld [tilespmem:s2+$0x14000]  }
0xdd: {  	v2 =	vld [tilespmem:s2+$0x14080]  }
0xde: {  	v1 =	vld [tilespmem:s2+$0x15000]  }
0xdf: {  	v5 =	vadd.f32 v5, v0;
	v6 =	vld [tilespmem:s2+$0x15080]  }
0xe0: {  	v7 =	vld [tilespmem:s2+$0x16000];
	v4 =	vadd.f32 v4, v0  }
0xe1: {  	[tilespmem:s2+$0x13080] =	vst v5;
	v5 =	vld [tilespmem:s2+$0x16080];
	v3 =	vadd.f32 v3, v0  }
0xe2: {  	[tilespmem:s2+$0x13000] =	vst v4;
	v4 =	vld [tilespmem:s2+$0x17000];
	v2 =	vadd.f32 v2, v0  }
0xe3: {  	[tilespmem:s2+$0x14000] =	vst v3;
	v3 =	vld [tilespmem:s2+$0x17080];
	v1 =	vadd.f32 v1, v0  }
0xe4: {  	[tilespmem:s2+$0x14080] =	vst v2;
	v2 =	vld [tilespmem:s2+$0x18000];
	v6 =	vadd.f32 v6, v0  }
0xe5: {  	v7 =	vadd.f32 v7, v0;
	[tilespmem:s2+$0x15000] =	vst v1;
	v1 =	vld [tilespmem:s2+$0x18080]  }
0xe6: {  	[tilespmem:s2+$0x15080] =	vst v6;
	v6 =	vld [tilespmem:s2+$0x19000];
	v5 =	vadd.f32 v5, v0  }
0xe7: {  	[tilespmem:s2+$0x16000] =	vst v7;
	v7 =	vld [tilespmem:s2+$0x19080];
	v4 =	vadd.f32 v4, v0  }
0xe8: {  	[tilespmem:s2+$0x16080] =	vst v5;
	v3 =	vadd.f32 v3, v0  }
0xe9: {  	[tilespmem:s2+$0x17000] =	vst v4;
	v2 =	vadd.f32 v2, v0  }
0xea: {  	[tilespmem:s2+$0x17080] =	vst v3;
	v1 =	vadd.f32 v1, v0  }
0xeb: {  	[tilespmem:s2+$0x18000] =	vst v2;
	v2 =	vadd.f32 v6, v0  }
0xec: {  	v0 =	vadd.f32 v7, v0;
	[tilespmem:s2+$0x18080] =	vst v1  }
0xed: {  	[tilespmem:s2+$0x19000] =	vst v2  }
0xee: {  	s1 =	simm.s32 $0x0;
	[tilespmem:s2+$0x19080] =	vst v0  }
0xef: {  	[hbm4b:s11+s1] =	stream.linear.scatter [tilespmem:s24], [sflag:$0x6], $0x8000, $0x38;
	[tilespmem:$0x1A000] =	vst v63  }
0xf0: {  	_ =	swait.ge [sflag:s31], $0x8000  }
0xf1: {  	[sflag:s31] =	ssyncset.done $0x0  }
0xf2: {  	[sflag:s31] =	ssyncadd.s32 $0xFFFF8000  }
0xf3: {  	[tilespmem:s24], [sflag:$0x3] =	stream.linear.gather [hbm4b:s12+s1], $0x8000, $0x38;
	[tilespmem:$0x1A000] =	vst v63  }
0xf4: {  	s7 =	simm.s32 $0x0;
	_ =	swait.ge [sflag:s25], $0x8000  }
0xf5: {  	s2 =	sand.u32 $0x3FFFFF00, s7;
	s1 =	sand.u32 $0x70, s1;
	[sflag:s25] =	ssyncset.done $0x0  }
0xf6: {  	s2 =	sor.u32 s1, s2;
	[sflag:s25] =	ssyncadd.s32 $0xFFFF8000  }
0xf7: {  	s4 =	simm.s32 $0x0;
	v0 =	vld [tilespmem:s2+$0x5080]  }
0xf8: {  	s4 =	sand.u32 $0x3FFFFE00, s4;
	v1 =	vld [tilespmem:s2+$0x6080]  }
0xf9: {  	s1 =	sor.u32 s1, s4;
	v2 =	vld [tilespmem:s2+$0x3080]  }
0xfa: {  	v9 =	vld [tilespmem:s1+$0x0]  }
0xfb: {  	v3 =	vld [tilespmem:s2+$0x7000]  }
0xfc: {  	v6 =	vld [tilespmem:s2+$0x3000]  }
0xfd: {  	v4 =	vld [tilespmem:s2+$0x2080]  }
0xfe: {  	v5 =	vld [tilespmem:s2+$0x9080]  }
0xff: {  	v14 =	vld [tilespmem:s2+$0x9000];
	v0 =	vadd.f32 v0, v9  }
0x100: {  	v10 =	vld [tilespmem:s2+$0x4080];
	v1 =	vadd.f32 v1, v9  }
0x101: {  	v7 =	vld [tilespmem:s2+$0x8080];
	v6 =	vadd.f32 v6, v9;
	[tilespmem:s2+$0x5080] =	vst v0  }
0x102: {  	v16 =	vld [tilespmem:s2+$0x4000];
	v0 =	vadd.f32 v3, v9;
	[tilespmem:s2+$0x6080] =	vst v1  }
0x103: {  	v11 =	vld [tilespmem:s2+$0x6000];
	v1 =	vadd.f32 v2, v9;
	[tilespmem:s2+$0x3000] =	vst v6  }
0x104: {  	v8 =	vld [tilespmem:s2+$0x2000];
	[tilespmem:s2+$0x7000] =	vst v0;
	v0 =	vadd.f32 v14, v9  }
0x105: {  	s8 =	simm.s32 $0x20;
	v12 =	vld [tilespmem:s2+$0x7080];
	s1 =	simm.s32 $0x10;
	[tilespmem:s2+$0x3080] =	vst v1;
	v1 =	vadd.f32 v10, v9  }
0x106: {  	s4 =	sand.u32 $0x3FFFFF00, s8;
	v15 =	vld [tilespmem:s2+$0x5000];
	s6 =	sand.u32 $0x70, s1;
	[tilespmem:s2+$0x9000] =	vst v0;
	v0 =	vadd.f32 v4, v9  }
0x107: {  	v13 =	vld [tilespmem:s2+$0x8000];
	s4 =	sor.u32 s6, s4;
	[tilespmem:s2+$0x4080] =	vst v1;
	v1 =	vadd.f32 v16, v9  }
0x108: {  	v2 =	vld [tilespmem:s4+$0x5080];
	[tilespmem:s2+$0x2080] =	vst v0;
	v0 =	vadd.f32 v11, v9  }
0x109: {  	v3 =	vadd.f32 v8, v9;
	v4 =	vld [tilespmem:s4+$0x6080];
	[tilespmem:s2+$0x4000] =	vst v1  }
0x10a: {  	v6 =	vadd.f32 v5, v9;
	v1 =	vld [tilespmem:s4+$0x3080];
	[tilespmem:s2+$0x6000] =	vst v0  }
0x10b: {  	v8 =	vadd.f32 v15, v9;
	v5 =	vld [tilespmem:s4+$0x7000];
	[tilespmem:s2+$0x2000] =	vst v3  }
0x10c: {  	s5 =	simm.s32 $0x40;
	v10 =	vadd.f32 v7, v9;
	v0 =	vld [tilespmem:s4+$0x2080];
	[tilespmem:s2+$0x9080] =	vst v6  }
0x10d: {  	s7 =	sand.u32 $0x3FFFFE00, s5;
	v3 =	vld [tilespmem:s4+$0x9080];
	[tilespmem:s2+$0x5000] =	vst v8  }
0x10e: {  	s5 =	simm.s32 $0x2;
	s6 =	sor.u32 s6, s7;
	v7 =	vadd.f32 v12, v9;
	v6 =	vadd.f32 v13, v9;
	v8 =	vld [tilespmem:s4+$0x3000];
	[tilespmem:s2+$0x8080] =	vst v10  }
.LBB2_8:
0x10f: {  	p0 =	sne.s32 s5, $0x7F  }
0x110: {  	v9 =	vld [tilespmem:s4+$0x8080];
	s1 =	sadd.s32 $0x10, s1;
	[tilespmem:s2+$0x7080] =	vst v7;
	s7 =	smov.u32 s5;
	s5 =	sadd.s32 $0x1, s5  }
0x111: {  	v10 =	vld [tilespmem:s4+$0x2000];
	[tilespmem:s2+$0x8000] =	vst v6;
	s2 =	smov.u32 s4  }
0x112: {  	v11 =	vld [tilespmem:s6+$0x0]  }
0x113: {  	v12 =	vld [tilespmem:s2+$0x4080]  }
0x114: {  	v6 =	vld [tilespmem:s2+$0x6000]  }
0x115: {  	v7 =	vld [tilespmem:s2+$0x7080]  }
0x116: {  	v13 =	vld [tilespmem:s2+$0x8000]  }
0x117: {  	v2 =	vadd.f32 v2, v11;
	v4 =	vadd.f32 v4, v11;
	v14 =	vld [tilespmem:s2+$0x9000]  }
0x118: {  	v5 =	vadd.f32 v5, v11;
	v3 =	vadd.f32 v3, v11;
	v15 =	vld [tilespmem:s2+$0x5000]  }
0x119: {  	v8 =	vadd.f32 v8, v11;
	v1 =	vadd.f32 v1, v11;
	v16 =	vld [tilespmem:s2+$0x4000];
	[tilespmem:s2+$0x5080] =	vst v2  }
0x11a: {  	v9 =	vadd.f32 v9, v11;
	[tilespmem:s2+$0x6080] =	vst v4;
	v7 =	vadd.f32 v7, v11  }
0x11b: {  	[tilespmem:s2+$0x3000] =	vst v8;
	v8 =	vadd.f32 v6, v11;
	v6 =	vadd.f32 v13, v11  }
0x11c: {  	v0 =	vadd.f32 v0, v11;
	[tilespmem:s2+$0x7000] =	vst v5;
	v2 =	vadd.f32 v14, v11  }
0x11d: {  	s4 =	sand.u32 $0x70, s1;
	s6 =	sshll.u32 s7, $0x6;
	s7 =	sshll.u32 s7, $0x5;
	[tilespmem:s2+$0x3080] =	vst v1;
	v1 =	vadd.f32 v12, v11;
	v12 =	vadd.f32 v15, v11  }
0x11e: {  	s6 =	sand.u32 $0x3FFFFE00, s6;
	s7 =	sand.u32 $0x3FFFFF00, s7;
	v10 =	vadd.f32 v10, v11;
	v5 =	vadd.f32 v16, v11;
	[tilespmem:s2+$0x9000] =	vst v2  }
0x11f: {  	s6 =	sor.u32 s4, s6;
	s4 =	sor.u32 s4, s7;
	[tilespmem:s2+$0x4080] =	vst v1  }
0x120: {  	v2 =	vld [tilespmem:s4+$0x5080];
	[tilespmem:s2+$0x2080] =	vst v0  }
0x121: {  	v4 =	vld [tilespmem:s4+$0x6080];
	[tilespmem:s2+$0x4000] =	vst v5  }
.Ltmp3:
0x122: {  	v1 =	vld [tilespmem:s4+$0x3080];
	[tilespmem:s2+$0x6000] =	vst v8;
	(pc) =	sbr.rel @p0 .LBB2_8-.Ltmp3, $4  }
0x123: {  	v5 =	vld [tilespmem:s4+$0x7000];
	[tilespmem:s2+$0x2000] =	vst v10  }
0x124: {  	v0 =	vld [tilespmem:s4+$0x2080];
	[tilespmem:s2+$0x9080] =	vst v3  }
0x125: {  	v3 =	vld [tilespmem:s4+$0x9080];
	[tilespmem:s2+$0x5000] =	vst v12  }
0x126: {  	v8 =	vld [tilespmem:s4+$0x3000];
	[tilespmem:s2+$0x8080] =	vst v9  }
0x127: {  	v9 =	vld [tilespmem:s4+$0x8080];
	[tilespmem:s2+$0x7080] =	vst v7  }
0x128: {  	v7 =	vld [tilespmem:s4+$0x2000];
	[tilespmem:s2+$0x8000] =	vst v6  }
0x129: {  	v6 =	vld [tilespmem:s6+$0x0];
	_ =	sdelay $0x4  }
0x12a: {  	v2 =	vadd.f32 v2, v6  }
0x12b: {  	v10 =	vld [tilespmem:s4+$0x4080];
	v4 =	vadd.f32 v4, v6  }
0x12c: {  	v8 =	vadd.f32 v8, v6;
	[tilespmem:s4+$0x5080] =	vst v2  }
0x12d: {  	v14 =	vld [tilespmem:s4+$0x9000];
	v1 =	vadd.f32 v1, v6;
	[tilespmem:s4+$0x6080] =	vst v4  }
0x12e: {  	v11 =	vld [tilespmem:s4+$0x6000];
	v0 =	vadd.f32 v0, v6;
	[tilespmem:s4+$0x3000] =	vst v8  }
0x12f: {  	v2 =	vadd.f32 v5, v6;
	[tilespmem:s4+$0x3080] =	vst v1  }
0x130: {  	v16 =	vld [tilespmem:s4+$0x4000];
	v1 =	vadd.f32 v10, v6;
	[tilespmem:s4+$0x2080] =	vst v0  }
0x131: {  	v15 =	vld [tilespmem:s4+$0x5000];
	v0 =	vadd.f32 v7, v6;
	[tilespmem:s4+$0x7000] =	vst v2  }
0x132: {  	v2 =	vadd.f32 v14, v6;
	[tilespmem:s4+$0x4080] =	vst v1  }
0x133: {  	v13 =	vld [tilespmem:s4+$0x8000];
	v1 =	vadd.f32 v11, v6;
	[tilespmem:s4+$0x2000] =	vst v0  }
0x134: {  	v12 =	vld [tilespmem:s4+$0x7080];
	v0 =	vadd.f32 v9, v6;
	[tilespmem:s4+$0x9000] =	vst v2  }
0x135: {  	v2 =	vadd.f32 v16, v6;
	[tilespmem:s4+$0x6000] =	vst v1  }
0x136: {  	v1 =	vadd.f32 v15, v6;
	[tilespmem:s4+$0x8080] =	vst v0  }
0x137: {  	[tilespmem:s4+$0x4000] =	vst v2;
	v2 =	vadd.f32 v3, v6  }
0x138: {  	[tilespmem:s4+$0x5000] =	vst v1;
	v1 =	vadd.f32 v13, v6  }
0x139: {  	[tilespmem:s4+$0x9080] =	vst v2;
	v2 =	vadd.f32 v12, v6  }
0x13a: {  	[tilespmem:s4+$0x8000] =	vst v1  }
0x13b: {  	s1 =	simm.s32 $0x0;
	[tilespmem:s4+$0x7080] =	vst v2  }
0x13c: {  	[hbm4b:s13+s1] =	stream.linear.scatter [tilespmem:s22], [sflag:$0x4], $0x8000, $0x38;
	[tilespmem:$0x1A000] =	vst v63  }
0x13d: {  	_ =	swait.ge [sflag:s26], $0x8000  }
0x13e: {  	[sflag:s26] =	ssyncset.done $0x0  }
0x13f: {  	[sflag:s26] =	ssyncadd.s32 $0xFFFF8000  }
0x140: {  	[tilespmem:s22], [sflag:$0x1] =	stream.linear.gather [hbm4b:s14+s1], $0x8000, $0x38;
	[tilespmem:$0x1A000] =	vst v63  }
0x141: {  	s5 =	simm.s32 $0x0;
	_ =	swait.ge [sflag:s28], $0x8000  }
0x142: {  	s2 =	sand.u32 $0x3FFFFF00, s5;
	s1 =	sand.u32 $0x70, s1;
	[sflag:s28] =	ssyncset.done $0x0  }
0x143: {  	s2 =	sor.u32 s1, s2;
	[sflag:s28] =	ssyncadd.s32 $0xFFFF8000  }
0x144: {  	s6 =	simm.s32 $0x0;
	v0 =	vld [tilespmem:s2+$0xD080]  }
0x145: {  	s4 =	sand.u32 $0x3FFFFE00, s6;
	v1 =	vld [tilespmem:s2+$0xE080]  }
0x146: {  	s1 =	sor.u32 s1, s4;
	v2 =	vld [tilespmem:s2+$0xB080]  }
0x147: {  	v9 =	vld [tilespmem:s1+$0x0]  }
0x148: {  	v3 =	vld [tilespmem:s2+$0xF000]  }
0x149: {  	v6 =	vld [tilespmem:s2+$0xB000]  }
0x14a: {  	v4 =	vld [tilespmem:s2+$0xA080]  }
0x14b: {  	v5 =	vld [tilespmem:s2+$0x11080]  }
0x14c: {  	v61 =	vld [tilespmem:s2+$0x11000];
	v0 =	vadd.f32 v0, v9  }
0x14d: {  	v10 =	vld [tilespmem:s2+$0xC080];
	v1 =	vadd.f32 v1, v9  }
0x14e: {  	v7 =	vld [tilespmem:s2+$0x10080];
	v6 =	vadd.f32 v6, v9;
	[tilespmem:s2+$0xD080] =	vst v0  }
0x14f: {  	v63 =	vld [tilespmem:s2+$0xC000];
	v0 =	vadd.f32 v3, v9;
	[tilespmem:s2+$0xE080] =	vst v1  }
0x150: {  	v11 =	vld [tilespmem:s2+$0xE000];
	v1 =	vadd.f32 v2, v9;
	[tilespmem:s2+$0xB000] =	vst v6  }
0x151: {  	v8 =	vld [tilespmem:s2+$0xA000];
	[tilespmem:s2+$0xF000] =	vst v0;
	v0 =	vadd.f32 v61, v9  }
0x152: {  	s7 =	simm.s32 $0x20;
	v59 =	vld [tilespmem:s2+$0xF080];
	s1 =	simm.s32 $0x10;
	[tilespmem:s2+$0xB080] =	vst v1;
	v1 =	vadd.f32 v10, v9  }
0x153: {  	s4 =	sand.u32 $0x3FFFFF00, s7;
	v62 =	vld [tilespmem:s2+$0xD000];
	s8 =	sand.u32 $0x70, s1;
	[tilespmem:s2+$0x11000] =	vst v0;
	v0 =	vadd.f32 v4, v9  }
0x154: {  	v60 =	vld [tilespmem:s2+$0x10000];
	s4 =	sor.u32 s8, s4;
	[tilespmem:s2+$0xC080] =	vst v1;
	v1 =	vadd.f32 v63, v9  }
0x155: {  	v2 =	vld [tilespmem:s4+$0xD080];
	[tilespmem:s2+$0xA080] =	vst v0;
	v0 =	vadd.f32 v11, v9  }
0x156: {  	v3 =	vadd.f32 v8, v9;
	v4 =	vld [tilespmem:s4+$0xE080];
	[tilespmem:s2+$0xC000] =	vst v1  }
0x157: {  	v6 =	vadd.f32 v5, v9;
	v1 =	vld [tilespmem:s4+$0xB080];
	[tilespmem:s2+$0xE000] =	vst v0  }
0x158: {  	v8 =	vadd.f32 v62, v9;
	v5 =	vld [tilespmem:s4+$0xF000];
	[tilespmem:s2+$0xA000] =	vst v3  }
0x159: {  	s5 =	simm.s32 $0x40;
	v10 =	vadd.f32 v7, v9;
	v0 =	vld [tilespmem:s4+$0xA080];
	[tilespmem:s2+$0x11080] =	vst v6  }
0x15a: {  	s7 =	sand.u32 $0x3FFFFE00, s5;
	v3 =	vld [tilespmem:s4+$0x11080];
	[tilespmem:s2+$0xD000] =	vst v8  }
0x15b: {  	s5 =	simm.s32 $0x2;
	s6 =	sor.u32 s8, s7;
	v7 =	vadd.f32 v59, v9;
	v6 =	vadd.f32 v60, v9;
	v8 =	vld [tilespmem:s4+$0xB000];
	[tilespmem:s2+$0x10080] =	vst v10  }
.LBB2_10:
0x15c: {  	p0 =	sne.s32 s5, $0x7F  }
0x15d: {  	v9 =	vld [tilespmem:s4+$0x10080];
	s1 =	sadd.s32 $0x10, s1;
	[tilespmem:s2+$0xF080] =	vst v7;
	s7 =	smov.u32 s5;
	s5 =	sadd.s32 $0x1, s5  }
0x15e: {  	v10 =	vld [tilespmem:s4+$0xA000];
	[tilespmem:s2+$0x10000] =	vst v6;
	s2 =	smov.u32 s4  }
0x15f: {  	v11 =	vld [tilespmem:s6+$0x0]  }
0x160: {  	v12 =	vld [tilespmem:s2+$0xC080]  }
0x161: {  	v6 =	vld [tilespmem:s2+$0xE000]  }
0x162: {  	v7 =	vld [tilespmem:s2+$0xF080]  }
0x163: {  	v13 =	vld [tilespmem:s2+$0x10000]  }
0x164: {  	v2 =	vadd.f32 v2, v11;
	v4 =	vadd.f32 v4, v11;
	v14 =	vld [tilespmem:s2+$0x11000]  }
0x165: {  	v5 =	vadd.f32 v5, v11;
	v3 =	vadd.f32 v3, v11;
	v15 =	vld [tilespmem:s2+$0xD000]  }
0x166: {  	v8 =	vadd.f32 v8, v11;
	v1 =	vadd.f32 v1, v11;
	v16 =	vld [tilespmem:s2+$0xC000];
	[tilespmem:s2+$0xD080] =	vst v2  }
0x167: {  	v9 =	vadd.f32 v9, v11;
	[tilespmem:s2+$0xE080] =	vst v4;
	v7 =	vadd.f32 v7, v11  }
0x168: {  	[tilespmem:s2+$0xB000] =	vst v8;
	v8 =	vadd.f32 v6, v11;
	v6 =	vadd.f32 v13, v11  }
0x169: {  	v0 =	vadd.f32 v0, v11;
	[tilespmem:s2+$0xF000] =	vst v5;
	v2 =	vadd.f32 v14, v11  }
0x16a: {  	s4 =	sand.u32 $0x70, s1;
	s6 =	sshll.u32 s7, $0x6;
	s7 =	sshll.u32 s7, $0x5;
	[tilespmem:s2+$0xB080] =	vst v1;
	v1 =	vadd.f32 v12, v11;
	v12 =	vadd.f32 v15, v11  }
0x16b: {  	s6 =	sand.u32 $0x3FFFFE00, s6;
	s7 =	sand.u32 $0x3FFFFF00, s7;
	v10 =	vadd.f32 v10, v11;
	v5 =	vadd.f32 v16, v11;
	[tilespmem:s2+$0x11000] =	vst v2  }
0x16c: {  	s6 =	sor.u32 s4, s6;
	s4 =	sor.u32 s4, s7;
	[tilespmem:s2+$0xC080] =	vst v1  }
0x16d: {  	v2 =	vld [tilespmem:s4+$0xD080];
	[tilespmem:s2+$0xA080] =	vst v0  }
0x16e: {  	v4 =	vld [tilespmem:s4+$0xE080];
	[tilespmem:s2+$0xC000] =	vst v5  }
.Ltmp4:
0x16f: {  	v1 =	vld [tilespmem:s4+$0xB080];
	[tilespmem:s2+$0xE000] =	vst v8;
	(pc) =	sbr.rel @p0 .LBB2_10-.Ltmp4, $4  }
0x170: {  	v5 =	vld [tilespmem:s4+$0xF000];
	[tilespmem:s2+$0xA000] =	vst v10  }
0x171: {  	v0 =	vld [tilespmem:s4+$0xA080];
	[tilespmem:s2+$0x11080] =	vst v3  }
0x172: {  	v3 =	vld [tilespmem:s4+$0x11080];
	[tilespmem:s2+$0xD000] =	vst v12  }
0x173: {  	v8 =	vld [tilespmem:s4+$0xB000];
	[tilespmem:s2+$0x10080] =	vst v9  }
0x174: {  	v9 =	vld [tilespmem:s4+$0x10080];
	[tilespmem:s2+$0xF080] =	vst v7  }
0x175: {  	v7 =	vld [tilespmem:s4+$0xA000];
	[tilespmem:s2+$0x10000] =	vst v6  }
0x176: {  	v6 =	vld [tilespmem:s6+$0x0];
	_ =	sdelay $0x4  }
0x177: {  	v2 =	vadd.f32 v2, v6  }
0x178: {  	v10 =	vld [tilespmem:s4+$0xC080];
	v4 =	vadd.f32 v4, v6  }
0x179: {  	v8 =	vadd.f32 v8, v6;
	[tilespmem:s4+$0xD080] =	vst v2  }
0x17a: {  	v14 =	vld [tilespmem:s4+$0x11000];
	v1 =	vadd.f32 v1, v6;
	[tilespmem:s4+$0xE080] =	vst v4  }
0x17b: {  	v11 =	vld [tilespmem:s4+$0xE000];
	v0 =	vadd.f32 v0, v6;
	[tilespmem:s4+$0xB000] =	vst v8  }
0x17c: {  	v2 =	vadd.f32 v5, v6;
	[tilespmem:s4+$0xB080] =	vst v1  }
0x17d: {  	v16 =	vld [tilespmem:s4+$0xC000];
	v1 =	vadd.f32 v10, v6;
	[tilespmem:s4+$0xA080] =	vst v0  }
0x17e: {  	v15 =	vld [tilespmem:s4+$0xD000];
	v0 =	vadd.f32 v7, v6;
	[tilespmem:s4+$0xF000] =	vst v2  }
0x17f: {  	v2 =	vadd.f32 v14, v6;
	[tilespmem:s4+$0xC080] =	vst v1  }
0x180: {  	v13 =	vld [tilespmem:s4+$0x10000];
	v1 =	vadd.f32 v11, v6;
	[tilespmem:s4+$0xA000] =	vst v0  }
0x181: {  	v12 =	vld [tilespmem:s4+$0xF080];
	v0 =	vadd.f32 v9, v6;
	[tilespmem:s4+$0x11000] =	vst v2  }
0x182: {  	v2 =	vadd.f32 v16, v6;
	[tilespmem:s4+$0xE000] =	vst v1  }
0x183: {  	v1 =	vadd.f32 v15, v6;
	[tilespmem:s4+$0x10080] =	vst v0  }
0x184: {  	[tilespmem:s4+$0xC000] =	vst v2;
	v2 =	vadd.f32 v3, v6  }
0x185: {  	[tilespmem:s4+$0xD000] =	vst v1;
	v1 =	vadd.f32 v13, v6  }
0x186: {  	[tilespmem:s4+$0x11080] =	vst v2;
	v2 =	vadd.f32 v12, v6  }
0x187: {  	[tilespmem:s4+$0x10000] =	vst v1  }
0x188: {  	s1 =	simm.s32 $0x0;
	[tilespmem:s4+$0xF080] =	vst v2  }
0x189: {  	[hbm4b:s15+s1] =	stream.linear.scatter [tilespmem:s23], [sflag:$0x5], $0x8000, $0x38;
	[tilespmem:$0x1A000] =	vst v63  }
0x18a: {  	_ =	swait.ge [sflag:s29], $0x8000  }
0x18b: {  	[sflag:s29] =	ssyncset.done $0x0  }
0x18c: {  	s6 =	simm.s32 $0x0;
	[sflag:s29] =	ssyncadd.s32 $0xFFFF8000  }
0x18d: {  	[tilespmem:s23], [sflag:$0x2] =	stream.linear.gather [hbm4b:s16+s1], $0x8000, $0x38;
	[tilespmem:$0x1A000] =	vst v63  }
0x18e: {  	s7 =	sand.u32 $0x70, s1;
	s2 =	sand.u32 $0x3FFFFF00, s6;
	_ =	swait.ge [sflag:s30], $0x8000  }
0x18f: {  	s5 =	simm.s32 $0x0;
	s2 =	sor.u32 s7, s2;
	[sflag:s30] =	ssyncset.done $0x0  }
0x190: {  	s5 =	sand.u32 $0x3FFFFE00, s5;
	s8 =	sadd.s32 $0x12000, s2;
	[sflag:s30] =	ssyncadd.s32 $0xFFFF8000  }
0x191: {  	s4 =	sor.u32 s7, s5;
	v1 =	vld [tilespmem:s8+$0x80]  }
0x192: {  	v0 =	vld [tilespmem:s4+$0x0];
	_ =	sdelay $0x3  }
0x193: {  	v2 =	vld [tilespmem:s2+$0x12000]  }
0x194: {  	v1 =	vadd.f32 v1, v0;
	_ =	sdelay $0x1  }
0x195: {  	[tilespmem:s8+$0x80] =	vst v1  }
0x196: {  	v5 =	vld [tilespmem:s2+$0x13080]  }
0x197: {  	v2 =	vadd.f32 v2, v0;
	v4 =	vld [tilespmem:s2+$0x13000]  }
0x198: {  	v3 =	vld [tilespmem:s2+$0x14000]  }
0x199: {  	[tilespmem:s2+$0x12000] =	vst v2;
	v2 =	vld [tilespmem:s2+$0x14080]  }
0x19a: {  	s4 =	simm.s32 $0x1;
	v1 =	vld [tilespmem:s2+$0x15000]  }
.LBB2_12:
0x19b: {  	p0 =	sne.s32 s4, $0x7F  }
0x19c: {  	v5 =	vadd.f32 v5, v0;
	v6 =	vld [tilespmem:s2+$0x15080];
	s1 =	sadd.s32 $0x10, s1;
	s5 =	smov.u32 s4;
	s4 =	sadd.s32 $0x1, s4  }
0x19d: {  	v4 =	vadd.f32 v4, v0;
	v7 =	vld [tilespmem:s2+$0x16000]  }
0x19e: {  	[tilespmem:s2+$0x13080] =	vst v5;
	v3 =	vadd.f32 v3, v0;
	v5 =	vld [tilespmem:s2+$0x16080]  }
0x19f: {  	[tilespmem:s2+$0x13000] =	vst v4;
	v2 =	vadd.f32 v2, v0;
	v4 =	vld [tilespmem:s2+$0x17000]  }
0x1a0: {  	[tilespmem:s2+$0x14000] =	vst v3;
	v1 =	vadd.f32 v1, v0;
	v3 =	vld [tilespmem:s2+$0x17080]  }
0x1a1: {  	[tilespmem:s2+$0x14080] =	vst v2;
	v2 =	vadd.f32 v6, v0;
	v6 =	vld [tilespmem:s2+$0x18000]  }
0x1a2: {  	[tilespmem:s2+$0x15000] =	vst v1;
	v1 =	vadd.f32 v7, v0;
	v7 =	vld [tilespmem:s2+$0x18080]  }
0x1a3: {  	[tilespmem:s2+$0x15080] =	vst v2;
	v2 =	vadd.f32 v5, v0;
	v5 =	vld [tilespmem:s2+$0x19000]  }
0x1a4: {  	[tilespmem:s2+$0x16000] =	vst v1;
	v1 =	vadd.f32 v4, v0;
	v4 =	vld [tilespmem:s2+$0x19080]  }
0x1a5: {  	[tilespmem:s2+$0x16080] =	vst v2;
	v2 =	vadd.f32 v3, v0  }
0x1a6: {  	[tilespmem:s2+$0x17000] =	vst v1;
	v1 =	vadd.f32 v6, v0  }
0x1a7: {  	s6 =	sshll.u32 s5, $0x5;
	[tilespmem:s2+$0x17080] =	vst v2;
	v2 =	vadd.f32 v7, v0  }
0x1a8: {  	s7 =	sand.u32 $0x70, s1;
	s6 =	sand.u32 $0x3FFFFF00, s6;
	[tilespmem:s2+$0x18000] =	vst v1;
	v1 =	vadd.f32 v5, v0  }
0x1a9: {  	s5 =	sshll.u32 s5, $0x6;
	s6 =	sor.u32 s7, s6;
	[tilespmem:s2+$0x18080] =	vst v2;
	v0 =	vadd.f32 v4, v0  }
0x1aa: {  	s5 =	sand.u32 $0x3FFFFE00, s5;
	s8 =	sadd.s32 $0x12000, s6;
	v2 =	vld [tilespmem:s6+$0x12000];
	[tilespmem:s2+$0x19000] =	vst v1  }
0x1ab: {  	s5 =	sor.u32 s7, s5;
	[tilespmem:s2+$0x19080] =	vst v0;
	s2 =	smov.u32 s6  }
0x1ac: {  	v1 =	vld [tilespmem:s8+$0x80]  }
0x1ad: {  	v0 =	vld [tilespmem:s5+$0x0];
	_ =	sdelay $0x4  }
0x1ae: {  	v2 =	vadd.f32 v2, v0;
	v1 =	vadd.f32 v1, v0;
	_ =	sdelay $0x1  }
0x1af: {  	[tilespmem:s8+$0x80] =	vst v1  }
.Ltmp5:
0x1b0: {  	[tilespmem:s2+$0x12000] =	vst v2;
	v5 =	vld [tilespmem:s2+$0x13080];
	(pc) =	sbr.rel @p0 .LBB2_12-.Ltmp5, $4  }
0x1b1: {  	v4 =	vld [tilespmem:s2+$0x13000]  }
0x1b2: {  	v3 =	vld [tilespmem:s2+$0x14000]  }
0x1b3: {  	v2 =	vld [tilespmem:s2+$0x14080]  }
0x1b4: {  	v1 =	vld [tilespmem:s2+$0x15000]  }
0x1b5: {  	v5 =	vadd.f32 v5, v0;
	v6 =	vld [tilespmem:s2+$0x15080]  }
0x1b6: {  	v7 =	vld [tilespmem:s2+$0x16000];
	v4 =	vadd.f32 v4, v0  }
0x1b7: {  	[tilespmem:s2+$0x13080] =	vst v5;
	v5 =	vld [tilespmem:s2+$0x16080];
	v3 =	vadd.f32 v3, v0  }
0x1b8: {  	[tilespmem:s2+$0x13000] =	vst v4;
	v4 =	vld [tilespmem:s2+$0x17000];
	v2 =	vadd.f32 v2, v0  }
0x1b9: {  	[tilespmem:s2+$0x14000] =	vst v3;
	v3 =	vld [tilespmem:s2+$0x17080];
	v1 =	vadd.f32 v1, v0  }
0x1ba: {  	[tilespmem:s2+$0x14080] =	vst v2;
	v2 =	vld [tilespmem:s2+$0x18000];
	v6 =	vadd.f32 v6, v0  }
0x1bb: {  	v7 =	vadd.f32 v7, v0;
	[tilespmem:s2+$0x15000] =	vst v1;
	v1 =	vld [tilespmem:s2+$0x18080]  }
0x1bc: {  	[tilespmem:s2+$0x15080] =	vst v6;
	v6 =	vld [tilespmem:s2+$0x19000];
	v5 =	vadd.f32 v5, v0  }
0x1bd: {  	[tilespmem:s2+$0x16000] =	vst v7;
	v7 =	vld [tilespmem:s2+$0x19080];
	v4 =	vadd.f32 v4, v0  }
0x1be: {  	[tilespmem:s2+$0x16080] =	vst v5;
	v3 =	vadd.f32 v3, v0  }
0x1bf: {  	[tilespmem:s2+$0x17000] =	vst v4;
	v2 =	vadd.f32 v2, v0  }
0x1c0: {  	[tilespmem:s2+$0x17080] =	vst v3;
	v1 =	vadd.f32 v1, v0  }
0x1c1: {  	[tilespmem:s2+$0x18000] =	vst v2;
	v2 =	vadd.f32 v6, v0  }
0x1c2: {  	v0 =	vadd.f32 v7, v0;
	[tilespmem:s2+$0x18080] =	vst v1  }
0x1c3: {  	[tilespmem:s2+$0x19000] =	vst v2  }
0x1c4: {  	s1 =	simm.s32 $0x0;
	[tilespmem:s2+$0x19080] =	vst v0  }
0x1c5: {  	[hbm4b:s17+s1] =	stream.linear.scatter [tilespmem:s24], [sflag:$0x6], $0x8000, $0x38;
	[tilespmem:$0x1A000] =	vst v63  }
0x1c6: {  	s7 =	simm.s32 $0x0;
	_ =	swait.ge [sflag:s25], $0x8000  }
0x1c7: {  	s2 =	sand.u32 $0x3FFFFF00, s7;
	s1 =	sand.u32 $0x70, s1;
	[sflag:s25] =	ssyncset.done $0x0  }
0x1c8: {  	s2 =	sor.u32 s1, s2;
	[sflag:s25] =	ssyncadd.s32 $0xFFFF8000  }
0x1c9: {  	s4 =	simm.s32 $0x0;
	v0 =	vld [tilespmem:s2+$0x5080]  }
0x1ca: {  	s4 =	sand.u32 $0x3FFFFE00, s4;
	v1 =	vld [tilespmem:s2+$0x6080]  }
0x1cb: {  	s1 =	sor.u32 s1, s4;
	v2 =	vld [tilespmem:s2+$0x3080]  }
0x1cc: {  	v9 =	vld [tilespmem:s1+$0x0]  }
0x1cd: {  	v3 =	vld [tilespmem:s2+$0x7000]  }
0x1ce: {  	v6 =	vld [tilespmem:s2+$0x3000]  }
0x1cf: {  	v4 =	vld [tilespmem:s2+$0x2080]  }
0x1d0: {  	v5 =	vld [tilespmem:s2+$0x9080]  }
0x1d1: {  	v14 =	vld [tilespmem:s2+$0x9000];
	v0 =	vadd.f32 v0, v9  }
0x1d2: {  	v10 =	vld [tilespmem:s2+$0x4080];
	v1 =	vadd.f32 v1, v9  }
0x1d3: {  	v7 =	vld [tilespmem:s2+$0x8080];
	v6 =	vadd.f32 v6, v9;
	[tilespmem:s2+$0x5080] =	vst v0  }
0x1d4: {  	v16 =	vld [tilespmem:s2+$0x4000];
	v0 =	vadd.f32 v3, v9;
	[tilespmem:s2+$0x6080] =	vst v1  }
0x1d5: {  	v11 =	vld [tilespmem:s2+$0x6000];
	v1 =	vadd.f32 v2, v9;
	[tilespmem:s2+$0x3000] =	vst v6  }
0x1d6: {  	v8 =	vld [tilespmem:s2+$0x2000];
	[tilespmem:s2+$0x7000] =	vst v0;
	v0 =	vadd.f32 v14, v9  }
0x1d7: {  	s8 =	simm.s32 $0x20;
	v12 =	vld [tilespmem:s2+$0x7080];
	s1 =	simm.s32 $0x10;
	[tilespmem:s2+$0x3080] =	vst v1;
	v1 =	vadd.f32 v10, v9  }
0x1d8: {  	s4 =	sand.u32 $0x3FFFFF00, s8;
	v15 =	vld [tilespmem:s2+$0x5000];
	s6 =	sand.u32 $0x70, s1;
	[tilespmem:s2+$0x9000] =	vst v0;
	v0 =	vadd.f32 v4, v9  }
0x1d9: {  	v13 =	vld [tilespmem:s2+$0x8000];
	s4 =	sor.u32 s6, s4;
	[tilespmem:s2+$0x4080] =	vst v1;
	v1 =	vadd.f32 v16, v9  }
0x1da: {  	v2 =	vld [tilespmem:s4+$0x5080];
	[tilespmem:s2+$0x2080] =	vst v0;
	v0 =	vadd.f32 v11, v9  }
0x1db: {  	v3 =	vadd.f32 v8, v9;
	v4 =	vld [tilespmem:s4+$0x6080];
	[tilespmem:s2+$0x4000] =	vst v1  }
0x1dc: {  	v6 =	vadd.f32 v5, v9;
	v1 =	vld [tilespmem:s4+$0x3080];
	[tilespmem:s2+$0x6000] =	vst v0  }
0x1dd: {  	v8 =	vadd.f32 v15, v9;
	v5 =	vld [tilespmem:s4+$0x7000];
	[tilespmem:s2+$0x2000] =	vst v3  }
0x1de: {  	s5 =	simm.s32 $0x40;
	v10 =	vadd.f32 v7, v9;
	v0 =	vld [tilespmem:s4+$0x2080];
	[tilespmem:s2+$0x9080] =	vst v6  }
0x1df: {  	s7 =	sand.u32 $0x3FFFFE00, s5;
	v3 =	vld [tilespmem:s4+$0x9080];
	[tilespmem:s2+$0x5000] =	vst v8  }
0x1e0: {  	s5 =	simm.s32 $0x2;
	s6 =	sor.u32 s6, s7;
	v7 =	vadd.f32 v12, v9;
	v6 =	vadd.f32 v13, v9;
	v8 =	vld [tilespmem:s4+$0x3000];
	[tilespmem:s2+$0x8080] =	vst v10  }
.LBB2_14:
0x1e1: {  	p0 =	sne.s32 s5, $0x7F  }
0x1e2: {  	v9 =	vld [tilespmem:s4+$0x8080];
	s1 =	sadd.s32 $0x10, s1;
	[tilespmem:s2+$0x7080] =	vst v7;
	s7 =	smov.u32 s5;
	s5 =	sadd.s32 $0x1, s5  }
0x1e3: {  	v10 =	vld [tilespmem:s4+$0x2000];
	[tilespmem:s2+$0x8000] =	vst v6;
	s2 =	smov.u32 s4  }
0x1e4: {  	v11 =	vld [tilespmem:s6+$0x0]  }
0x1e5: {  	v12 =	vld [tilespmem:s2+$0x4080]  }
0x1e6: {  	v6 =	vld [tilespmem:s2+$0x6000]  }
0x1e7: {  	v7 =	vld [tilespmem:s2+$0x7080]  }
0x1e8: {  	v13 =	vld [tilespmem:s2+$0x8000]  }
0x1e9: {  	v2 =	vadd.f32 v2, v11;
	v4 =	vadd.f32 v4, v11;
	v14 =	vld [tilespmem:s2+$0x9000]  }
0x1ea: {  	v5 =	vadd.f32 v5, v11;
	v3 =	vadd.f32 v3, v11;
	v15 =	vld [tilespmem:s2+$0x5000]  }
0x1eb: {  	v8 =	vadd.f32 v8, v11;
	v1 =	vadd.f32 v1, v11;
	v16 =	vld [tilespmem:s2+$0x4000];
	[tilespmem:s2+$0x5080] =	vst v2  }
0x1ec: {  	v9 =	vadd.f32 v9, v11;
	[tilespmem:s2+$0x6080] =	vst v4;
	v7 =	vadd.f32 v7, v11  }
0x1ed: {  	[tilespmem:s2+$0x3000] =	vst v8;
	v8 =	vadd.f32 v6, v11;
	v6 =	vadd.f32 v13, v11  }
0x1ee: {  	v0 =	vadd.f32 v0, v11;
	[tilespmem:s2+$0x7000] =	vst v5;
	v2 =	vadd.f32 v14, v11  }
0x1ef: {  	s4 =	sand.u32 $0x70, s1;
	s6 =	sshll.u32 s7, $0x6;
	s7 =	sshll.u32 s7, $0x5;
	[tilespmem:s2+$0x3080] =	vst v1;
	v1 =	vadd.f32 v12, v11;
	v12 =	vadd.f32 v15, v11  }
0x1f0: {  	s6 =	sand.u32 $0x3FFFFE00, s6;
	s7 =	sand.u32 $0x3FFFFF00, s7;
	v10 =	vadd.f32 v10, v11;
	v5 =	vadd.f32 v16, v11;
	[tilespmem:s2+$0x9000] =	vst v2  }
0x1f1: {  	s6 =	sor.u32 s4, s6;
	s4 =	sor.u32 s4, s7;
	[tilespmem:s2+$0x4080] =	vst v1  }
0x1f2: {  	v2 =	vld [tilespmem:s4+$0x5080];
	[tilespmem:s2+$0x2080] =	vst v0  }
0x1f3: {  	v4 =	vld [tilespmem:s4+$0x6080];
	[tilespmem:s2+$0x4000] =	vst v5  }
.Ltmp6:
0x1f4: {  	v1 =	vld [tilespmem:s4+$0x3080];
	[tilespmem:s2+$0x6000] =	vst v8;
	(pc) =	sbr.rel @p0 .LBB2_14-.Ltmp6, $4  }
0x1f5: {  	v5 =	vld [tilespmem:s4+$0x7000];
	[tilespmem:s2+$0x2000] =	vst v10  }
0x1f6: {  	v0 =	vld [tilespmem:s4+$0x2080];
	[tilespmem:s2+$0x9080] =	vst v3  }
0x1f7: {  	v3 =	vld [tilespmem:s4+$0x9080];
	[tilespmem:s2+$0x5000] =	vst v12  }
0x1f8: {  	v8 =	vld [tilespmem:s4+$0x3000];
	[tilespmem:s2+$0x8080] =	vst v9  }
0x1f9: {  	v9 =	vld [tilespmem:s4+$0x8080];
	[tilespmem:s2+$0x7080] =	vst v7  }
0x1fa: {  	v7 =	vld [tilespmem:s4+$0x2000];
	[tilespmem:s2+$0x8000] =	vst v6  }
0x1fb: {  	v6 =	vld [tilespmem:s6+$0x0];
	_ =	sdelay $0x4  }
0x1fc: {  	v2 =	vadd.f32 v2, v6  }
0x1fd: {  	v10 =	vld [tilespmem:s4+$0x4080];
	v4 =	vadd.f32 v4, v6  }
0x1fe: {  	v8 =	vadd.f32 v8, v6;
	[tilespmem:s4+$0x5080] =	vst v2  }
0x1ff: {  	v14 =	vld [tilespmem:s4+$0x9000];
	v1 =	vadd.f32 v1, v6;
	[tilespmem:s4+$0x6080] =	vst v4  }
0x200: {  	v11 =	vld [tilespmem:s4+$0x6000];
	v0 =	vadd.f32 v0, v6;
	[tilespmem:s4+$0x3000] =	vst v8  }
0x201: {  	v2 =	vadd.f32 v5, v6;
	[tilespmem:s4+$0x3080] =	vst v1  }
0x202: {  	v16 =	vld [tilespmem:s4+$0x4000];
	v1 =	vadd.f32 v10, v6;
	[tilespmem:s4+$0x2080] =	vst v0  }
0x203: {  	v15 =	vld [tilespmem:s4+$0x5000];
	v0 =	vadd.f32 v7, v6;
	[tilespmem:s4+$0x7000] =	vst v2  }
0x204: {  	v2 =	vadd.f32 v14, v6;
	[tilespmem:s4+$0x4080] =	vst v1  }
0x205: {  	v13 =	vld [tilespmem:s4+$0x8000];
	v1 =	vadd.f32 v11, v6;
	[tilespmem:s4+$0x2000] =	vst v0  }
0x206: {  	v12 =	vld [tilespmem:s4+$0x7080];
	v0 =	vadd.f32 v9, v6;
	[tilespmem:s4+$0x9000] =	vst v2  }
0x207: {  	v2 =	vadd.f32 v16, v6;
	[tilespmem:s4+$0x6000] =	vst v1  }
0x208: {  	v1 =	vadd.f32 v15, v6;
	[tilespmem:s4+$0x8080] =	vst v0  }
0x209: {  	[tilespmem:s4+$0x4000] =	vst v2;
	v2 =	vadd.f32 v3, v6  }
0x20a: {  	[tilespmem:s4+$0x5000] =	vst v1;
	v1 =	vadd.f32 v13, v6  }
0x20b: {  	[tilespmem:s4+$0x9080] =	vst v2;
	v2 =	vadd.f32 v12, v6  }
0x20c: {  	[tilespmem:s4+$0x8000] =	vst v1  }
0x20d: {  	s1 =	simm.s32 $0x0;
	[tilespmem:s4+$0x7080] =	vst v2  }
0x20e: {  	[hbm4b:s18+s1] =	stream.linear.scatter [tilespmem:s22], [sflag:$0x4], $0x8000, $0x38;
	[tilespmem:$0x1A000] =	vst v63  }
0x20f: {  	s5 =	simm.s32 $0x0;
	_ =	swait.ge [sflag:s28], $0x8000  }
0x210: {  	s2 =	sand.u32 $0x3FFFFF00, s5;
	s1 =	sand.u32 $0x70, s1;
	[sflag:s28] =	ssyncset.done $0x0  }
0x211: {  	s2 =	sor.u32 s1, s2;
	[sflag:s28] =	ssyncadd.s32 $0xFFFF8000  }
0x212: {  	s6 =	simm.s32 $0x0;
	v0 =	vld [tilespmem:s2+$0xD080]  }
0x213: {  	s4 =	sand.u32 $0x3FFFFE00, s6;
	v1 =	vld [tilespmem:s2+$0xE080]  }
0x214: {  	s1 =	sor.u32 s1, s4;
	v2 =	vld [tilespmem:s2+$0xB080]  }
0x215: {  	v9 =	vld [tilespmem:s1+$0x0]  }
0x216: {  	v3 =	vld [tilespmem:s2+$0xF000]  }
0x217: {  	v6 =	vld [tilespmem:s2+$0xB000]  }
0x218: {  	v4 =	vld [tilespmem:s2+$0xA080]  }
0x219: {  	v5 =	vld [tilespmem:s2+$0x11080]  }
0x21a: {  	v61 =	vld [tilespmem:s2+$0x11000];
	v0 =	vadd.f32 v0, v9  }
0x21b: {  	v10 =	vld [tilespmem:s2+$0xC080];
	v1 =	vadd.f32 v1, v9  }
0x21c: {  	v7 =	vld [tilespmem:s2+$0x10080];
	v6 =	vadd.f32 v6, v9;
	[tilespmem:s2+$0xD080] =	vst v0  }
0x21d: {  	v63 =	vld [tilespmem:s2+$0xC000];
	v0 =	vadd.f32 v3, v9;
	[tilespmem:s2+$0xE080] =	vst v1  }
0x21e: {  	v11 =	vld [tilespmem:s2+$0xE000];
	v1 =	vadd.f32 v2, v9;
	[tilespmem:s2+$0xB000] =	vst v6  }
0x21f: {  	v8 =	vld [tilespmem:s2+$0xA000];
	[tilespmem:s2+$0xF000] =	vst v0;
	v0 =	vadd.f32 v61, v9  }
0x220: {  	s7 =	simm.s32 $0x20;
	v59 =	vld [tilespmem:s2+$0xF080];
	s1 =	simm.s32 $0x10;
	[tilespmem:s2+$0xB080] =	vst v1;
	v1 =	vadd.f32 v10, v9  }
0x221: {  	s4 =	sand.u32 $0x3FFFFF00, s7;
	v62 =	vld [tilespmem:s2+$0xD000];
	s8 =	sand.u32 $0x70, s1;
	[tilespmem:s2+$0x11000] =	vst v0;
	v0 =	vadd.f32 v4, v9  }
0x222: {  	v60 =	vld [tilespmem:s2+$0x10000];
	s4 =	sor.u32 s8, s4;
	[tilespmem:s2+$0xC080] =	vst v1;
	v1 =	vadd.f32 v63, v9  }
0x223: {  	v2 =	vld [tilespmem:s4+$0xD080];
	[tilespmem:s2+$0xA080] =	vst v0;
	v0 =	vadd.f32 v11, v9  }
0x224: {  	v3 =	vadd.f32 v8, v9;
	v4 =	vld [tilespmem:s4+$0xE080];
	[tilespmem:s2+$0xC000] =	vst v1  }
0x225: {  	v6 =	vadd.f32 v5, v9;
	v1 =	vld [tilespmem:s4+$0xB080];
	[tilespmem:s2+$0xE000] =	vst v0  }
0x226: {  	v8 =	vadd.f32 v62, v9;
	v5 =	vld [tilespmem:s4+$0xF000];
	[tilespmem:s2+$0xA000] =	vst v3  }
0x227: {  	s5 =	simm.s32 $0x40;
	v10 =	vadd.f32 v7, v9;
	v0 =	vld [tilespmem:s4+$0xA080];
	[tilespmem:s2+$0x11080] =	vst v6  }
0x228: {  	s7 =	sand.u32 $0x3FFFFE00, s5;
	v3 =	vld [tilespmem:s4+$0x11080];
	[tilespmem:s2+$0xD000] =	vst v8  }
0x229: {  	s5 =	simm.s32 $0x2;
	s6 =	sor.u32 s8, s7;
	v7 =	vadd.f32 v59, v9;
	v6 =	vadd.f32 v60, v9;
	v8 =	vld [tilespmem:s4+$0xB000];
	[tilespmem:s2+$0x10080] =	vst v10  }
.LBB2_16:
0x22a: {  	p0 =	sne.s32 s5, $0x7F  }
0x22b: {  	v9 =	vld [tilespmem:s4+$0x10080];
	s1 =	sadd.s32 $0x10, s1;
	[tilespmem:s2+$0xF080] =	vst v7;
	s7 =	smov.u32 s5;
	s5 =	sadd.s32 $0x1, s5  }
0x22c: {  	v10 =	vld [tilespmem:s4+$0xA000];
	[tilespmem:s2+$0x10000] =	vst v6;
	s2 =	smov.u32 s4  }
0x22d: {  	v11 =	vld [tilespmem:s6+$0x0]  }
0x22e: {  	v12 =	vld [tilespmem:s2+$0xC080]  }
0x22f: {  	v6 =	vld [tilespmem:s2+$0xE000]  }
0x230: {  	v7 =	vld [tilespmem:s2+$0xF080]  }
0x231: {  	v13 =	vld [tilespmem:s2+$0x10000]  }
0x232: {  	v2 =	vadd.f32 v2, v11;
	v4 =	vadd.f32 v4, v11;
	v14 =	vld [tilespmem:s2+$0x11000]  }
0x233: {  	v5 =	vadd.f32 v5, v11;
	v3 =	vadd.f32 v3, v11;
	v15 =	vld [tilespmem:s2+$0xD000]  }
0x234: {  	v8 =	vadd.f32 v8, v11;
	v1 =	vadd.f32 v1, v11;
	v16 =	vld [tilespmem:s2+$0xC000];
	[tilespmem:s2+$0xD080] =	vst v2  }
0x235: {  	v9 =	vadd.f32 v9, v11;
	[tilespmem:s2+$0xE080] =	vst v4;
	v7 =	vadd.f32 v7, v11  }
0x236: {  	[tilespmem:s2+$0xB000] =	vst v8;
	v8 =	vadd.f32 v6, v11;
	v6 =	vadd.f32 v13, v11  }
0x237: {  	v0 =	vadd.f32 v0, v11;
	[tilespmem:s2+$0xF000] =	vst v5;
	v2 =	vadd.f32 v14, v11  }
0x238: {  	s4 =	sand.u32 $0x70, s1;
	s6 =	sshll.u32 s7, $0x6;
	s7 =	sshll.u32 s7, $0x5;
	[tilespmem:s2+$0xB080] =	vst v1;
	v1 =	vadd.f32 v12, v11;
	v12 =	vadd.f32 v15, v11  }
0x239: {  	s6 =	sand.u32 $0x3FFFFE00, s6;
	s7 =	sand.u32 $0x3FFFFF00, s7;
	v10 =	vadd.f32 v10, v11;
	v5 =	vadd.f32 v16, v11;
	[tilespmem:s2+$0x11000] =	vst v2  }
0x23a: {  	s6 =	sor.u32 s4, s6;
	s4 =	sor.u32 s4, s7;
	[tilespmem:s2+$0xC080] =	vst v1  }
0x23b: {  	v2 =	vld [tilespmem:s4+$0xD080];
	[tilespmem:s2+$0xA080] =	vst v0  }
0x23c: {  	v4 =	vld [tilespmem:s4+$0xE080];
	[tilespmem:s2+$0xC000] =	vst v5  }
.Ltmp7:
0x23d: {  	v1 =	vld [tilespmem:s4+$0xB080];
	[tilespmem:s2+$0xE000] =	vst v8;
	(pc) =	sbr.rel @p0 .LBB2_16-.Ltmp7, $4  }
0x23e: {  	v5 =	vld [tilespmem:s4+$0xF000];
	[tilespmem:s2+$0xA000] =	vst v10  }
0x23f: {  	v0 =	vld [tilespmem:s4+$0xA080];
	[tilespmem:s2+$0x11080] =	vst v3  }
0x240: {  	v3 =	vld [tilespmem:s4+$0x11080];
	[tilespmem:s2+$0xD000] =	vst v12  }
0x241: {  	v8 =	vld [tilespmem:s4+$0xB000];
	[tilespmem:s2+$0x10080] =	vst v9  }
0x242: {  	v9 =	vld [tilespmem:s4+$0x10080];
	[tilespmem:s2+$0xF080] =	vst v7  }
0x243: {  	v7 =	vld [tilespmem:s4+$0xA000];
	[tilespmem:s2+$0x10000] =	vst v6  }
0x244: {  	v6 =	vld [tilespmem:s6+$0x0];
	_ =	sdelay $0x4  }
0x245: {  	v14 =	vld [tilespmem:s4+$0x11000];
	v2 =	vadd.f32 v2, v6  }
0x246: {  	v10 =	vld [tilespmem:s4+$0xC080];
	v4 =	vadd.f32 v4, v6  }
0x247: {  	v8 =	vadd.f32 v8, v6;
	[tilespmem:s4+$0xD080] =	vst v2  }
0x248: {  	v16 =	vld [tilespmem:s4+$0xC000];
	v53 =	vadd.f32 v5, v6;
	[tilespmem:s4+$0xE080] =	vst v4  }
0x249: {  	v11 =	vld [tilespmem:s4+$0xE000];
	v1 =	vadd.f32 v1, v6;
	[tilespmem:s4+$0xB000] =	vst v8  }
0x24a: {  	v54 =	vadd.f32 v14, v6;
	[tilespmem:s4+$0xF000] =	vst v53  }
0x24b: {  	v55 =	vadd.f32 v10, v6;
	[tilespmem:s4+$0xB080] =	vst v1  }
0x24c: {  	v15 =	vld [tilespmem:s4+$0xD000];
	v0 =	vadd.f32 v0, v6;
	[tilespmem:s4+$0x11000] =	vst v54  }
0x24d: {  	v56 =	vadd.f32 v16, v6;
	[tilespmem:s4+$0xC080] =	vst v55  }
0x24e: {  	v12 =	vld [tilespmem:s4+$0xF080];
	v57 =	vadd.f32 v11, v6;
	[tilespmem:s4+$0xA080] =	vst v0  }
0x24f: {  	v13 =	vld [tilespmem:s4+$0x10000];
	v58 =	vadd.f32 v7, v6;
	[tilespmem:s4+$0xC000] =	vst v56  }
0x250: {  	v59 =	vadd.f32 v3, v6;
	[tilespmem:s4+$0xE000] =	vst v57  }
0x251: {  	v60 =	vadd.f32 v15, v6;
	[tilespmem:s4+$0xA000] =	vst v58  }
0x252: {  	v61 =	vadd.f32 v9, v6;
	[tilespmem:s4+$0x11080] =	vst v59  }
0x253: {  	v62 =	vadd.f32 v12, v6;
	[tilespmem:s4+$0xD000] =	vst v60  }
0x254: {  	v63 =	vadd.f32 v13, v6;
	[tilespmem:s4+$0x10080] =	vst v61  }
0x255: {  	[tilespmem:s4+$0xF080] =	vst v62  }
0x256: {  	[tilespmem:s4+$0x10000] =	vst v63  }
0x257: {  	[hbm4b:s19+s3] =	stream.linear.scatter [tilespmem:s23], [sflag:$0x5], $0x8000, $0x38;
	[tilespmem:$0x1A000] =	vst v63  }
0x258: {  	_ =	swait.ge [sflag:s31], $0x8000  }
0x259: {  	[sflag:s31] =	ssyncset.done $0x0  }
0x25a: {  	s0 =	sadd.s32 $0x1, s0;
	[sflag:s31] =	ssyncadd.s32 $0xFFFF8000  }
0x25b: {  	p0 =	sne.s32 s0, s20;
	_ =	swait.ge [sflag:s26], $0x8000  }
.Ltmp8:
0x25c: {  	[sflag:s26] =	ssyncset.done $0x0;
	(pc) =	sbr.rel @p0 .LBB2_1-.Ltmp8, $4  }
0x25d: {  	[sflag:s26] =	ssyncadd.s32 $0xFFFF8000  }
0x25e: {  	_ =	swait.ge [sflag:s29], $0x8000  }
0x25f: {  	[sflag:s29] =	ssyncset.done $0x0  }
0x260: {  	[sflag:s29] =	ssyncadd.s32 $0xFFFF8000  }
0x261: {  	_ =	sfence.sel $0x180000  }
0x262: {  	[bflag:$0x0] =	sbarrier.arrive $0xFFFF  }
0x263: {  	_ =	strace $0x90000047  }
0x264: {  	s0 =	stileid.u32;
	[bflag:$0x2] =	sbarrier.arrive $0xFFFF  }
0x265: {  	p0 =	sne.s32 s0, $0x0;
	s0 =	rddreg [dreg:$0x3]  }
0x266: {  	s0 =	sadd.s32 @!p0 $0x100000, s0  }
0x267: {  	[sflag:s0] =	ssyncadd.tile.s32 @!p0 $0x1;
	_ =	shalt  }
.Lfunc_end2:
_tile_overlayer_lowered:
.L_overlay_start_2:
0x268: {  	(tag) =	ssettag $0x2  }
0x269: {  	s0 =	rddreg [dreg:$0x0];
	s2 =	stileid.u32  }
0x26a: {  	s1 =	rddreg [dreg:$0x1];
	p0 =	sne.s32 s2, $0x0  }
0x26b: {  	s3 =	rddreg [dreg:$0x2];
	[bflag:$0x3] =	sbarrier.arrive $0xFFFF;
	s2 =	simm.s32 @!p0 $0x1C07  }
0x26c: {  	[timem:s3], [sflag:s2] =	dma.local @!p0 [hbm:s0], s1  }
0x26d: {  	s0 =	simm.s32 @!p0 $0x7  }
0x26e: {  	_ =	swait.ge @!p0 [sflag:s0], s1  }
0x26f: {  	s1 =	ssub.s32 @!p0 $0x0, s1;
	[sflag:s0] =	ssyncset.done @!p0 $0x0  }
0x270: {  	[sflag:s0] =	ssyncadd.s32 @!p0 s1  }
0x271: {  	[bflag:$0x3] =	sbarrier.arrive $0xFFFF  }
0x272: {  	_ =	shalt  }

</sc_bundles>
